<compile_context>
chip_gen: v7x
topology: tpu7x:2x2x1
jax: 0.10.2.dev20260603
libtpu: 0.0.44.dev20260713+nightly
codegen_flags: <defaults>
</compile_context>

<pallas_src>
import jax
import jax.numpy as jnp
from jax import lax
from jax.experimental import pallas as pl
from jax.experimental.pallas import tpu as pltpu
from jax.experimental.pallas import tpu_sc as plsc

N = 10000
E = 320000
G = 128
NODE_DIM = 128
EDGE_DIM = 16
L = 3

_NC = 2
_NS = 16
_NW = _NC * _NS
CH = 1000
NCHUNK = E // CH
NJ = (NCHUNK + _NW - 1) // _NW
ROWS_PER_SUB = N // _NS
N8 = N // 8
E8 = E // 8



_BE = 2000
_NEB = E8 // _BE


def _embedproj_t0_body(nf8_ref, wat_ref, ba_ref, ws_ref, wd_ref, bs_ref,
                       bd_ref, ef_ref, w0_ref, b0_ref,
                       h8_ref, ps_ref, pd_ref, t_ref):
    i = pl.program_id(0)

    @pl.when(i == 0)
    def _node():
        nf8 = nf8_ref[...]
        h8_ref[...] = jnp.dot(nf8, wat_ref[...],
                              preferred_element_type=jnp.float32) + ba_ref[...]
        ps_ref[...] = jnp.dot(nf8, ws_ref[...],
                              preferred_element_type=jnp.float32) + bs_ref[...]
        pd_ref[...] = jnp.dot(nf8, wd_ref[...],
                              preferred_element_type=jnp.float32) + bd_ref[...]

    @pl.when(i > 0)
    def _edge():
        t_ref[...] = jnp.dot(ef_ref[...], w0_ref[...],
                             preferred_element_type=jnp.float32) + b0_ref[...]


def _embedproj_t0(nf8, wat_k, ba8, ws_c, wd_c, bs0, bd0, ef8, w0c, b0c):
    zz = lambda i: (0, 0)
    eb = lambda i: (jnp.maximum(i - 1, 0), 0)
    return pl.pallas_call(
        _embedproj_t0_body,
        grid=(1 + _NEB,),
        in_specs=[
            pl.BlockSpec((N8, 8 * NODE_DIM), zz),
            pl.BlockSpec((8 * NODE_DIM, 8 * NODE_DIM), zz),
            pl.BlockSpec((1, 8 * NODE_DIM), zz),
            pl.BlockSpec((8 * NODE_DIM, 8 * EDGE_DIM), zz),
            pl.BlockSpec((8 * NODE_DIM, 8 * EDGE_DIM), zz),
            pl.BlockSpec((1, 8 * EDGE_DIM), zz),
            pl.BlockSpec((1, 8 * EDGE_DIM), zz),
            pl.BlockSpec((_BE, 8 * EDGE_DIM), eb),
            pl.BlockSpec((8 * EDGE_DIM, 8 * EDGE_DIM), zz),
            pl.BlockSpec((1, 8 * EDGE_DIM), zz),
        ],
        out_specs=[
            pl.BlockSpec((N8, 8 * NODE_DIM), zz),
            pl.BlockSpec((N8, 8 * EDGE_DIM), zz),
            pl.BlockSpec((N8, 8 * EDGE_DIM), zz),
            pl.BlockSpec((_BE, 8 * EDGE_DIM), eb),
        ],
        out_shape=[
            jax.ShapeDtypeStruct((N8, 8 * NODE_DIM), jnp.float32),
            jax.ShapeDtypeStruct((N8, 8 * EDGE_DIM), jnp.float32),
            jax.ShapeDtypeStruct((N8, 8 * EDGE_DIM), jnp.float32),
            jax.ShapeDtypeStruct((E8, 8 * EDGE_DIM), jnp.float32),
        ],
    )(nf8, wat_k, ba8.reshape(1, -1), ws_c, wd_c,
      bs0.reshape(1, -1), bd0.reshape(1, -1), ef8, w0c, b0c.reshape(1, -1))


def _updproj_tmsg_body(h8_ref, agg8_ref, wh_ref, wa_ref, b_ref, ws_ref,
                       wd_ref, e8_ref, we_ref, be_ref,
                       o_ref, ps_ref, pd_ref, t_ref):
    i = pl.program_id(0)

    @pl.when(i == 0)
    def _node():
        a = agg8_ref[0] + agg8_ref[1]
        acc = jnp.dot(h8_ref[...], wh_ref[...],
                      preferred_element_type=jnp.float32)
        acc = acc + jnp.dot(a, wa_ref[...], preferred_element_type=jnp.float32)
        h8 = jnp.maximum(acc + b_ref[...], 0.0)
        o_ref[...] = h8
        ps_ref[...] = jnp.dot(h8, ws_ref[...],
                              preferred_element_type=jnp.float32)
        pd_ref[...] = jnp.dot(h8, wd_ref[...],
                              preferred_element_type=jnp.float32)

    @pl.when(i > 0)
    def _edge():
        t_ref[...] = jnp.dot(e8_ref[...], we_ref[...],
                             preferred_element_type=jnp.float32) + be_ref[...]


def _updproj_tmsg(h8, agg8, wh_k, wa_k, b8, ws_k, wd_k, e8, we_k, be8):
    zz = lambda i: (0, 0)
    eb = lambda i: (jnp.maximum(i - 1, 0), 0)
    return pl.pallas_call(
        _updproj_tmsg_body,
        grid=(1 + _NEB,),
        in_specs=[
            pl.BlockSpec((N8, 8 * NODE_DIM), zz),
            pl.BlockSpec((2, N8, 8 * EDGE_DIM), lambda i: (0, 0, 0)),
            pl.BlockSpec((8 * NODE_DIM, 8 * NODE_DIM), zz),
            pl.BlockSpec((8 * EDGE_DIM, 8 * NODE_DIM), zz),
            pl.BlockSpec((1, 8 * NODE_DIM), zz),
            pl.BlockSpec((8 * NODE_DIM, 8 * EDGE_DIM), zz),
            pl.BlockSpec((8 * NODE_DIM, 8 * EDGE_DIM), zz),
            pl.BlockSpec((_BE, 8 * EDGE_DIM), eb),
            pl.BlockSpec((8 * EDGE_DIM, 8 * EDGE_DIM), zz),
            pl.BlockSpec((1, 8 * EDGE_DIM), zz),
        ],
        out_specs=[
            pl.BlockSpec((N8, 8 * NODE_DIM), zz),
            pl.BlockSpec((N8, 8 * EDGE_DIM), zz),
            pl.BlockSpec((N8, 8 * EDGE_DIM), zz),
            pl.BlockSpec((_BE, 8 * EDGE_DIM), eb),
        ],
        out_shape=[
            jax.ShapeDtypeStruct((N8, 8 * NODE_DIM), jnp.float32),
            jax.ShapeDtypeStruct((N8, 8 * EDGE_DIM), jnp.float32),
            jax.ShapeDtypeStruct((N8, 8 * EDGE_DIM), jnp.float32),
            jax.ShapeDtypeStruct((E8, 8 * EDGE_DIM), jnp.float32),
        ],
    )(h8, agg8, wh_k, wa_k, b8.reshape(1, -1), ws_k, wd_k,
      e8, we_k, be8.reshape(1, -1))


def _node_update_body(h8_ref, agg8_ref, wh_ref, wa_ref, b_ref, o_ref):
    a = agg8_ref[0] + agg8_ref[1]
    acc = jnp.dot(h8_ref[...], wh_ref[...], preferred_element_type=jnp.float32)
    acc = acc + jnp.dot(a, wa_ref[...], preferred_element_type=jnp.float32)
    o_ref[...] = jnp.maximum(acc + b_ref[...], 0.0)


def _node_update(h8, agg8, wh_k, wa_k, b8):
    return pl.pallas_call(
        _node_update_body,
        grid=(1,),
        in_specs=[
            pl.BlockSpec((N8, 8 * NODE_DIM), lambda i: (0, 0)),
            pl.BlockSpec((2, N8, 8 * EDGE_DIM), lambda i: (0, 0, 0)),
            pl.BlockSpec((8 * NODE_DIM, 8 * NODE_DIM), lambda i: (0, 0)),
            pl.BlockSpec((8 * EDGE_DIM, 8 * NODE_DIM), lambda i: (0, 0)),
            pl.BlockSpec((1, 8 * NODE_DIM), lambda i: (0, 0)),
        ],
        out_specs=pl.BlockSpec((N8, 8 * NODE_DIM), lambda i: (0, 0)),
        out_shape=jax.ShapeDtypeStruct((N8, 8 * NODE_DIM), jnp.float32),
    )(h8, agg8, wh_k, wa_k, b8.reshape(1, -1))


def _readout_body(gi_ref, h_ref, wg_ref, bg_ref, wo_ref, o_ref, pooled_ref):
    i = pl.program_id(0)
    ng = pl.num_programs(0)

    @pl.when(i == 0)
    def _init():
        pooled_ref[...] = jnp.zeros_like(pooled_ref)

    gi = gi_ref[...]
    iota = lax.broadcasted_iota(jnp.int32, (gi.shape[0], G), 1).astype(jnp.float32)
    onehot = (gi == iota).astype(jnp.float32)
    contrib = lax.dot_general(onehot, h_ref[...],
                              (((0,), (0,)), ((), ())),
                              preferred_element_type=jnp.float32)
    pooled_ref[...] += contrib

    @pl.when(i == ng - 1)
    def _fin():
        g = jnp.maximum(
            jnp.dot(pooled_ref[...], wg_ref[...],
                    preferred_element_type=jnp.float32) + bg_ref[...], 0.0)
        o_ref[...] = jnp.dot(g, wo_ref[...],
                             preferred_element_type=jnp.float32)


def _readout(gi_f, h, wg, bg, wo, block_rows=1000):
    grid = N // block_rows
    return pl.pallas_call(
        _readout_body,
        grid=(grid,),
        in_specs=[
            pl.BlockSpec((block_rows, 1), lambda i: (i, 0)),
            pl.BlockSpec((block_rows, NODE_DIM), lambda i: (i, 0)),
            pl.BlockSpec((NODE_DIM, G), lambda i: (0, 0)),
            pl.BlockSpec((1, G), lambda i: (0, 0)),
            pl.BlockSpec((G, 256), lambda i: (0, 0)),
        ],
        out_specs=pl.BlockSpec((G, 256), lambda i: (0, 0)),
        out_shape=jax.ShapeDtypeStruct((G, 256), jnp.float32),
        scratch_shapes=[pltpu.VMEM((G, G), jnp.float32)],
    )(gi_f, h, wg, bg.reshape(1, -1), wo)



def _make_edge_body(write_eout):
    def body(ei_h, ps_h, pd_h, t_h, *rest):
        if write_eout:
            eout_h, agg_h = rest[0], rest[1]
            scratch = rest[2:]
        else:
            agg_h = rest[0]
            scratch = rest[1:]
        (sidxA, didxA, psvA, pdvA, tvA,
         sidxB, didxB, psvB, pdvB, tvB,
         obuf, agg_sh, semA, semB, wsemA, wsemB) = scratch
        c = lax.axis_index("c")
        s = lax.axis_index("s")
        wid = s * _NC + c
        CR = CH // 8

        def drain_w(j, tv, wsem):
            if not write_eout:
                return
            cid = j * _NW + wid

            @pl.when((j >= 0) & (cid < NCHUNK))
            def _():
                pltpu.make_async_copy(tv, eout_h.at[pl.ds(0, CH), :],
                                      wsem).wait()

        def fire(j, sidx, didx, psv, pdv, tv, sem, wsem):
            cid = j * _NW + wid
            drain_w(j - 2, tv, wsem)

            @pl.when(cid < NCHUNK)
            def _():
                pltpu.sync_copy(ei_h.at[0, pl.ds(cid * CH, CH)], sidx)
                pltpu.sync_copy(ei_h.at[1, pl.ds(cid * CH, CH)], didx)
                pltpu.async_copy(ps_h.at[sidx], psv, sem)
                pltpu.async_copy(pd_h.at[didx], pdv, sem)
                pltpu.async_copy(t_h.at[pl.ds(cid * CH, CH), :], tv, sem)

        def drain(j, psv, pdv, tv, sem):
            cid = j * _NW + wid

            @pl.when(cid < NCHUNK)
            def _():
                pltpu.make_async_copy(ps_h.at[pl.ds(0, CH), :],
                                      psv, sem).wait()
                pltpu.make_async_copy(ps_h.at[pl.ds(0, CH), :],
                                      pdv, sem).wait()
                pltpu.make_async_copy(t_h.at[pl.ds(0, CH), :], tv, sem).wait()

        def process(j, didx, psv, pdv, tv, wsem):
            cid = j * _NW + wid

            @pl.when(cid < NCHUNK)
            def _():
                def _row(i, carry):
                    tv[i, :] = jnp.maximum(psv[i, :] + pdv[i, :] + tv[i, :],
                                           0.0)
                    return carry
                lax.fori_loop(0, CH, _row, 0)
                if write_eout:
                    pltpu.async_copy(tv, eout_h.at[pl.ds(cid * CH, CH), :],
                                     wsem)
                pltpu.sync_copy(tv, agg_sh.at[didx], add=True)

        fire(0, sidxA, didxA, psvA, pdvA, tvA, semA, wsemA)

        def _zrow(i, carry):
            obuf[i, :] = jnp.zeros((16,), jnp.float32)
            return carry
        lax.fori_loop(0, ROWS_PER_SUB, _zrow, 0)
        pltpu.sync_copy(obuf,
                        agg_sh.at[pl.ds(s * ROWS_PER_SUB, ROWS_PER_SUB), :])
        plsc.subcore_barrier()

        def loop(j2, carry):
            jA = 2 * j2
            jB = jA + 1
            fire(jB, sidxB, didxB, psvB, pdvB, tvB, semB, wsemB)
            drain(jA, psvA, pdvA, tvA, semA)
            process(jA, didxA, psvA, pdvA, tvA, wsemA)
            fire(jA + 2, sidxA, didxA, psvA, pdvA, tvA, semA, wsemA)
            drain(jB, psvB, pdvB, tvB, semB)
            process(jB, didxB, psvB, pdvB, tvB, wsemB)
            return carry
        lax.fori_loop(0, NJ // 2, loop, 0)

        drain_w(NJ - 1, tvB, wsemB)

        plsc.subcore_barrier()
        pltpu.sync_copy(agg_sh.at[pl.ds(s * ROWS_PER_SUB, ROWS_PER_SUB), :],
                        obuf)
        pltpu.sync_copy(obuf,
                        agg_h.at[c, pl.ds(s * ROWS_PER_SUB, ROWS_PER_SUB), :])
    return body


def _edge_stage(ei2, ps, pd, t, write_eout=True):
    mesh = plsc.VectorSubcoreMesh(core_axis_name="c", subcore_axis_name="s",
                                  num_cores=_NC, num_subcores=_NS)
    agg_ty = jax.ShapeDtypeStruct((_NC, N, EDGE_DIM), jnp.float32)
    if write_eout:
        out_type = (jax.ShapeDtypeStruct((E, EDGE_DIM), jnp.float32),
                    agg_ty)
    else:
        out_type = (agg_ty,)
    f = pl.kernel(
        _make_edge_body(write_eout),
        out_type=out_type,
        mesh=mesh,
        compiler_params=pltpu.CompilerParams(use_tc_tiling_on_sc=False),
        scratch_types=[
            pltpu.VMEM((CH,), jnp.int32),
            pltpu.VMEM((CH,), jnp.int32),
            pltpu.VMEM((CH, EDGE_DIM), jnp.float32),
            pltpu.VMEM((CH, EDGE_DIM), jnp.float32),
            pltpu.VMEM((CH, EDGE_DIM), jnp.float32),
            pltpu.VMEM((CH,), jnp.int32),
            pltpu.VMEM((CH,), jnp.int32),
            pltpu.VMEM((CH, EDGE_DIM), jnp.float32),
            pltpu.VMEM((CH, EDGE_DIM), jnp.float32),
            pltpu.VMEM((CH, EDGE_DIM), jnp.float32),
            pltpu.VMEM((ROWS_PER_SUB, EDGE_DIM), jnp.float32),
            pltpu.VMEM_SHARED((N, EDGE_DIM), jnp.float32),
            pltpu.SemaphoreType.DMA,
            pltpu.SemaphoreType.DMA,
            pltpu.SemaphoreType.DMA,
            pltpu.SemaphoreType.DMA,
        ],
    )
    return f(ei2, ps, pd, t)



def kernel(node_features, edge_features, edge_index, graph_index,
           W_atom, b_atom, W_bond, b_bond, W_edge, b_edge,
           W_node, b_node, W_graph, b_graph, W_out):
    ei2 = edge_index.astype(jnp.int32)
    eye8 = jnp.eye(8, dtype=jnp.float32)

    def ekron(w):
        return jnp.kron(eye8, w)

    ws_k = [ekron(W_edge[l, :NODE_DIM, :]) for l in range(L)]
    wd_k = [ekron(W_edge[l, NODE_DIM:2 * NODE_DIM, :]) for l in range(L)]
    we8 = [ekron(W_edge[l, 2 * NODE_DIM:, :]) for l in range(L)]
    be8 = [jnp.tile(b_edge[l], 8) for l in range(L)]
    wh_k = [ekron(W_node[l, :NODE_DIM, :]) for l in range(L)]
    wa_k = [ekron(W_node[l, NODE_DIM:, :]) for l in range(L)]
    bn8 = [jnp.tile(b_node[l], 8) for l in range(L)]

    nf8 = node_features.reshape(N8, 8 * NODE_DIM)
    wat_k = ekron(W_atom)
    ba8 = jnp.tile(b_atom, 8)
    ws0c = ekron(W_atom @ W_edge[0, :NODE_DIM, :])
    wd0c = ekron(W_atom @ W_edge[0, NODE_DIM:2 * NODE_DIM, :])
    bs0 = jnp.tile(b_atom @ W_edge[0, :NODE_DIM, :], 8)
    bd0 = jnp.tile(b_atom @ W_edge[0, NODE_DIM:2 * NODE_DIM, :], 8)
    ef8 = edge_features.reshape(E8, 8 * EDGE_DIM)
    wb8 = ekron(W_bond)
    bb8 = jnp.tile(b_bond, 8)
    w0c = wb8 @ we8[0]
    b0c = bb8 @ we8[0] + be8[0]
    h8, ps8, pd8, t8 = _embedproj_t0(nf8, wat_k, ba8, ws0c, wd0c, bs0, bd0,
                                     ef8, w0c, b0c)

    for l in range(L):
        last = l == L - 1
        outs = _edge_stage(ei2,
                           ps8.reshape(N, EDGE_DIM),
                           pd8.reshape(N, EDGE_DIM),
                           t8.reshape(E, EDGE_DIM),
                           write_eout=not last)
        if last:
            (aggp,) = outs
            h8 = _node_update(h8, aggp.reshape(_NC, N8, 8 * EDGE_DIM),
                              wh_k[l], wa_k[l], bn8[l])
        else:
            e_new, aggp = outs
            h8, ps8, pd8, t8 = _updproj_tmsg(
                h8, aggp.reshape(_NC, N8, 8 * EDGE_DIM),
                wh_k[l], wa_k[l], bn8[l],
                ws_k[l + 1], wd_k[l + 1],
                e_new.reshape(E8, 8 * EDGE_DIM), we8[l + 1], be8[l + 1])

    gi_f = graph_index.astype(jnp.float32).reshape(N, 1)
    return _readout(gi_f, h8.reshape(N, NODE_DIM), W_graph, b_graph, W_out)

# --- scband reference (transcript-rebuilt; emitter-appended) ---
"""Pipeline reference for scband-ligand-encoder-16466904613138 (READ-ONLY COPY).

The authoritative reference and input builder live on the scoring server;
editing this copy changes nothing except your own understanding.
"""

import jax, jax.numpy as jnp
import numpy as np

N = 10000
E = 320000
NF = 128   # Vocabulary.get_num_node_features()
EF = 16    # Vocabulary.get_num_edge_features()
NODE_DIM = 128
EDGE_DIM = 16
GRAPH_DIM = 128
EMBED_DIM = 256
G = 128    # number of molecules in the batch (len(molecules))
L = 3      # mpnn num_layers


def setup_inputs(seed: int = 0) -> dict:
    key = jax.random.key(seed)
    ks = jax.random.split(key, 16)
    node_features = jax.random.normal(ks[0], (N, NF), dtype=jnp.float32)
    edge_features = jax.random.normal(ks[1], (E, EF), dtype=jnp.float32)
    edge_index = jax.random.randint(ks[2], (2, E), 0, N, dtype=jnp.int64) if jax.config.jax_enable_x64 else jax.random.randint(ks[2], (2, E), 0, N, dtype=jnp.int32)
    graph_index = jnp.sort(jax.random.randint(ks[3], (N,), 0, G, dtype=jnp.int32))
    s = 0.05
    W_atom = jax.random.normal(ks[4], (NF, NODE_DIM), jnp.float32) * (1.0 / np.sqrt(NF))
    b_atom = jnp.zeros((NODE_DIM,), jnp.float32)
    W_bond = jax.random.normal(ks[5], (EF, EDGE_DIM), jnp.float32) * (1.0 / np.sqrt(EF))
    b_bond = jnp.zeros((EDGE_DIM,), jnp.float32)
    W_edge = jax.random.normal(ks[6], (L, 2 * NODE_DIM + EDGE_DIM, EDGE_DIM), jnp.float32) * (1.0 / np.sqrt(2 * NODE_DIM + EDGE_DIM))
    b_edge = jnp.zeros((L, EDGE_DIM), jnp.float32)
    W_node = jax.random.normal(ks[7], (L, NODE_DIM + EDGE_DIM, NODE_DIM), jnp.float32) * (1.0 / np.sqrt(NODE_DIM + EDGE_DIM))
    b_node = jnp.zeros((L, NODE_DIM), jnp.float32)
    W_graph = jax.random.normal(ks[8], (NODE_DIM, GRAPH_DIM), jnp.float32) * (1.0 / np.sqrt(NODE_DIM))
    b_graph = jnp.zeros((GRAPH_DIM,), jnp.float32)
    W_out = jax.random.normal(ks[9], (GRAPH_DIM, EMBED_DIM), jnp.float32) * (1.0 / np.sqrt(GRAPH_DIM))
    return {
        "node_features": node_features,
        "edge_features": edge_features,
        "edge_index": edge_index,
        "graph_index": graph_index,
        "W_atom": W_atom, "b_atom": b_atom,
        "W_bond": W_bond, "b_bond": b_bond,
        "W_edge": W_edge, "b_edge": b_edge,
        "W_node": W_node, "b_node": b_node,
        "W_graph": W_graph, "b_graph": b_graph,
        "W_out": W_out,
    }


def reference(node_features, edge_features, edge_index, graph_index,
              W_atom, b_atom, W_bond, b_bond, W_edge, b_edge,
              W_node, b_node, W_graph, b_graph, W_out):
    # atom_embedder / bond_embedder (nn.Linear)
    h = node_features @ W_atom + b_atom            # [N, NODE_DIM]
    e = edge_features @ W_bond + b_bond            # [E, EDGE_DIM]
    src = edge_index[0]
    dst = edge_index[1]
    # EdgeMessagePassingNetwork: L rounds of edge-message passing
    for l in range(L):
        msg_in = jnp.concatenate([jnp.take(h, src, axis=0),
                                  jnp.take(h, dst, axis=0), e], axis=-1)
        e = jax.nn.relu(msg_in @ W_edge[l] + b_edge[l])               # edge update
        agg = jax.ops.segment_sum(e, dst, num_segments=N)             # scatter-add to dst
        h = jax.nn.relu(jnp.concatenate([h, agg], axis=-1) @ W_node[l] + b_node[l])
    # graph readout into graph_feats (initialized to zeros in the torch module)
    graph_feats = jnp.zeros((G, GRAPH_DIM), dtype=jnp.float32)
    pooled = jax.ops.segment_sum(h, graph_index, num_segments=G)
    g = jax.nn.relu(graph_feats + pooled @ W_graph + b_graph)         # [G, GRAPH_DIM]
    # molecule_linear (bias=False)
    return g @ W_out                                                   # [G, EMBED_DIM]

if __name__ == "__main__":
    import jax
    _d = setup_inputs()
    print(jax.jit(kernel)(*tuple(_d.values())))

</pallas_src>

<mosaic_0001>
#map = affine_map<(d0, d1) -> (0, 0)>
#map1 = affine_map<(d0, d1) -> (0, 0, 0)>
module attributes {stable_mosaic.version = 14 : i64} {
  func.func @body(%arg0: i32, %arg1: i32, %arg2: memref<2x320000xi32, #tpu.memory_space<hbm>>, %arg3: memref<10000x16xf32, #tpu.memory_space<hbm>>, %arg4: memref<10000x16xf32, #tpu.memory_space<hbm>>, %arg5: memref<320000x16xf32, #tpu.memory_space<hbm>>, %arg6: memref<320000x16xf32, #tpu.memory_space<hbm>>, %arg7: memref<2x10000x16xf32, #tpu.memory_space<hbm>>, %arg8: memref<1000xi32, #tpu.memory_space<vmem>>, %arg9: memref<1000xi32, #tpu.memory_space<vmem>>, %arg10: memref<1000x16xf32, #tpu.memory_space<vmem>>, %arg11: memref<1000x16xf32, #tpu.memory_space<vmem>>, %arg12: memref<1000x16xf32, #tpu.memory_space<vmem>>, %arg13: memref<1000xi32, #tpu.memory_space<vmem>>, %arg14: memref<1000xi32, #tpu.memory_space<vmem>>, %arg15: memref<1000x16xf32, #tpu.memory_space<vmem>>, %arg16: memref<1000x16xf32, #tpu.memory_space<vmem>>, %arg17: memref<1000x16xf32, #tpu.memory_space<vmem>>, %arg18: memref<625x16xf32, #tpu.memory_space<vmem>>, %arg19: memref<10000x16xf32, #tpu.memory_space<vmem_shared>>, %arg20: memref<!tpu.dma_semaphore, #tpu.memory_space<semaphore_mem>>, %arg21: memref<!tpu.dma_semaphore, #tpu.memory_space<semaphore_mem>>, %arg22: memref<!tpu.dma_semaphore, #tpu.memory_space<semaphore_mem>>, %arg23: memref<!tpu.dma_semaphore, #tpu.memory_space<semaphore_mem>>) attributes {dimension_semantics = [#tpu.dimension_semantics<core_parallel>, #tpu.dimension_semantics<subcore_parallel>], iteration_bounds = array<i64: 2, 16>, scalar_prefetch = 0 : i64, scratch_operands = 16 : i64, tpu.core_type = #tpu.core_type<sc_vector_subcore>, window_params = [{transform_indices = #map}, {transform_indices = #map}, {transform_indices = #map}, {transform_indices = #map}, {transform_indices = #map}, {transform_indices = #map1}]} {
    %mul3A = arith.constant 2 : i32
    %mul3A_0 = arith.muli %arg1, %mul3A : i32
    %add3A = arith.addi %mul3A_0, %arg0 : i32
    %add3A_1 = arith.constant 0 : i32
    %add3A_2 = arith.addi %add3A_1, %add3A : i32
    %add3A_3 = arith.constant -64 : i32
    %add3A_4 = arith.addi %add3A_3, %add3A : i32
    %lt3A = arith.constant 320 : i32
    %lt3A_5 = arith.cmpi slt, %add3A_4, %lt3A : i32
    %and3A = arith.constant false
    %and3A_6 = arith.andi %and3A, %lt3A_5 : i1
    %convert_element_type3A = arith.extui %and3A_6 : i1 to i32
    %cond3A = arith.constant 0 : i32
    %cond3A_7 = arith.cmpi ne, %convert_element_type3A, %cond3A : i32
    scf.if %cond3A_7 {
      %dma_wait3A = arith.constant 0 : i32
      %dma_wait3A_40 = arith.constant 0 : i32
      %dma_wait3A_41 = tpu.memref_slice %arg6[%dma_wait3A, %dma_wait3A_40] : memref<320000x16xf32, #tpu.memory_space<hbm>> -> memref<1000x16xf32, #tpu.memory_space<hbm>>
      %dma_wait3A_42 = arith.constant 0 : i32
      %dma_wait3A_43 = arith.constant 0 : i32
      %dma_wait3A_44 = tpu.memref_slice %arg6[%dma_wait3A_42, %dma_wait3A_43] : memref<320000x16xf32, #tpu.memory_space<hbm>> -> memref<1000x16xf32, #tpu.memory_space<hbm>>
      tpu.wait_dma2 semaphore(%arg22 : memref<!tpu.dma_semaphore, #tpu.memory_space<semaphore_mem>>) src(%arg12 : memref<1000x16xf32, #tpu.memory_space<vmem>>) dst(%dma_wait3A_44 : memref<1000x16xf32, #tpu.memory_space<hbm>>)
    } else {
    }
    %lt3A_8 = arith.constant 320 : i32
    %lt3A_9 = arith.cmpi slt, %add3A_2, %lt3A_8 : i32
    %convert_element_type3A_10 = arith.extui %lt3A_9 : i1 to i32
    %cond3A_11 = arith.constant 0 : i32
    %cond3A_12 = arith.cmpi ne, %convert_element_type3A_10, %cond3A_11 : i32
    scf.if %cond3A_12 {
      %mul3A_40 = arith.constant 1000 : i32
      %mul3A_41 = arith.muli %add3A_2, %mul3A_40 : i32
      %run_scoped3A = arith.constant 0 : i32
      "tpu.region"() ({
        %run_scoped3A_56 = tpu.sem_alloc : memref<!tpu.dma_semaphore, #tpu.memory_space<semaphore_mem>>
        %dma_start3A_57 = tpu.memref_slice %arg2[%run_scoped3A, %mul3A_41] : memref<2x320000xi32, #tpu.memory_space<hbm>> -> memref<1x1000xi32, #tpu.memory_space<hbm>>
        %dma_start3A_58 = tpu.memref_squeeze %dma_start3A_57 : memref<1x1000xi32, #tpu.memory_space<hbm>> -> memref<1000xi32, #tpu.memory_space<hbm>>
        %dma_start3A_59 = tpu.memref_slice %arg2[%run_scoped3A, %mul3A_41] : memref<2x320000xi32, #tpu.memory_space<hbm>> -> memref<1x1000xi32, #tpu.memory_space<hbm>>
        %dma_start3A_60 = tpu.memref_squeeze %dma_start3A_59 : memref<1x1000xi32, #tpu.memory_space<hbm>> -> memref<1000xi32, #tpu.memory_space<hbm>>
        tpu.enqueue_dma source(%dma_start3A_60 : memref<1000xi32, #tpu.memory_space<hbm>>) target(%arg8 : memref<1000xi32, #tpu.memory_space<vmem>>) target_semaphore(%run_scoped3A_56 : memref<!tpu.dma_semaphore, #tpu.memory_space<semaphore_mem>>)
        %dma_wait3A = tpu.memref_slice %arg2[%run_scoped3A, %mul3A_41] : memref<2x320000xi32, #tpu.memory_space<hbm>> -> memref<1x1000xi32, #tpu.memory_space<hbm>>
        %dma_wait3A_61 = tpu.memref_squeeze %dma_wait3A : memref<1x1000xi32, #tpu.memory_space<hbm>> -> memref<1000xi32, #tpu.memory_space<hbm>>
        %dma_wait3A_62 = tpu.memref_slice %arg2[%run_scoped3A, %mul3A_41] : memref<2x320000xi32, #tpu.memory_space<hbm>> -> memref<1x1000xi32, #tpu.memory_space<hbm>>
        %dma_wait3A_63 = tpu.memref_squeeze %dma_wait3A_62 : memref<1x1000xi32, #tpu.memory_space<hbm>> -> memref<1000xi32, #tpu.memory_space<hbm>>
        tpu.wait_dma2 semaphore(%run_scoped3A_56 : memref<!tpu.dma_semaphore, #tpu.memory_space<semaphore_mem>>) src(%dma_wait3A_63 : memref<1000xi32, #tpu.memory_space<hbm>>) dst(%arg8 : memref<1000xi32, #tpu.memory_space<vmem>>)
        tpu.yield
      }) : () -> ()
      %mul3A_42 = arith.constant 1000 : i32
      %mul3A_43 = arith.muli %add3A_2, %mul3A_42 : i32
      %run_scoped3A_44 = arith.constant 1 : i32
      "tpu.region"() ({
        %run_scoped3A_56 = tpu.sem_alloc : memref<!tpu.dma_semaphore, #tpu.memory_space<semaphore_mem>>
        %dma_start3A_57 = tpu.memref_slice %arg2[%run_scoped3A_44, %mul3A_43] : memref<2x320000xi32, #tpu.memory_space<hbm>> -> memref<1x1000xi32, #tpu.memory_space<hbm>>
        %dma_start3A_58 = tpu.memref_squeeze %dma_start3A_57 : memref<1x1000xi32, #tpu.memory_space<hbm>> -> memref<1000xi32, #tpu.memory_space<hbm>>
        %dma_start3A_59 = tpu.memref_slice %arg2[%run_scoped3A_44, %mul3A_43] : memref<2x320000xi32, #tpu.memory_space<hbm>> -> memref<1x1000xi32, #tpu.memory_space<hbm>>
        %dma_start3A_60 = tpu.memref_squeeze %dma_start3A_59 : memref<1x1000xi32, #tpu.memory_space<hbm>> -> memref<1000xi32, #tpu.memory_space<hbm>>
        tpu.enqueue_dma source(%dma_start3A_60 : memref<1000xi32, #tpu.memory_space<hbm>>) target(%arg9 : memref<1000xi32, #tpu.memory_space<vmem>>) target_semaphore(%run_scoped3A_56 : memref<!tpu.dma_semaphore, #tpu.memory_space<semaphore_mem>>)
        %dma_wait3A = tpu.memref_slice %arg2[%run_scoped3A_44, %mul3A_43] : memref<2x320000xi32, #tpu.memory_space<hbm>> -> memref<1x1000xi32, #tpu.memory_space<hbm>>
        %dma_wait3A_61 = tpu.memref_squeeze %dma_wait3A : memref<1x1000xi32, #tpu.memory_space<hbm>> -> memref<1000xi32, #tpu.memory_space<hbm>>
        %dma_wait3A_62 = tpu.memref_slice %arg2[%run_scoped3A_44, %mul3A_43] : memref<2x320000xi32, #tpu.memory_space<hbm>> -> memref<1x1000xi32, #tpu.memory_space<hbm>>
        %dma_wait3A_63 = tpu.memref_squeeze %dma_wait3A_62 : memref<1x1000xi32, #tpu.memory_space<hbm>> -> memref<1000xi32, #tpu.memory_space<hbm>>
        tpu.wait_dma2 semaphore(%run_scoped3A_56 : memref<!tpu.dma_semaphore, #tpu.memory_space<semaphore_mem>>) src(%dma_wait3A_63 : memref<1000xi32, #tpu.memory_space<hbm>>) dst(%arg9 : memref<1000xi32, #tpu.memory_space<vmem>>)
        tpu.yield
      }) : () -> ()
      %dma_start3A = arith.constant 0 : i32
      %dma_start3A_45 = arith.constant 0 : i32
      %dma_start3A_46 = tpu.memref_slice %arg3[%dma_start3A, %dma_start3A_45] : memref<10000x16xf32, #tpu.memory_space<hbm>> -> memref<10000x16xf32, #tpu.memory_space<hbm>>
      tpu.enqueue_indirect_dma source(%dma_start3A_46 : memref<10000x16xf32, #tpu.memory_space<hbm>>) target(%arg10 : memref<1000x16xf32, #tpu.memory_space<vmem>>) offsets(%arg8 : memref<1000xi32, #tpu.memory_space<vmem>>) semaphore(%arg20 : memref<!tpu.dma_semaphore, #tpu.memory_space<semaphore_mem>>)
      %dma_start3A_47 = arith.constant 0 : i32
      %dma_start3A_48 = arith.constant 0 : i32
      %dma_start3A_49 = tpu.memref_slice %arg4[%dma_start3A_47, %dma_start3A_48] : memref<10000x16xf32, #tpu.memory_space<hbm>> -> memref<10000x16xf32, #tpu.memory_space<hbm>>
      tpu.enqueue_indirect_dma source(%dma_start3A_49 : memref<10000x16xf32, #tpu.memory_space<hbm>>) target(%arg11 : memref<1000x16xf32, #tpu.memory_space<vmem>>) offsets(%arg9 : memref<1000xi32, #tpu.memory_space<vmem>>) semaphore(%arg20 : memref<!tpu.dma_semaphore, #tpu.memory_space<semaphore_mem>>)
      %mul3A_50 = arith.constant 1000 : i32
      %mul3A_51 = arith.muli %add3A_2, %mul3A_50 : i32
      %dma_start3A_52 = arith.constant 0 : i32
      %dma_start3A_53 = tpu.memref_slice %arg5[%mul3A_51, %dma_start3A_52] : memref<320000x16xf32, #tpu.memory_space<hbm>> -> memref<1000x16xf32, #tpu.memory_space<hbm>>
      %dma_start3A_54 = arith.constant 0 : i32
      %dma_start3A_55 = tpu.memref_slice %arg5[%mul3A_51, %dma_start3A_54] : memref<320000x16xf32, #tpu.memory_space<hbm>> -> memref<1000x16xf32, #tpu.memory_space<hbm>>
      tpu.enqueue_dma source(%dma_start3A_55 : memref<1000x16xf32, #tpu.memory_space<hbm>>) target(%arg12 : memref<1000x16xf32, #tpu.memory_space<vmem>>) target_semaphore(%arg20 : memref<!tpu.dma_semaphore, #tpu.memory_space<semaphore_mem>>)
    } else {
    }
    %scan3A = arith.constant 0 : i32
    %scan3A_13 = arith.constant 0 : i32
    %scan3A_14 = arith.constant 625 : i32
    %scan3A_15 = arith.addi %scan3A_13, %scan3A_14 : i32
    %scan3A_16 = arith.constant 1 : i32
    scf.for %scan3A_40 = %scan3A_13 to %scan3A_15 step %scan3A_16  : i32 {
      %broadcast_in_dim3A = arith.constant 0.000000e+00 : f32
      %broadcast_in_dim3A_41 = vector.broadcast %broadcast_in_dim3A : f32 to vector<16xf32>
      %swap3A = arith.index_cast %scan3A_40 : i32 to index
      %swap3A_42 = arith.constant 0 : index
      %swap3A_43 = tpu.vector_load %arg18[%swap3A, %swap3A_42] {strides = array<i32>} : memref<625x16xf32, #tpu.memory_space<vmem>>, vector<1x16xf32>,
      %swap3A_44 = vector.shape_cast %swap3A_43 : vector<1x16xf32> to vector<16xf32>
      %swap3A_45 = vector.shape_cast %broadcast_in_dim3A_41 : vector<16xf32> to vector<1x16xf32>
      tpu.vector_store %arg18[%swap3A, %swap3A_42], %swap3A_45 {strides = array<i32>} : memref<625x16xf32, #tpu.memory_space<vmem>>, vector<1x16xf32>,
    }
    %scan3A_17 = arith.constant 625 : i32
    %mul3A_18 = arith.constant 625 : i32
    %mul3A_19 = arith.muli %arg1, %mul3A_18 : i32
    "tpu.region"() ({
      %run_scoped3A = tpu.sem_alloc : memref<!tpu.dma_semaphore, #tpu.memory_space<semaphore_mem>>
      %dma_start3A = arith.constant 0 : i32
      %dma_start3A_40 = tpu.memref_slice %arg19[%mul3A_19, %dma_start3A] : memref<10000x16xf32, #tpu.memory_space<vmem_shared>> -> memref<625x16xf32, #tpu.memory_space<vmem_shared>>
      %dma_start3A_41 = arith.constant 0 : i32
      %dma_start3A_42 = tpu.memref_slice %arg19[%mul3A_19, %dma_start3A_41] : memref<10000x16xf32, #tpu.memory_space<vmem_shared>> -> memref<625x16xf32, #tpu.memory_space<vmem_shared>>
      tpu.enqueue_dma source(%arg18 : memref<625x16xf32, #tpu.memory_space<vmem>>) target(%dma_start3A_42 : memref<625x16xf32, #tpu.memory_space<vmem_shared>>) target_semaphore(%run_scoped3A : memref<!tpu.dma_semaphore, #tpu.memory_space<semaphore_mem>>)
      %dma_wait3A = arith.constant 0 : i32
      %dma_wait3A_43 = tpu.memref_slice %arg19[%mul3A_19, %dma_wait3A] : memref<10000x16xf32, #tpu.memory_space<vmem_shared>> -> memref<625x16xf32, #tpu.memory_space<vmem_shared>>
      %dma_wait3A_44 = arith.constant 0 : i32
      %dma_wait3A_45 = tpu.memref_slice %arg19[%mul3A_19, %dma_wait3A_44] : memref<10000x16xf32, #tpu.memory_space<vmem_shared>> -> memref<625x16xf32, #tpu.memory_space<vmem_shared>>
      tpu.wait_dma2 semaphore(%run_scoped3A : memref<!tpu.dma_semaphore, #tpu.memory_space<semaphore_mem>>) src(%arg18 : memref<625x16xf32, #tpu.memory_space<vmem>>) dst(%dma_wait3A_45 : memref<625x16xf32, #tpu.memory_space<vmem_shared>>)
      tpu.yield
    }) : () -> ()
    %barrier3A = arith.constant 0 : index
    tpu.barrier barrier_id(%barrier3A)
    %scan3A_20 = arith.constant 0 : i32
    %scan3A_21 = arith.constant 0 : i32
    %scan3A_22 = arith.constant 5 : i32
    %scan3A_23 = arith.addi %scan3A_21, %scan3A_22 : i32
    %scan3A_24 = arith.constant 1 : i32
    scf.for %scan3A_40 = %scan3A_21 to %scan3A_23 step %scan3A_24  : i32 {
      %mul3A_41 = arith.constant 2 : i32
      %mul3A_42 = arith.muli %mul3A_41, %scan3A_40 : i32
      %add3A_43 = arith.constant 1 : i32
      %add3A_44 = arith.addi %mul3A_42, %add3A_43 : i32
      %mul3A_45 = arith.constant 32 : i32
      %mul3A_46 = arith.muli %add3A_44, %mul3A_45 : i32
      %add3A_47 = arith.addi %mul3A_46, %add3A : i32
      %sub3A = arith.constant 2 : i32
      %sub3A_48 = arith.subi %add3A_44, %sub3A : i32
      %mul3A_49 = arith.constant 32 : i32
      %mul3A_50 = arith.muli %sub3A_48, %mul3A_49 : i32
      %add3A_51 = arith.addi %mul3A_50, %add3A : i32
      %ge3A = arith.constant 0 : i32
      %ge3A_52 = arith.cmpi sge, %sub3A_48, %ge3A : i32
      %lt3A_53 = arith.constant 320 : i32
      %lt3A_54 = arith.cmpi slt, %add3A_51, %lt3A_53 : i32
      %and3A_55 = arith.andi %ge3A_52, %lt3A_54 : i1
      %convert_element_type3A_56 = arith.extui %and3A_55 : i1 to i32
      %cond3A_57 = arith.constant 0 : i32
      %cond3A_58 = arith.cmpi ne, %convert_element_type3A_56, %cond3A_57 : i32
      scf.if %cond3A_58 {
        %dma_wait3A = arith.constant 0 : i32
        %dma_wait3A_119 = arith.constant 0 : i32
        %dma_wait3A_120 = tpu.memref_slice %arg6[%dma_wait3A, %dma_wait3A_119] : memref<320000x16xf32, #tpu.memory_space<hbm>> -> memref<1000x16xf32, #tpu.memory_space<hbm>>
        %dma_wait3A_121 = arith.constant 0 : i32
        %dma_wait3A_122 = arith.constant 0 : i32
        %dma_wait3A_123 = tpu.memref_slice %arg6[%dma_wait3A_121, %dma_wait3A_122] : memref<320000x16xf32, #tpu.memory_space<hbm>> -> memref<1000x16xf32, #tpu.memory_space<hbm>>
        tpu.wait_dma2 semaphore(%arg23 : memref<!tpu.dma_semaphore, #tpu.memory_space<semaphore_mem>>) src(%arg17 : memref<1000x16xf32, #tpu.memory_space<vmem>>) dst(%dma_wait3A_123 : memref<1000x16xf32, #tpu.memory_space<hbm>>)
      } else {
      }
      %lt3A_59 = arith.constant 320 : i32
      %lt3A_60 = arith.cmpi slt, %add3A_47, %lt3A_59 : i32
      %convert_element_type3A_61 = arith.extui %lt3A_60 : i1 to i32
      %cond3A_62 = arith.constant 0 : i32
      %cond3A_63 = arith.cmpi ne, %convert_element_type3A_61, %cond3A_62 : i32
      scf.if %cond3A_63 {
        %mul3A_119 = arith.constant 1000 : i32
        %mul3A_120 = arith.muli %add3A_47, %mul3A_119 : i32
        %run_scoped3A = arith.constant 0 : i32
        "tpu.region"() ({
          %run_scoped3A_135 = tpu.sem_alloc : memref<!tpu.dma_semaphore, #tpu.memory_space<semaphore_mem>>
          %dma_start3A_136 = tpu.memref_slice %arg2[%run_scoped3A, %mul3A_120] : memref<2x320000xi32, #tpu.memory_space<hbm>> -> memref<1x1000xi32, #tpu.memory_space<hbm>>
          %dma_start3A_137 = tpu.memref_squeeze %dma_start3A_136 : memref<1x1000xi32, #tpu.memory_space<hbm>> -> memref<1000xi32, #tpu.memory_space<hbm>>
          %dma_start3A_138 = tpu.memref_slice %arg2[%run_scoped3A, %mul3A_120] : memref<2x320000xi32, #tpu.memory_space<hbm>> -> memref<1x1000xi32, #tpu.memory_space<hbm>>
          %dma_start3A_139 = tpu.memref_squeeze %dma_start3A_138 : memref<1x1000xi32, #tpu.memory_space<hbm>> -> memref<1000xi32, #tpu.memory_space<hbm>>
          tpu.enqueue_dma source(%dma_start3A_139 : memref<1000xi32, #tpu.memory_space<hbm>>) target(%arg13 : memref<1000xi32, #tpu.memory_space<vmem>>) target_semaphore(%run_scoped3A_135 : memref<!tpu.dma_semaphore, #tpu.memory_space<semaphore_mem>>)
          %dma_wait3A = tpu.memref_slice %arg2[%run_scoped3A, %mul3A_120] : memref<2x320000xi32, #tpu.memory_space<hbm>> -> memref<1x1000xi32, #tpu.memory_space<hbm>>
          %dma_wait3A_140 = tpu.memref_squeeze %dma_wait3A : memref<1x1000xi32, #tpu.memory_space<hbm>> -> memref<1000xi32, #tpu.memory_space<hbm>>
          %dma_wait3A_141 = tpu.memref_slice %arg2[%run_scoped3A, %mul3A_120] : memref<2x320000xi32, #tpu.memory_space<hbm>> -> memref<1x1000xi32, #tpu.memory_space<hbm>>
          %dma_wait3A_142 = tpu.memref_squeeze %dma_wait3A_141 : memref<1x1000xi32, #tpu.memory_space<hbm>> -> memref<1000xi32, #tpu.memory_space<hbm>>
          tpu.wait_dma2 semaphore(%run_scoped3A_135 : memref<!tpu.dma_semaphore, #tpu.memory_space<semaphore_mem>>) src(%dma_wait3A_142 : memref<1000xi32, #tpu.memory_space<hbm>>) dst(%arg13 : memref<1000xi32, #tpu.memory_space<vmem>>)
          tpu.yield
        }) : () -> ()
        %mul3A_121 = arith.constant 1000 : i32
        %mul3A_122 = arith.muli %add3A_47, %mul3A_121 : i32
        %run_scoped3A_123 = arith.constant 1 : i32
        "tpu.region"() ({
          %run_scoped3A_135 = tpu.sem_alloc : memref<!tpu.dma_semaphore, #tpu.memory_space<semaphore_mem>>
          %dma_start3A_136 = tpu.memref_slice %arg2[%run_scoped3A_123, %mul3A_122] : memref<2x320000xi32, #tpu.memory_space<hbm>> -> memref<1x1000xi32, #tpu.memory_space<hbm>>
          %dma_start3A_137 = tpu.memref_squeeze %dma_start3A_136 : memref<1x1000xi32, #tpu.memory_space<hbm>> -> memref<1000xi32, #tpu.memory_space<hbm>>
          %dma_start3A_138 = tpu.memref_slice %arg2[%run_scoped3A_123, %mul3A_122] : memref<2x320000xi32, #tpu.memory_space<hbm>> -> memref<1x1000xi32, #tpu.memory_space<hbm>>
          %dma_start3A_139 = tpu.memref_squeeze %dma_start3A_138 : memref<1x1000xi32, #tpu.memory_space<hbm>> -> memref<1000xi32, #tpu.memory_space<hbm>>
          tpu.enqueue_dma source(%dma_start3A_139 : memref<1000xi32, #tpu.memory_space<hbm>>) target(%arg14 : memref<1000xi32, #tpu.memory_space<vmem>>) target_semaphore(%run_scoped3A_135 : memref<!tpu.dma_semaphore, #tpu.memory_space<semaphore_mem>>)
          %dma_wait3A = tpu.memref_slice %arg2[%run_scoped3A_123, %mul3A_122] : memref<2x320000xi32, #tpu.memory_space<hbm>> -> memref<1x1000xi32, #tpu.memory_space<hbm>>
          %dma_wait3A_140 = tpu.memref_squeeze %dma_wait3A : memref<1x1000xi32, #tpu.memory_space<hbm>> -> memref<1000xi32, #tpu.memory_space<hbm>>
          %dma_wait3A_141 = tpu.memref_slice %arg2[%run_scoped3A_123, %mul3A_122] : memref<2x320000xi32, #tpu.memory_space<hbm>> -> memref<1x1000xi32, #tpu.memory_space<hbm>>
          %dma_wait3A_142 = tpu.memref_squeeze %dma_wait3A_141 : memref<1x1000xi32, #tpu.memory_space<hbm>> -> memref<1000xi32, #tpu.memory_space<hbm>>
          tpu.wait_dma2 semaphore(%run_scoped3A_135 : memref<!tpu.dma_semaphore, #tpu.memory_space<semaphore_mem>>) src(%dma_wait3A_142 : memref<1000xi32, #tpu.memory_space<hbm>>) dst(%arg14 : memref<1000xi32, #tpu.memory_space<vmem>>)
          tpu.yield
        }) : () -> ()
        %dma_start3A = arith.constant 0 : i32
        %dma_start3A_124 = arith.constant 0 : i32
        %dma_start3A_125 = tpu.memref_slice %arg3[%dma_start3A, %dma_start3A_124] : memref<10000x16xf32, #tpu.memory_space<hbm>> -> memref<10000x16xf32, #tpu.memory_space<hbm>>
        tpu.enqueue_indirect_dma source(%dma_start3A_125 : memref<10000x16xf32, #tpu.memory_space<hbm>>) target(%arg15 : memref<1000x16xf32, #tpu.memory_space<vmem>>) offsets(%arg13 : memref<1000xi32, #tpu.memory_space<vmem>>) semaphore(%arg21 : memref<!tpu.dma_semaphore, #tpu.memory_space<semaphore_mem>>)
        %dma_start3A_126 = arith.constant 0 : i32
        %dma_start3A_127 = arith.constant 0 : i32
        %dma_start3A_128 = tpu.memref_slice %arg4[%dma_start3A_126, %dma_start3A_127] : memref<10000x16xf32, #tpu.memory_space<hbm>> -> memref<10000x16xf32, #tpu.memory_space<hbm>>
        tpu.enqueue_indirect_dma source(%dma_start3A_128 : memref<10000x16xf32, #tpu.memory_space<hbm>>) target(%arg16 : memref<1000x16xf32, #tpu.memory_space<vmem>>) offsets(%arg14 : memref<1000xi32, #tpu.memory_space<vmem>>) semaphore(%arg21 : memref<!tpu.dma_semaphore, #tpu.memory_space<semaphore_mem>>)
        %mul3A_129 = arith.constant 1000 : i32
        %mul3A_130 = arith.muli %add3A_47, %mul3A_129 : i32
        %dma_start3A_131 = arith.constant 0 : i32
        %dma_start3A_132 = tpu.memref_slice %arg5[%mul3A_130, %dma_start3A_131] : memref<320000x16xf32, #tpu.memory_space<hbm>> -> memref<1000x16xf32, #tpu.memory_space<hbm>>
        %dma_start3A_133 = arith.constant 0 : i32
        %dma_start3A_134 = tpu.memref_slice %arg5[%mul3A_130, %dma_start3A_133] : memref<320000x16xf32, #tpu.memory_space<hbm>> -> memref<1000x16xf32, #tpu.memory_space<hbm>>
        tpu.enqueue_dma source(%dma_start3A_134 : memref<1000x16xf32, #tpu.memory_space<hbm>>) target(%arg17 : memref<1000x16xf32, #tpu.memory_space<vmem>>) target_semaphore(%arg21 : memref<!tpu.dma_semaphore, #tpu.memory_space<semaphore_mem>>)
      } else {
      }
      %mul3A_64 = arith.constant 32 : i32
      %mul3A_65 = arith.muli %mul3A_42, %mul3A_64 : i32
      %add3A_66 = arith.addi %mul3A_65, %add3A : i32
      %lt3A_67 = arith.constant 320 : i32
      %lt3A_68 = arith.cmpi slt, %add3A_66, %lt3A_67 : i32
      %convert_element_type3A_69 = arith.extui %lt3A_68 : i1 to i32
      %cond3A_70 = arith.constant 0 : i32
      %cond3A_71 = arith.cmpi ne, %convert_element_type3A_69, %cond3A_70 : i32
      scf.if %cond3A_71 {
        %dma_wait3A = arith.constant 0 : i32
        %dma_wait3A_119 = arith.constant 0 : i32
        %dma_wait3A_120 = tpu.memref_slice %arg3[%dma_wait3A, %dma_wait3A_119] : memref<10000x16xf32, #tpu.memory_space<hbm>> -> memref<1000x16xf32, #tpu.memory_space<hbm>>
        %dma_wait3A_121 = arith.constant 0 : i32
        %dma_wait3A_122 = arith.constant 0 : i32
        %dma_wait3A_123 = tpu.memref_slice %arg3[%dma_wait3A_121, %dma_wait3A_122] : memref<10000x16xf32, #tpu.memory_space<hbm>> -> memref<1000x16xf32, #tpu.memory_space<hbm>>
        tpu.wait_dma2 semaphore(%arg20 : memref<!tpu.dma_semaphore, #tpu.memory_space<semaphore_mem>>) src(%dma_wait3A_123 : memref<1000x16xf32, #tpu.memory_space<hbm>>) dst(%arg10 : memref<1000x16xf32, #tpu.memory_space<vmem>>)
        %dma_wait3A_124 = arith.constant 0 : i32
        %dma_wait3A_125 = arith.constant 0 : i32
        %dma_wait3A_126 = tpu.memref_slice %arg3[%dma_wait3A_124, %dma_wait3A_125] : memref<10000x16xf32, #tpu.memory_space<hbm>> -> memref<1000x16xf32, #tpu.memory_space<hbm>>
        %dma_wait3A_127 = arith.constant 0 : i32
        %dma_wait3A_128 = arith.constant 0 : i32
        %dma_wait3A_129 = tpu.memref_slice %arg3[%dma_wait3A_127, %dma_wait3A_128] : memref<10000x16xf32, #tpu.memory_space<hbm>> -> memref<1000x16xf32, #tpu.memory_space<hbm>>
        tpu.wait_dma2 semaphore(%arg20 : memref<!tpu.dma_semaphore, #tpu.memory_space<semaphore_mem>>) src(%dma_wait3A_129 : memref<1000x16xf32, #tpu.memory_space<hbm>>) dst(%arg11 : memref<1000x16xf32, #tpu.memory_space<vmem>>)
        %dma_wait3A_130 = arith.constant 0 : i32
        %dma_wait3A_131 = arith.constant 0 : i32
        %dma_wait3A_132 = tpu.memref_slice %arg5[%dma_wait3A_130, %dma_wait3A_131] : memref<320000x16xf32, #tpu.memory_space<hbm>> -> memref<1000x16xf32, #tpu.memory_space<hbm>>
        %dma_wait3A_133 = arith.constant 0 : i32
        %dma_wait3A_134 = arith.constant 0 : i32
        %dma_wait3A_135 = tpu.memref_slice %arg5[%dma_wait3A_133, %dma_wait3A_134] : memref<320000x16xf32, #tpu.memory_space<hbm>> -> memref<1000x16xf32, #tpu.memory_space<hbm>>
        tpu.wait_dma2 semaphore(%arg20 : memref<!tpu.dma_semaphore, #tpu.memory_space<semaphore_mem>>) src(%dma_wait3A_135 : memref<1000x16xf32, #tpu.memory_space<hbm>>) dst(%arg12 : memref<1000x16xf32, #tpu.memory_space<vmem>>)
      } else {
      }
      %mul3A_72 = arith.constant 32 : i32
      %mul3A_73 = arith.muli %mul3A_42, %mul3A_72 : i32
      %add3A_74 = arith.addi %mul3A_73, %add3A : i32
      %lt3A_75 = arith.constant 320 : i32
      %lt3A_76 = arith.cmpi slt, %add3A_74, %lt3A_75 : i32
      %convert_element_type3A_77 = arith.extui %lt3A_76 : i1 to i32
      %cond3A_78 = arith.constant 0 : i32
      %cond3A_79 = arith.cmpi ne, %convert_element_type3A_77, %cond3A_78 : i32
      scf.if %cond3A_79 {
        %scan3A_119 = arith.constant 0 : i32
        %scan3A_120 = arith.constant 0 : i32
        %scan3A_121 = arith.constant 1000 : i32
        %scan3A_122 = arith.addi %scan3A_120, %scan3A_121 : i32
        %scan3A_123 = arith.constant 1 : i32
        scf.for %scan3A_130 = %scan3A_120 to %scan3A_122 step %scan3A_123  : i32 {
          %get3A = arith.index_cast %scan3A_130 : i32 to index
          %get3A_131 = arith.constant 0 : index
          %get3A_132 = tpu.vector_load %arg10[%get3A, %get3A_131] {strides = array<i32>} : memref<1000x16xf32, #tpu.memory_space<vmem>>, vector<1x16xf32>,
          %get3A_133 = vector.shape_cast %get3A_132 : vector<1x16xf32> to vector<16xf32>
          %get3A_134 = arith.index_cast %scan3A_130 : i32 to index
          %get3A_135 = arith.constant 0 : index
          %get3A_136 = tpu.vector_load %arg11[%get3A_134, %get3A_135] {strides = array<i32>} : memref<1000x16xf32, #tpu.memory_space<vmem>>, vector<1x16xf32>,
          %get3A_137 = vector.shape_cast %get3A_136 : vector<1x16xf32> to vector<16xf32>
          %add3A_138 = arith.addf %get3A_133, %get3A_137 : vector<16xf32>
          %get3A_139 = arith.index_cast %scan3A_130 : i32 to index
          %get3A_140 = arith.constant 0 : index
          %get3A_141 = tpu.vector_load %arg12[%get3A_139, %get3A_140] {strides = array<i32>} : memref<1000x16xf32, #tpu.memory_space<vmem>>, vector<1x16xf32>,
          %get3A_142 = vector.shape_cast %get3A_141 : vector<1x16xf32> to vector<16xf32>
          %add3A_143 = arith.addf %add3A_138, %get3A_142 : vector<16xf32>
          %max3A = arith.constant 0.000000e+00 : f32
          %max3A_144 = vector.broadcast %max3A : f32 to vector<16xf32>
          %max3A_145 = arith.maximumf %add3A_143, %max3A_144 : vector<16xf32>
          %swap3A = arith.index_cast %scan3A_130 : i32 to index
          %swap3A_146 = arith.constant 0 : index
          %swap3A_147 = tpu.vector_load %arg12[%swap3A, %swap3A_146] {strides = array<i32>} : memref<1000x16xf32, #tpu.memory_space<vmem>>, vector<1x16xf32>,
          %swap3A_148 = vector.shape_cast %swap3A_147 : vector<1x16xf32> to vector<16xf32>
          %swap3A_149 = vector.shape_cast %max3A_145 : vector<16xf32> to vector<1x16xf32>
          tpu.vector_store %arg12[%swap3A, %swap3A_146], %swap3A_149 {strides = array<i32>} : memref<1000x16xf32, #tpu.memory_space<vmem>>, vector<1x16xf32>,
        }
        %scan3A_124 = arith.constant 1000 : i32
        %mul3A_125 = arith.constant 1000 : i32
        %mul3A_126 = arith.muli %add3A_74, %mul3A_125 : i32
        %dma_start3A = arith.constant 0 : i32
        %dma_start3A_127 = tpu.memref_slice %arg6[%mul3A_126, %dma_start3A] : memref<320000x16xf32, #tpu.memory_space<hbm>> -> memref<1000x16xf32, #tpu.memory_space<hbm>>
        %dma_start3A_128 = arith.constant 0 : i32
        %dma_start3A_129 = tpu.memref_slice %arg6[%mul3A_126, %dma_start3A_128] : memref<320000x16xf32, #tpu.memory_space<hbm>> -> memref<1000x16xf32, #tpu.memory_space<hbm>>
        tpu.enqueue_dma source(%arg12 : memref<1000x16xf32, #tpu.memory_space<vmem>>) target(%dma_start3A_129 : memref<1000x16xf32, #tpu.memory_space<hbm>>) target_semaphore(%arg22 : memref<!tpu.dma_semaphore, #tpu.memory_space<semaphore_mem>>)
        "tpu.region"() ({
          %run_scoped3A = tpu.sem_alloc : memref<!tpu.dma_semaphore, #tpu.memory_space<semaphore_mem>>
          %dma_start3A_130 = arith.constant 0 : i32
          %dma_start3A_131 = arith.constant 0 : i32
          %dma_start3A_132 = tpu.memref_slice %arg19[%dma_start3A_130, %dma_start3A_131] : memref<10000x16xf32, #tpu.memory_space<vmem_shared>> -> memref<10000x16xf32, #tpu.memory_space<vmem_shared>>
          tpu.enqueue_indirect_dma source(%arg12 : memref<1000x16xf32, #tpu.memory_space<vmem>>) target(%dma_start3A_132 : memref<10000x16xf32, #tpu.memory_space<vmem_shared>>) offsets(%arg9 : memref<1000xi32, #tpu.memory_space<vmem>>) semaphore(%run_scoped3A : memref<!tpu.dma_semaphore, #tpu.memory_space<semaphore_mem>>) {add = true}
          %dma_wait3A = arith.constant 0 : i32
          %dma_wait3A_133 = arith.constant 0 : i32
          %dma_wait3A_134 = tpu.memref_slice %arg19[%dma_wait3A, %dma_wait3A_133] : memref<10000x16xf32, #tpu.memory_space<vmem_shared>> -> memref<10000x16xf32, #tpu.memory_space<vmem_shared>>
          tpu.wait_indirect_dma semaphore(%run_scoped3A : memref<!tpu.dma_semaphore, #tpu.memory_space<semaphore_mem>>) src(%arg12 : memref<1000x16xf32, #tpu.memory_space<vmem>>) dst(%dma_wait3A_134 : memref<10000x16xf32, #tpu.memory_space<vmem_shared>>)
          tpu.yield
        }) : () -> ()
      } else {
      }
      %add3A_80 = arith.constant 2 : i32
      %add3A_81 = arith.addi %mul3A_42, %add3A_80 : i32
      %mul3A_82 = arith.constant 32 : i32
      %mul3A_83 = arith.muli %add3A_81, %mul3A_82 : i32
      %add3A_84 = arith.addi %mul3A_83, %add3A : i32
      %sub3A_85 = arith.constant 2 : i32
      %sub3A_86 = arith.subi %add3A_81, %sub3A_85 : i32
      %mul3A_87 = arith.constant 32 : i32
      %mul3A_88 = arith.muli %sub3A_86, %mul3A_87 : i32
      %add3A_89 = arith.addi %mul3A_88, %add3A : i32
      %ge3A_90 = arith.constant 0 : i32
      %ge3A_91 = arith.cmpi sge, %sub3A_86, %ge3A_90 : i32
      %lt3A_92 = arith.constant 320 : i32
      %lt3A_93 = arith.cmpi slt, %add3A_89, %lt3A_92 : i32
      %and3A_94 = arith.andi %ge3A_91, %lt3A_93 : i1
      %convert_element_type3A_95 = arith.extui %and3A_94 : i1 to i32
      %cond3A_96 = arith.constant 0 : i32
      %cond3A_97 = arith.cmpi ne, %convert_element_type3A_95, %cond3A_96 : i32
      scf.if %cond3A_97 {
        %dma_wait3A = arith.constant 0 : i32
        %dma_wait3A_119 = arith.constant 0 : i32
        %dma_wait3A_120 = tpu.memref_slice %arg6[%dma_wait3A, %dma_wait3A_119] : memref<320000x16xf32, #tpu.memory_space<hbm>> -> memref<1000x16xf32, #tpu.memory_space<hbm>>
        %dma_wait3A_121 = arith.constant 0 : i32
        %dma_wait3A_122 = arith.constant 0 : i32
        %dma_wait3A_123 = tpu.memref_slice %arg6[%dma_wait3A_121, %dma_wait3A_122] : memref<320000x16xf32, #tpu.memory_space<hbm>> -> memref<1000x16xf32, #tpu.memory_space<hbm>>
        tpu.wait_dma2 semaphore(%arg22 : memref<!tpu.dma_semaphore, #tpu.memory_space<semaphore_mem>>) src(%arg12 : memref<1000x16xf32, #tpu.memory_space<vmem>>) dst(%dma_wait3A_123 : memref<1000x16xf32, #tpu.memory_space<hbm>>)
      } else {
      }
      %lt3A_98 = arith.constant 320 : i32
      %lt3A_99 = arith.cmpi slt, %add3A_84, %lt3A_98 : i32
      %convert_element_type3A_100 = arith.extui %lt3A_99 : i1 to i32
      %cond3A_101 = arith.constant 0 : i32
      %cond3A_102 = arith.cmpi ne, %convert_element_type3A_100, %cond3A_101 : i32
      scf.if %cond3A_102 {
        %mul3A_119 = arith.constant 1000 : i32
        %mul3A_120 = arith.muli %add3A_84, %mul3A_119 : i32
        %run_scoped3A = arith.constant 0 : i32
        "tpu.region"() ({
          %run_scoped3A_135 = tpu.sem_alloc : memref<!tpu.dma_semaphore, #tpu.memory_space<semaphore_mem>>
          %dma_start3A_136 = tpu.memref_slice %arg2[%run_scoped3A, %mul3A_120] : memref<2x320000xi32, #tpu.memory_space<hbm>> -> memref<1x1000xi32, #tpu.memory_space<hbm>>
          %dma_start3A_137 = tpu.memref_squeeze %dma_start3A_136 : memref<1x1000xi32, #tpu.memory_space<hbm>> -> memref<1000xi32, #tpu.memory_space<hbm>>
          %dma_start3A_138 = tpu.memref_slice %arg2[%run_scoped3A, %mul3A_120] : memref<2x320000xi32, #tpu.memory_space<hbm>> -> memref<1x1000xi32, #tpu.memory_space<hbm>>
          %dma_start3A_139 = tpu.memref_squeeze %dma_start3A_138 : memref<1x1000xi32, #tpu.memory_space<hbm>> -> memref<1000xi32, #tpu.memory_space<hbm>>
          tpu.enqueue_dma source(%dma_start3A_139 : memref<1000xi32, #tpu.memory_space<hbm>>) target(%arg8 : memref<1000xi32, #tpu.memory_space<vmem>>) target_semaphore(%run_scoped3A_135 : memref<!tpu.dma_semaphore, #tpu.memory_space<semaphore_mem>>)
          %dma_wait3A = tpu.memref_slice %arg2[%run_scoped3A, %mul3A_120] : memref<2x320000xi32, #tpu.memory_space<hbm>> -> memref<1x1000xi32, #tpu.memory_space<hbm>>
          %dma_wait3A_140 = tpu.memref_squeeze %dma_wait3A : memref<1x1000xi32, #tpu.memory_space<hbm>> -> memref<1000xi32, #tpu.memory_space<hbm>>
          %dma_wait3A_141 = tpu.memref_slice %arg2[%run_scoped3A, %mul3A_120] : memref<2x320000xi32, #tpu.memory_space<hbm>> -> memref<1x1000xi32, #tpu.memory_space<hbm>>
          %dma_wait3A_142 = tpu.memref_squeeze %dma_wait3A_141 : memref<1x1000xi32, #tpu.memory_space<hbm>> -> memref<1000xi32, #tpu.memory_space<hbm>>
          tpu.wait_dma2 semaphore(%run_scoped3A_135 : memref<!tpu.dma_semaphore, #tpu.memory_space<semaphore_mem>>) src(%dma_wait3A_142 : memref<1000xi32, #tpu.memory_space<hbm>>) dst(%arg8 : memref<1000xi32, #tpu.memory_space<vmem>>)
          tpu.yield
        }) : () -> ()
        %mul3A_121 = arith.constant 1000 : i32
        %mul3A_122 = arith.muli %add3A_84, %mul3A_121 : i32
        %run_scoped3A_123 = arith.constant 1 : i32
        "tpu.region"() ({
          %run_scoped3A_135 = tpu.sem_alloc : memref<!tpu.dma_semaphore, #tpu.memory_space<semaphore_mem>>
          %dma_start3A_136 = tpu.memref_slice %arg2[%run_scoped3A_123, %mul3A_122] : memref<2x320000xi32, #tpu.memory_space<hbm>> -> memref<1x1000xi32, #tpu.memory_space<hbm>>
          %dma_start3A_137 = tpu.memref_squeeze %dma_start3A_136 : memref<1x1000xi32, #tpu.memory_space<hbm>> -> memref<1000xi32, #tpu.memory_space<hbm>>
          %dma_start3A_138 = tpu.memref_slice %arg2[%run_scoped3A_123, %mul3A_122] : memref<2x320000xi32, #tpu.memory_space<hbm>> -> memref<1x1000xi32, #tpu.memory_space<hbm>>
          %dma_start3A_139 = tpu.memref_squeeze %dma_start3A_138 : memref<1x1000xi32, #tpu.memory_space<hbm>> -> memref<1000xi32, #tpu.memory_space<hbm>>
          tpu.enqueue_dma source(%dma_start3A_139 : memref<1000xi32, #tpu.memory_space<hbm>>) target(%arg9 : memref<1000xi32, #tpu.memory_space<vmem>>) target_semaphore(%run_scoped3A_135 : memref<!tpu.dma_semaphore, #tpu.memory_space<semaphore_mem>>)
          %dma_wait3A = tpu.memref_slice %arg2[%run_scoped3A_123, %mul3A_122] : memref<2x320000xi32, #tpu.memory_space<hbm>> -> memref<1x1000xi32, #tpu.memory_space<hbm>>
          %dma_wait3A_140 = tpu.memref_squeeze %dma_wait3A : memref<1x1000xi32, #tpu.memory_space<hbm>> -> memref<1000xi32, #tpu.memory_space<hbm>>
          %dma_wait3A_141 = tpu.memref_slice %arg2[%run_scoped3A_123, %mul3A_122] : memref<2x320000xi32, #tpu.memory_space<hbm>> -> memref<1x1000xi32, #tpu.memory_space<hbm>>
          %dma_wait3A_142 = tpu.memref_squeeze %dma_wait3A_141 : memref<1x1000xi32, #tpu.memory_space<hbm>> -> memref<1000xi32, #tpu.memory_space<hbm>>
          tpu.wait_dma2 semaphore(%run_scoped3A_135 : memref<!tpu.dma_semaphore, #tpu.memory_space<semaphore_mem>>) src(%dma_wait3A_142 : memref<1000xi32, #tpu.memory_space<hbm>>) dst(%arg9 : memref<1000xi32, #tpu.memory_space<vmem>>)
          tpu.yield
        }) : () -> ()
        %dma_start3A = arith.constant 0 : i32
        %dma_start3A_124 = arith.constant 0 : i32
        %dma_start3A_125 = tpu.memref_slice %arg3[%dma_start3A, %dma_start3A_124] : memref<10000x16xf32, #tpu.memory_space<hbm>> -> memref<10000x16xf32, #tpu.memory_space<hbm>>
        tpu.enqueue_indirect_dma source(%dma_start3A_125 : memref<10000x16xf32, #tpu.memory_space<hbm>>) target(%arg10 : memref<1000x16xf32, #tpu.memory_space<vmem>>) offsets(%arg8 : memref<1000xi32, #tpu.memory_space<vmem>>) semaphore(%arg20 : memref<!tpu.dma_semaphore, #tpu.memory_space<semaphore_mem>>)
        %dma_start3A_126 = arith.constant 0 : i32
        %dma_start3A_127 = arith.constant 0 : i32
        %dma_start3A_128 = tpu.memref_slice %arg4[%dma_start3A_126, %dma_start3A_127] : memref<10000x16xf32, #tpu.memory_space<hbm>> -> memref<10000x16xf32, #tpu.memory_space<hbm>>
        tpu.enqueue_indirect_dma source(%dma_start3A_128 : memref<10000x16xf32, #tpu.memory_space<hbm>>) target(%arg11 : memref<1000x16xf32, #tpu.memory_space<vmem>>) offsets(%arg9 : memref<1000xi32, #tpu.memory_space<vmem>>) semaphore(%arg20 : memref<!tpu.dma_semaphore, #tpu.memory_space<semaphore_mem>>)
        %mul3A_129 = arith.constant 1000 : i32
        %mul3A_130 = arith.muli %add3A_84, %mul3A_129 : i32
        %dma_start3A_131 = arith.constant 0 : i32
        %dma_start3A_132 = tpu.memref_slice %arg5[%mul3A_130, %dma_start3A_131] : memref<320000x16xf32, #tpu.memory_space<hbm>> -> memref<1000x16xf32, #tpu.memory_space<hbm>>
        %dma_start3A_133 = arith.constant 0 : i32
        %dma_start3A_134 = tpu.memref_slice %arg5[%mul3A_130, %dma_start3A_133] : memref<320000x16xf32, #tpu.memory_space<hbm>> -> memref<1000x16xf32, #tpu.memory_space<hbm>>
        tpu.enqueue_dma source(%dma_start3A_134 : memref<1000x16xf32, #tpu.memory_space<hbm>>) target(%arg12 : memref<1000x16xf32, #tpu.memory_space<vmem>>) target_semaphore(%arg20 : memref<!tpu.dma_semaphore, #tpu.memory_space<semaphore_mem>>)
      } else {
      }
      %mul3A_103 = arith.constant 32 : i32
      %mul3A_104 = arith.muli %add3A_44, %mul3A_103 : i32
      %add3A_105 = arith.addi %mul3A_104, %add3A : i32
      %lt3A_106 = arith.constant 320 : i32
      %lt3A_107 = arith.cmpi slt, %add3A_105, %lt3A_106 : i32
      %convert_element_type3A_108 = arith.extui %lt3A_107 : i1 to i32
      %cond3A_109 = arith.constant 0 : i32
      %cond3A_110 = arith.cmpi ne, %convert_element_type3A_108, %cond3A_109 : i32
      scf.if %cond3A_110 {
        %dma_wait3A = arith.constant 0 : i32
        %dma_wait3A_119 = arith.constant 0 : i32
        %dma_wait3A_120 = tpu.memref_slice %arg3[%dma_wait3A, %dma_wait3A_119] : memref<10000x16xf32, #tpu.memory_space<hbm>> -> memref<1000x16xf32, #tpu.memory_space<hbm>>
        %dma_wait3A_121 = arith.constant 0 : i32
        %dma_wait3A_122 = arith.constant 0 : i32
        %dma_wait3A_123 = tpu.memref_slice %arg3[%dma_wait3A_121, %dma_wait3A_122] : memref<10000x16xf32, #tpu.memory_space<hbm>> -> memref<1000x16xf32, #tpu.memory_space<hbm>>
        tpu.wait_dma2 semaphore(%arg21 : memref<!tpu.dma_semaphore, #tpu.memory_space<semaphore_mem>>) src(%dma_wait3A_123 : memref<1000x16xf32, #tpu.memory_space<hbm>>) dst(%arg15 : memref<1000x16xf32, #tpu.memory_space<vmem>>)
        %dma_wait3A_124 = arith.constant 0 : i32
        %dma_wait3A_125 = arith.constant 0 : i32
        %dma_wait3A_126 = tpu.memref_slice %arg3[%dma_wait3A_124, %dma_wait3A_125] : memref<10000x16xf32, #tpu.memory_space<hbm>> -> memref<1000x16xf32, #tpu.memory_space<hbm>>
        %dma_wait3A_127 = arith.constant 0 : i32
        %dma_wait3A_128 = arith.constant 0 : i32
        %dma_wait3A_129 = tpu.memref_slice %arg3[%dma_wait3A_127, %dma_wait3A_128] : memref<10000x16xf32, #tpu.memory_space<hbm>> -> memref<1000x16xf32, #tpu.memory_space<hbm>>
        tpu.wait_dma2 semaphore(%arg21 : memref<!tpu.dma_semaphore, #tpu.memory_space<semaphore_mem>>) src(%dma_wait3A_129 : memref<1000x16xf32, #tpu.memory_space<hbm>>) dst(%arg16 : memref<1000x16xf32, #tpu.memory_space<vmem>>)
        %dma_wait3A_130 = arith.constant 0 : i32
        %dma_wait3A_131 = arith.constant 0 : i32
        %dma_wait3A_132 = tpu.memref_slice %arg5[%dma_wait3A_130, %dma_wait3A_131] : memref<320000x16xf32, #tpu.memory_space<hbm>> -> memref<1000x16xf32, #tpu.memory_space<hbm>>
        %dma_wait3A_133 = arith.constant 0 : i32
        %dma_wait3A_134 = arith.constant 0 : i32
        %dma_wait3A_135 = tpu.memref_slice %arg5[%dma_wait3A_133, %dma_wait3A_134] : memref<320000x16xf32, #tpu.memory_space<hbm>> -> memref<1000x16xf32, #tpu.memory_space<hbm>>
        tpu.wait_dma2 semaphore(%arg21 : memref<!tpu.dma_semaphore, #tpu.memory_space<semaphore_mem>>) src(%dma_wait3A_135 : memref<1000x16xf32, #tpu.memory_space<hbm>>) dst(%arg17 : memref<1000x16xf32, #tpu.memory_space<vmem>>)
      } else {
      }
      %mul3A_111 = arith.constant 32 : i32
      %mul3A_112 = arith.muli %add3A_44, %mul3A_111 : i32
      %add3A_113 = arith.addi %mul3A_112, %add3A : i32
      %lt3A_114 = arith.constant 320 : i32
      %lt3A_115 = arith.cmpi slt, %add3A_113, %lt3A_114 : i32
      %convert_element_type3A_116 = arith.extui %lt3A_115 : i1 to i32
      %cond3A_117 = arith.constant 0 : i32
      %cond3A_118 = arith.cmpi ne, %convert_element_type3A_116, %cond3A_117 : i32
      scf.if %cond3A_118 {
        %scan3A_119 = arith.constant 0 : i32
        %scan3A_120 = arith.constant 0 : i32
        %scan3A_121 = arith.constant 1000 : i32
        %scan3A_122 = arith.addi %scan3A_120, %scan3A_121 : i32
        %scan3A_123 = arith.constant 1 : i32
        scf.for %scan3A_130 = %scan3A_120 to %scan3A_122 step %scan3A_123  : i32 {
          %get3A = arith.index_cast %scan3A_130 : i32 to index
          %get3A_131 = arith.constant 0 : index
          %get3A_132 = tpu.vector_load %arg15[%get3A, %get3A_131] {strides = array<i32>} : memref<1000x16xf32, #tpu.memory_space<vmem>>, vector<1x16xf32>,
          %get3A_133 = vector.shape_cast %get3A_132 : vector<1x16xf32> to vector<16xf32>
          %get3A_134 = arith.index_cast %scan3A_130 : i32 to index
          %get3A_135 = arith.constant 0 : index
          %get3A_136 = tpu.vector_load %arg16[%get3A_134, %get3A_135] {strides = array<i32>} : memref<1000x16xf32, #tpu.memory_space<vmem>>, vector<1x16xf32>,
          %get3A_137 = vector.shape_cast %get3A_136 : vector<1x16xf32> to vector<16xf32>
          %add3A_138 = arith.addf %get3A_133, %get3A_137 : vector<16xf32>
          %get3A_139 = arith.index_cast %scan3A_130 : i32 to index
          %get3A_140 = arith.constant 0 : index
          %get3A_141 = tpu.vector_load %arg17[%get3A_139, %get3A_140] {strides = array<i32>} : memref<1000x16xf32, #tpu.memory_space<vmem>>, vector<1x16xf32>,
          %get3A_142 = vector.shape_cast %get3A_141 : vector<1x16xf32> to vector<16xf32>
          %add3A_143 = arith.addf %add3A_138, %get3A_142 : vector<16xf32>
          %max3A = arith.constant 0.000000e+00 : f32
          %max3A_144 = vector.broadcast %max3A : f32 to vector<16xf32>
          %max3A_145 = arith.maximumf %add3A_143, %max3A_144 : vector<16xf32>
          %swap3A = arith.index_cast %scan3A_130 : i32 to index
          %swap3A_146 = arith.constant 0 : index
          %swap3A_147 = tpu.vector_load %arg17[%swap3A, %swap3A_146] {strides = array<i32>} : memref<1000x16xf32, #tpu.memory_space<vmem>>, vector<1x16xf32>,
          %swap3A_148 = vector.shape_cast %swap3A_147 : vector<1x16xf32> to vector<16xf32>
          %swap3A_149 = vector.shape_cast %max3A_145 : vector<16xf32> to vector<1x16xf32>
          tpu.vector_store %arg17[%swap3A, %swap3A_146], %swap3A_149 {strides = array<i32>} : memref<1000x16xf32, #tpu.memory_space<vmem>>, vector<1x16xf32>,
        }
        %scan3A_124 = arith.constant 1000 : i32
        %mul3A_125 = arith.constant 1000 : i32
        %mul3A_126 = arith.muli %add3A_113, %mul3A_125 : i32
        %dma_start3A = arith.constant 0 : i32
        %dma_start3A_127 = tpu.memref_slice %arg6[%mul3A_126, %dma_start3A] : memref<320000x16xf32, #tpu.memory_space<hbm>> -> memref<1000x16xf32, #tpu.memory_space<hbm>>
        %dma_start3A_128 = arith.constant 0 : i32
        %dma_start3A_129 = tpu.memref_slice %arg6[%mul3A_126, %dma_start3A_128] : memref<320000x16xf32, #tpu.memory_space<hbm>> -> memref<1000x16xf32, #tpu.memory_space<hbm>>
        tpu.enqueue_dma source(%arg17 : memref<1000x16xf32, #tpu.memory_space<vmem>>) target(%dma_start3A_129 : memref<1000x16xf32, #tpu.memory_space<hbm>>) target_semaphore(%arg23 : memref<!tpu.dma_semaphore, #tpu.memory_space<semaphore_mem>>)
        "tpu.region"() ({
          %run_scoped3A = tpu.sem_alloc : memref<!tpu.dma_semaphore, #tpu.memory_space<semaphore_mem>>
          %dma_start3A_130 = arith.constant 0 : i32
          %dma_start3A_131 = arith.constant 0 : i32
          %dma_start3A_132 = tpu.memref_slice %arg19[%dma_start3A_130, %dma_start3A_131] : memref<10000x16xf32, #tpu.memory_space<vmem_shared>> -> memref<10000x16xf32, #tpu.memory_space<vmem_shared>>
          tpu.enqueue_indirect_dma source(%arg17 : memref<1000x16xf32, #tpu.memory_space<vmem>>) target(%dma_start3A_132 : memref<10000x16xf32, #tpu.memory_space<vmem_shared>>) offsets(%arg14 : memref<1000xi32, #tpu.memory_space<vmem>>) semaphore(%run_scoped3A : memref<!tpu.dma_semaphore, #tpu.memory_space<semaphore_mem>>) {add = true}
          %dma_wait3A = arith.constant 0 : i32
          %dma_wait3A_133 = arith.constant 0 : i32
          %dma_wait3A_134 = tpu.memref_slice %arg19[%dma_wait3A, %dma_wait3A_133] : memref<10000x16xf32, #tpu.memory_space<vmem_shared>> -> memref<10000x16xf32, #tpu.memory_space<vmem_shared>>
          tpu.wait_indirect_dma semaphore(%run_scoped3A : memref<!tpu.dma_semaphore, #tpu.memory_space<semaphore_mem>>) src(%arg17 : memref<1000x16xf32, #tpu.memory_space<vmem>>) dst(%dma_wait3A_134 : memref<10000x16xf32, #tpu.memory_space<vmem_shared>>)
          tpu.yield
        }) : () -> ()
      } else {
      }
    }
    %scan3A_25 = arith.constant 5 : i32
    %add3A_26 = arith.constant 288 : i32
    %add3A_27 = arith.addi %add3A_26, %add3A : i32
    %lt3A_28 = arith.constant 320 : i32
    %lt3A_29 = arith.cmpi slt, %add3A_27, %lt3A_28 : i32
    %and3A_30 = arith.constant true
    %and3A_31 = arith.andi %and3A_30, %lt3A_29 : i1
    %convert_element_type3A_32 = arith.extui %and3A_31 : i1 to i32
    %cond3A_33 = arith.constant 0 : i32
    %cond3A_34 = arith.cmpi ne, %convert_element_type3A_32, %cond3A_33 : i32
    scf.if %cond3A_34 {
      %dma_wait3A = arith.constant 0 : i32
      %dma_wait3A_40 = arith.constant 0 : i32
      %dma_wait3A_41 = tpu.memref_slice %arg6[%dma_wait3A, %dma_wait3A_40] : memref<320000x16xf32, #tpu.memory_space<hbm>> -> memref<1000x16xf32, #tpu.memory_space<hbm>>
      %dma_wait3A_42 = arith.constant 0 : i32
      %dma_wait3A_43 = arith.constant 0 : i32
      %dma_wait3A_44 = tpu.memref_slice %arg6[%dma_wait3A_42, %dma_wait3A_43] : memref<320000x16xf32, #tpu.memory_space<hbm>> -> memref<1000x16xf32, #tpu.memory_space<hbm>>
      tpu.wait_dma2 semaphore(%arg23 : memref<!tpu.dma_semaphore, #tpu.memory_space<semaphore_mem>>) src(%arg17 : memref<1000x16xf32, #tpu.memory_space<vmem>>) dst(%dma_wait3A_44 : memref<1000x16xf32, #tpu.memory_space<hbm>>)
    } else {
    }
    %barrier3A_35 = arith.constant 0 : index
    tpu.barrier barrier_id(%barrier3A_35)
    %mul3A_36 = arith.constant 625 : i32
    %mul3A_37 = arith.muli %arg1, %mul3A_36 : i32
    "tpu.region"() ({
      %run_scoped3A = tpu.sem_alloc : memref<!tpu.dma_semaphore, #tpu.memory_space<semaphore_mem>>
      %dma_start3A = arith.constant 0 : i32
      %dma_start3A_40 = tpu.memref_slice %arg19[%mul3A_37, %dma_start3A] : memref<10000x16xf32, #tpu.memory_space<vmem_shared>> -> memref<625x16xf32, #tpu.memory_space<vmem_shared>>
      %dma_start3A_41 = arith.constant 0 : i32
      %dma_start3A_42 = tpu.memref_slice %arg19[%mul3A_37, %dma_start3A_41] : memref<10000x16xf32, #tpu.memory_space<vmem_shared>> -> memref<625x16xf32, #tpu.memory_space<vmem_shared>>
      tpu.enqueue_dma source(%dma_start3A_42 : memref<625x16xf32, #tpu.memory_space<vmem_shared>>) target(%arg18 : memref<625x16xf32, #tpu.memory_space<vmem>>) target_semaphore(%run_scoped3A : memref<!tpu.dma_semaphore, #tpu.memory_space<semaphore_mem>>)
      %dma_wait3A = arith.constant 0 : i32
      %dma_wait3A_43 = tpu.memref_slice %arg19[%mul3A_37, %dma_wait3A] : memref<10000x16xf32, #tpu.memory_space<vmem_shared>> -> memref<625x16xf32, #tpu.memory_space<vmem_shared>>
      %dma_wait3A_44 = arith.constant 0 : i32
      %dma_wait3A_45 = tpu.memref_slice %arg19[%mul3A_37, %dma_wait3A_44] : memref<10000x16xf32, #tpu.memory_space<vmem_shared>> -> memref<625x16xf32, #tpu.memory_space<vmem_shared>>
      tpu.wait_dma2 semaphore(%run_scoped3A : memref<!tpu.dma_semaphore, #tpu.memory_space<semaphore_mem>>) src(%dma_wait3A_45 : memref<625x16xf32, #tpu.memory_space<vmem_shared>>) dst(%arg18 : memref<625x16xf32, #tpu.memory_space<vmem>>)
      tpu.yield
    }) : () -> ()
    %mul3A_38 = arith.constant 625 : i32
    %mul3A_39 = arith.muli %arg1, %mul3A_38 : i32
    "tpu.region"() ({
      %run_scoped3A = tpu.sem_alloc : memref<!tpu.dma_semaphore, #tpu.memory_space<semaphore_mem>>
      %dma_start3A = arith.constant 0 : i32
      %dma_start3A_40 = tpu.memref_slice %arg7[%arg0, %mul3A_39, %dma_start3A] : memref<2x10000x16xf32, #tpu.memory_space<hbm>> -> memref<1x625x16xf32, #tpu.memory_space<hbm>>
      %dma_start3A_41 = tpu.memref_squeeze %dma_start3A_40 : memref<1x625x16xf32, #tpu.memory_space<hbm>> -> memref<625x16xf32, #tpu.memory_space<hbm>>
      %dma_start3A_42 = arith.constant 0 : i32
      %dma_start3A_43 = tpu.memref_slice %arg7[%arg0, %mul3A_39, %dma_start3A_42] : memref<2x10000x16xf32, #tpu.memory_space<hbm>> -> memref<1x625x16xf32, #tpu.memory_space<hbm>>
      %dma_start3A_44 = tpu.memref_squeeze %dma_start3A_43 : memref<1x625x16xf32, #tpu.memory_space<hbm>> -> memref<625x16xf32, #tpu.memory_space<hbm>>
      tpu.enqueue_dma source(%arg18 : memref<625x16xf32, #tpu.memory_space<vmem>>) target(%dma_start3A_44 : memref<625x16xf32, #tpu.memory_space<hbm>>) target_semaphore(%run_scoped3A : memref<!tpu.dma_semaphore, #tpu.memory_space<semaphore_mem>>)
      %dma_wait3A = arith.constant 0 : i32
      %dma_wait3A_45 = tpu.memref_slice %arg7[%arg0, %mul3A_39, %dma_wait3A] : memref<2x10000x16xf32, #tpu.memory_space<hbm>> -> memref<1x625x16xf32, #tpu.memory_space<hbm>>
      %dma_wait3A_46 = tpu.memref_squeeze %dma_wait3A_45 : memref<1x625x16xf32, #tpu.memory_space<hbm>> -> memref<625x16xf32, #tpu.memory_space<hbm>>
      %dma_wait3A_47 = arith.constant 0 : i32
      %dma_wait3A_48 = tpu.memref_slice %arg7[%arg0, %mul3A_39, %dma_wait3A_47] : memref<2x10000x16xf32, #tpu.memory_space<hbm>> -> memref<1x625x16xf32, #tpu.memory_space<hbm>>
      %dma_wait3A_49 = tpu.memref_squeeze %dma_wait3A_48 : memref<1x625x16xf32, #tpu.memory_space<hbm>> -> memref<625x16xf32, #tpu.memory_space<hbm>>
      tpu.wait_dma2 semaphore(%run_scoped3A : memref<!tpu.dma_semaphore, #tpu.memory_space<semaphore_mem>>) src(%arg18 : memref<625x16xf32, #tpu.memory_space<vmem>>) dst(%dma_wait3A_49 : memref<625x16xf32, #tpu.memory_space<hbm>>)
      tpu.yield
    }) : () -> ()
    return
  }
}

#map = affine_map<(d0, d1) -> (0, 0)>
#map1 = affine_map<(d0, d1) -> (0, 0, 0)>
module attributes {stable_mosaic.version = 14 : i64} {
  func.func @body(%arg0: i32, %arg1: i32, %arg2: memref<2x320000xi32, #tpu.memory_space<hbm>>, %arg3: memref<10000x16xf32, #tpu.memory_space<hbm>>, %arg4: memref<10000x16xf32, #tpu.memory_space<hbm>>, %arg5: memref<320000x16xf32, #tpu.memory_space<hbm>>, %arg6: memref<320000x16xf32, #tpu.memory_space<hbm>>, %arg7: memref<2x10000x16xf32, #tpu.memory_space<hbm>>, %arg8: memref<1000xi32, #tpu.memory_space<vmem>>, %arg9: memref<1000xi32, #tpu.memory_space<vmem>>, %arg10: memref<1000x16xf32, #tpu.memory_space<vmem>>, %arg11: memref<1000x16xf32, #tpu.memory_space<vmem>>, %arg12: memref<1000x16xf32, #tpu.memory_space<vmem>>, %arg13: memref<1000xi32, #tpu.memory_space<vmem>>, %arg14: memref<1000xi32, #tpu.memory_space<vmem>>, %arg15: memref<1000x16xf32, #tpu.memory_space<vmem>>, %arg16: memref<1000x16xf32, #tpu.memory_space<vmem>>, %arg17: memref<1000x16xf32, #tpu.memory_space<vmem>>, %arg18: memref<625x16xf32, #tpu.memory_space<vmem>>, %arg19: memref<10000x16xf32, #tpu.memory_space<vmem_shared>>, %arg20: memref<!tpu.dma_semaphore, #tpu.memory_space<semaphore_mem>>, %arg21: memref<!tpu.dma_semaphore, #tpu.memory_space<semaphore_mem>>, %arg22: memref<!tpu.dma_semaphore, #tpu.memory_space<semaphore_mem>>, %arg23: memref<!tpu.dma_semaphore, #tpu.memory_space<semaphore_mem>>) attributes {dimension_semantics = [#tpu.dimension_semantics<core_parallel>, #tpu.dimension_semantics<subcore_parallel>], iteration_bounds = array<i64: 2, 16>, scalar_prefetch = 0 : i64, scratch_operands = 16 : i64, tpu.core_type = #tpu.core_type<sc_vector_subcore>, window_params = [{transform_indices = #map}, {transform_indices = #map}, {transform_indices = #map}, {transform_indices = #map}, {transform_indices = #map}, {transform_indices = #map1}]} {
    %mul3A = arith.constant 2 : i32
    %mul3A_0 = arith.muli %arg1, %mul3A : i32
    %add3A = arith.addi %mul3A_0, %arg0 : i32
    %add3A_1 = arith.constant 0 : i32
    %add3A_2 = arith.addi %add3A_1, %add3A : i32
    %add3A_3 = arith.constant -64 : i32
    %add3A_4 = arith.addi %add3A_3, %add3A : i32
    %lt3A = arith.constant 320 : i32
    %lt3A_5 = arith.cmpi slt, %add3A_4, %lt3A : i32
    %and3A = arith.constant false
    %and3A_6 = arith.andi %and3A, %lt3A_5 : i1
    %convert_element_type3A = arith.extui %and3A_6 : i1 to i32
    %cond3A = arith.constant 0 : i32
    %cond3A_7 = arith.cmpi ne, %convert_element_type3A, %cond3A : i32
    scf.if %cond3A_7 {
      %dma_wait3A = arith.constant 0 : i32
      %dma_wait3A_40 = arith.constant 0 : i32
      %dma_wait3A_41 = tpu.memref_slice %arg6[%dma_wait3A, %dma_wait3A_40] : memref<320000x16xf32, #tpu.memory_space<hbm>> -> memref<1000x16xf32, #tpu.memory_space<hbm>>
      %dma_wait3A_42 = arith.constant 0 : i32
      %dma_wait3A_43 = arith.constant 0 : i32
      %dma_wait3A_44 = tpu.memref_slice %arg6[%dma_wait3A_42, %dma_wait3A_43] : memref<320000x16xf32, #tpu.memory_space<hbm>> -> memref<1000x16xf32, #tpu.memory_space<hbm>>
      tpu.wait_dma2 semaphore(%arg22 : memref<!tpu.dma_semaphore, #tpu.memory_space<semaphore_mem>>) src(%arg12 : memref<1000x16xf32, #tpu.memory_space<vmem>>) dst(%dma_wait3A_44 : memref<1000x16xf32, #tpu.memory_space<hbm>>)
    } else {
    }
    %lt3A_8 = arith.constant 320 : i32
    %lt3A_9 = arith.cmpi slt, %add3A_2, %lt3A_8 : i32
    %convert_element_type3A_10 = arith.extui %lt3A_9 : i1 to i32
    %cond3A_11 = arith.constant 0 : i32
    %cond3A_12 = arith.cmpi ne, %convert_element_type3A_10, %cond3A_11 : i32
    scf.if %cond3A_12 {
      %mul3A_40 = arith.constant 1000 : i32
      %mul3A_41 = arith.muli %add3A_2, %mul3A_40 : i32
      %run_scoped3A = arith.constant 0 : i32
      "tpu.region"() ({
        %run_scoped3A_56 = tpu.sem_alloc : memref<!tpu.dma_semaphore, #tpu.memory_space<semaphore_mem>>
        %dma_start3A_57 = tpu.memref_slice %arg2[%run_scoped3A, %mul3A_41] : memref<2x320000xi32, #tpu.memory_space<hbm>> -> memref<1x1000xi32, #tpu.memory_space<hbm>>
        %dma_start3A_58 = tpu.memref_squeeze %dma_start3A_57 : memref<1x1000xi32, #tpu.memory_space<hbm>> -> memref<1000xi32, #tpu.memory_space<hbm>>
        %dma_start3A_59 = tpu.memref_slice %arg2[%run_scoped3A, %mul3A_41] : memref<2x320000xi32, #tpu.memory_space<hbm>> -> memref<1x1000xi32, #tpu.memory_space<hbm>>
        %dma_start3A_60 = tpu.memref_squeeze %dma_start3A_59 : memref<1x1000xi32, #tpu.memory_space<hbm>> -> memref<1000xi32, #tpu.memory_space<hbm>>
        tpu.enqueue_dma source(%dma_start3A_60 : memref<1000xi32, #tpu.memory_space<hbm>>) target(%arg8 : memref<1000xi32, #tpu.memory_space<vmem>>) target_semaphore(%run_scoped3A_56 : memref<!tpu.dma_semaphore, #tpu.memory_space<semaphore_mem>>)
        %dma_wait3A = tpu.memref_slice %arg2[%run_scoped3A, %mul3A_41] : memref<2x320000xi32, #tpu.memory_space<hbm>> -> memref<1x1000xi32, #tpu.memory_space<hbm>>
        %dma_wait3A_61 = tpu.memref_squeeze %dma_wait3A : memref<1x1000xi32, #tpu.memory_space<hbm>> -> memref<1000xi32, #tpu.memory_space<hbm>>
        %dma_wait3A_62 = tpu.memref_slice %arg2[%run_scoped3A, %mul3A_41] : memref<2x320000xi32, #tpu.memory_space<hbm>> -> memref<1x1000xi32, #tpu.memory_space<hbm>>
        %dma_wait3A_63 = tpu.memref_squeeze %dma_wait3A_62 : memref<1x1000xi32, #tpu.memory_space<hbm>> -> memref<1000xi32, #tpu.memory_space<hbm>>
        tpu.wait_dma2 semaphore(%run_scoped3A_56 : memref<!tpu.dma_semaphore, #tpu.memory_space<semaphore_mem>>) src(%dma_wait3A_63 : memref<1000xi32, #tpu.memory_space<hbm>>) dst(%arg8 : memref<1000xi32, #tpu.memory_space<vmem>>)
        tpu.yield
      }) : () -> ()
      %mul3A_42 = arith.constant 1000 : i32
      %mul3A_43 = arith.muli %add3A_2, %mul3A_42 : i32
      %run_scoped3A_44 = arith.constant 1 : i32
      "tpu.region"() ({
        %run_scoped3A_56 = tpu.sem_alloc : memref<!tpu.dma_semaphore, #tpu.memory_space<semaphore_mem>>
        %dma_start3A_57 = tpu.memref_slice %arg2[%run_scoped3A_44, %mul3A_43] : memref<2x320000xi32, #tpu.memory_space<hbm>> -> memref<1x1000xi32, #tpu.memory_space<hbm>>
        %dma_start3A_58 = tpu.memref_squeeze %dma_start3A_57 : memref<1x1000xi32, #tpu.memory_space<hbm>> -> memref<1000xi32, #tpu.memory_space<hbm>>
        %dma_start3A_59 = tpu.memref_slice %arg2[%run_scoped3A_44, %mul3A_43] : memref<2x320000xi32, #tpu.memory_space<hbm>> -> memref<1x1000xi32, #tpu.memory_space<hbm>>
        %dma_start3A_60 = tpu.memref_squeeze %dma_start3A_59 : memref<1x1000xi32, #tpu.memory_space<hbm>> -> memref<1000xi32, #tpu.memory_space<hbm>>
        tpu.enqueue_dma source(%dma_start3A_60 : memref<1000xi32, #tpu.memory_space<hbm>>) target(%arg9 : memref<1000xi32, #tpu.memory_space<vmem>>) target_semaphore(%run_scoped3A_56 : memref<!tpu.dma_semaphore, #tpu.memory_space<semaphore_mem>>)
        %dma_wait3A = tpu.memref_slice %arg2[%run_scoped3A_44, %mul3A_43] : memref<2x320000xi32, #tpu.memory_space<hbm>> -> memref<1x1000xi32, #tpu.memory_space<hbm>>
        %dma_wait3A_61 = tpu.memref_squeeze %dma_wait3A : memref<1x1000xi32, #tpu.memory_space<hbm>> -> memref<1000xi32, #tpu.memory_space<hbm>>
        %dma_wait3A_62 = tpu.memref_slice %arg2[%run_scoped3A_44, %mul3A_43] : memref<2x320000xi32, #tpu.memory_space<hbm>> -> memref<1x1000xi32, #tpu.memory_space<hbm>>
        %dma_wait3A_63 = tpu.memref_squeeze %dma_wait3A_62 : memref<1x1000xi32, #tpu.memory_space<hbm>> -> memref<1000xi32, #tpu.memory_space<hbm>>
        tpu.wait_dma2 semaphore(%run_scoped3A_56 : memref<!tpu.dma_semaphore, #tpu.memory_space<semaphore_mem>>) src(%dma_wait3A_63 : memref<1000xi32, #tpu.memory_space<hbm>>) dst(%arg9 : memref<1000xi32, #tpu.memory_space<vmem>>)
        tpu.yield
      }) : () -> ()
      %dma_start3A = arith.constant 0 : i32
      %dma_start3A_45 = arith.constant 0 : i32
      %dma_start3A_46 = tpu.memref_slice %arg3[%dma_start3A, %dma_start3A_45] : memref<10000x16xf32, #tpu.memory_space<hbm>> -> memref<10000x16xf32, #tpu.memory_space<hbm>>
      tpu.enqueue_indirect_dma source(%dma_start3A_46 : memref<10000x16xf32, #tpu.memory_space<hbm>>) target(%arg10 : memref<1000x16xf32, #tpu.memory_space<vmem>>) offsets(%arg8 : memref<1000xi32, #tpu.memory_space<vmem>>) semaphore(%arg20 : memref<!tpu.dma_semaphore, #tpu.memory_space<semaphore_mem>>)
      %dma_start3A_47 = arith.constant 0 : i32
      %dma_start3A_48 = arith.constant 0 : i32
      %dma_start3A_49 = tpu.memref_slice %arg4[%dma_start3A_47, %dma_start3A_48] : memref<10000x16xf32, #tpu.memory_space<hbm>> -> memref<10000x16xf32, #tpu.memory_space<hbm>>
      tpu.enqueue_indirect_dma source(%dma_start3A_49 : memref<10000x16xf32, #tpu.memory_space<hbm>>) target(%arg11 : memref<1000x16xf32, #tpu.memory_space<vmem>>) offsets(%arg9 : memref<1000xi32, #tpu.memory_space<vmem>>) semaphore(%arg20 : memref<!tpu.dma_semaphore, #tpu.memory_space<semaphore_mem>>)
      %mul3A_50 = arith.constant 1000 : i32
      %mul3A_51 = arith.muli %add3A_2, %mul3A_50 : i32
      %dma_start3A_52 = arith.constant 0 : i32
      %dma_start3A_53 = tpu.memref_slice %arg5[%mul3A_51, %dma_start3A_52] : memref<320000x16xf32, #tpu.memory_space<hbm>> -> memref<1000x16xf32, #tpu.memory_space<hbm>>
      %dma_start3A_54 = arith.constant 0 : i32
      %dma_start3A_55 = tpu.memref_slice %arg5[%mul3A_51, %dma_start3A_54] : memref<320000x16xf32, #tpu.memory_space<hbm>> -> memref<1000x16xf32, #tpu.memory_space<hbm>>
      tpu.enqueue_dma source(%dma_start3A_55 : memref<1000x16xf32, #tpu.memory_space<hbm>>) target(%arg12 : memref<1000x16xf32, #tpu.memory_space<vmem>>) target_semaphore(%arg20 : memref<!tpu.dma_semaphore, #tpu.memory_space<semaphore_mem>>)
    } else {
    }
    %scan3A = arith.constant 0 : i32
    %scan3A_13 = arith.constant 0 : i32
    %scan3A_14 = arith.constant 625 : i32
    %scan3A_15 = arith.addi %scan3A_13, %scan3A_14 : i32
    %scan3A_16 = arith.constant 1 : i32
    scf.for %scan3A_40 = %scan3A_13 to %scan3A_15 step %scan3A_16  : i32 {
      %broadcast_in_dim3A = arith.constant 0.000000e+00 : f32
      %broadcast_in_dim3A_41 = vector.broadcast %broadcast_in_dim3A : f32 to vector<16xf32>
      %swap3A = arith.index_cast %scan3A_40 : i32 to index
      %swap3A_42 = arith.constant 0 : index
      %swap3A_43 = tpu.vector_load %arg18[%swap3A, %swap3A_42] {strides = array<i32>} : memref<625x16xf32, #tpu.memory_space<vmem>>, vector<1x16xf32>,
      %swap3A_44 = vector.shape_cast %swap3A_43 : vector<1x16xf32> to vector<16xf32>
      %swap3A_45 = vector.shape_cast %broadcast_in_dim3A_41 : vector<16xf32> to vector<1x16xf32>
      tpu.vector_store %arg18[%swap3A, %swap3A_42], %swap3A_45 {strides = array<i32>} : memref<625x16xf32, #tpu.memory_space<vmem>>, vector<1x16xf32>,
    }
    %scan3A_17 = arith.constant 625 : i32
    %mul3A_18 = arith.constant 625 : i32
    %mul3A_19 = arith.muli %arg1, %mul3A_18 : i32
    "tpu.region"() ({
      %run_scoped3A = tpu.sem_alloc : memref<!tpu.dma_semaphore, #tpu.memory_space<semaphore_mem>>
      %dma_start3A = arith.constant 0 : i32
      %dma_start3A_40 = tpu.memref_slice %arg19[%mul3A_19, %dma_start3A] : memref<10000x16xf32, #tpu.memory_space<vmem_shared>> -> memref<625x16xf32, #tpu.memory_space<vmem_shared>>
      %dma_start3A_41 = arith.constant 0 : i32
      %dma_start3A_42 = tpu.memref_slice %arg19[%mul3A_19, %dma_start3A_41] : memref<10000x16xf32, #tpu.memory_space<vmem_shared>> -> memref<625x16xf32, #tpu.memory_space<vmem_shared>>
      tpu.enqueue_dma source(%arg18 : memref<625x16xf32, #tpu.memory_space<vmem>>) target(%dma_start3A_42 : memref<625x16xf32, #tpu.memory_space<vmem_shared>>) target_semaphore(%run_scoped3A : memref<!tpu.dma_semaphore, #tpu.memory_space<semaphore_mem>>)
      %dma_wait3A = arith.constant 0 : i32
      %dma_wait3A_43 = tpu.memref_slice %arg19[%mul3A_19, %dma_wait3A] : memref<10000x16xf32, #tpu.memory_space<vmem_shared>> -> memref<625x16xf32, #tpu.memory_space<vmem_shared>>
      %dma_wait3A_44 = arith.constant 0 : i32
      %dma_wait3A_45 = tpu.memref_slice %arg19[%mul3A_19, %dma_wait3A_44] : memref<10000x16xf32, #tpu.memory_space<vmem_shared>> -> memref<625x16xf32, #tpu.memory_space<vmem_shared>>
      tpu.wait_dma2 semaphore(%run_scoped3A : memref<!tpu.dma_semaphore, #tpu.memory_space<semaphore_mem>>) src(%arg18 : memref<625x16xf32, #tpu.memory_space<vmem>>) dst(%dma_wait3A_45 : memref<625x16xf32, #tpu.memory_space<vmem_shared>>)
      tpu.yield
    }) : () -> ()
    %barrier3A = arith.constant 0 : index
    tpu.barrier barrier_id(%barrier3A)
    %scan3A_20 = arith.constant 0 : i32
    %scan3A_21 = arith.constant 0 : i32
    %scan3A_22 = arith.constant 5 : i32
    %scan3A_23 = arith.addi %scan3A_21, %scan3A_22 : i32
    %scan3A_24 = arith.constant 1 : i32
    scf.for %scan3A_40 = %scan3A_21 to %scan3A_23 step %scan3A_24  : i32 {
      %mul3A_41 = arith.constant 2 : i32
      %mul3A_42 = arith.muli %mul3A_41, %scan3A_40 : i32
      %add3A_43 = arith.constant 1 : i32
      %add3A_44 = arith.addi %mul3A_42, %add3A_43 : i32
      %mul3A_45 = arith.constant 32 : i32
      %mul3A_46 = arith.muli %add3A_44, %mul3A_45 : i32
      %add3A_47 = arith.addi %mul3A_46, %add3A : i32
      %sub3A = arith.constant 2 : i32
      %sub3A_48 = arith.subi %add3A_44, %sub3A : i32
      %mul3A_49 = arith.constant 32 : i32
      %mul3A_50 = arith.muli %sub3A_48, %mul3A_49 : i32
      %add3A_51 = arith.addi %mul3A_50, %add3A : i32
      %ge3A = arith.constant 0 : i32
      %ge3A_52 = arith.cmpi sge, %sub3A_48, %ge3A : i32
      %lt3A_53 = arith.constant 320 : i32
      %lt3A_54 = arith.cmpi slt, %add3A_51, %lt3A_53 : i32
      %and3A_55 = arith.andi %ge3A_52, %lt3A_54 : i1
      %convert_element_type3A_56 = arith.extui %and3A_55 : i1 to i32
      %cond3A_57 = arith.constant 0 : i32
      %cond3A_58 = arith.cmpi ne, %convert_element_type3A_56, %cond3A_57 : i32
      scf.if %cond3A_58 {
        %dma_wait3A = arith.constant 0 : i32
        %dma_wait3A_119 = arith.constant 0 : i32
        %dma_wait3A_120 = tpu.memref_slice %arg6[%dma_wait3A, %dma_wait3A_119] : memref<320000x16xf32, #tpu.memory_space<hbm>> -> memref<1000x16xf32, #tpu.memory_space<hbm>>
        %dma_wait3A_121 = arith.constant 0 : i32
        %dma_wait3A_122 = arith.constant 0 : i32
        %dma_wait3A_123 = tpu.memref_slice %arg6[%dma_wait3A_121, %dma_wait3A_122] : memref<320000x16xf32, #tpu.memory_space<hbm>> -> memref<1000x16xf32, #tpu.memory_space<hbm>>
        tpu.wait_dma2 semaphore(%arg23 : memref<!tpu.dma_semaphore, #tpu.memory_space<semaphore_mem>>) src(%arg17 : memref<1000x16xf32, #tpu.memory_space<vmem>>) dst(%dma_wait3A_123 : memref<1000x16xf32, #tpu.memory_space<hbm>>)
      } else {
      }
      %lt3A_59 = arith.constant 320 : i32
      %lt3A_60 = arith.cmpi slt, %add3A_47, %lt3A_59 : i32
      %convert_element_type3A_61 = arith.extui %lt3A_60 : i1 to i32
      %cond3A_62 = arith.constant 0 : i32
      %cond3A_63 = arith.cmpi ne, %convert_element_type3A_61, %cond3A_62 : i32
      scf.if %cond3A_63 {
        %mul3A_119 = arith.constant 1000 : i32
        %mul3A_120 = arith.muli %add3A_47, %mul3A_119 : i32
        %run_scoped3A = arith.constant 0 : i32
        "tpu.region"() ({
          %run_scoped3A_135 = tpu.sem_alloc : memref<!tpu.dma_semaphore, #tpu.memory_space<semaphore_mem>>
          %dma_start3A_136 = tpu.memref_slice %arg2[%run_scoped3A, %mul3A_120] : memref<2x320000xi32, #tpu.memory_space<hbm>> -> memref<1x1000xi32, #tpu.memory_space<hbm>>
          %dma_start3A_137 = tpu.memref_squeeze %dma_start3A_136 : memref<1x1000xi32, #tpu.memory_space<hbm>> -> memref<1000xi32, #tpu.memory_space<hbm>>
          %dma_start3A_138 = tpu.memref_slice %arg2[%run_scoped3A, %mul3A_120] : memref<2x320000xi32, #tpu.memory_space<hbm>> -> memref<1x1000xi32, #tpu.memory_space<hbm>>
          %dma_start3A_139 = tpu.memref_squeeze %dma_start3A_138 : memref<1x1000xi32, #tpu.memory_space<hbm>> -> memref<1000xi32, #tpu.memory_space<hbm>>
          tpu.enqueue_dma source(%dma_start3A_139 : memref<1000xi32, #tpu.memory_space<hbm>>) target(%arg13 : memref<1000xi32, #tpu.memory_space<vmem>>) target_semaphore(%run_scoped3A_135 : memref<!tpu.dma_semaphore, #tpu.memory_space<semaphore_mem>>)
          %dma_wait3A = tpu.memref_slice %arg2[%run_scoped3A, %mul3A_120] : memref<2x320000xi32, #tpu.memory_space<hbm>> -> memref<1x1000xi32, #tpu.memory_space<hbm>>
          %dma_wait3A_140 = tpu.memref_squeeze %dma_wait3A : memref<1x1000xi32, #tpu.memory_space<hbm>> -> memref<1000xi32, #tpu.memory_space<hbm>>
          %dma_wait3A_141 = tpu.memref_slice %arg2[%run_scoped3A, %mul3A_120] : memref<2x320000xi32, #tpu.memory_space<hbm>> -> memref<1x1000xi32, #tpu.memory_space<hbm>>
          %dma_wait3A_142 = tpu.memref_squeeze %dma_wait3A_141 : memref<1x1000xi32, #tpu.memory_space<hbm>> -> memref<1000xi32, #tpu.memory_space<hbm>>
          tpu.wait_dma2 semaphore(%run_scoped3A_135 : memref<!tpu.dma_semaphore, #tpu.memory_space<semaphore_mem>>) src(%dma_wait3A_142 : memref<1000xi32, #tpu.memory_space<hbm>>) dst(%arg13 : memref<1000xi32, #tpu.memory_space<vmem>>)
          tpu.yield
        }) : () -> ()
        %mul3A_121 = arith.constant 1000 : i32
        %mul3A_122 = arith.muli %add3A_47, %mul3A_121 : i32
        %run_scoped3A_123 = arith.constant 1 : i32
        "tpu.region"() ({
          %run_scoped3A_135 = tpu.sem_alloc : memref<!tpu.dma_semaphore, #tpu.memory_space<semaphore_mem>>
          %dma_start3A_136 = tpu.memref_slice %arg2[%run_scoped3A_123, %mul3A_122] : memref<2x320000xi32, #tpu.memory_space<hbm>> -> memref<1x1000xi32, #tpu.memory_space<hbm>>
          %dma_start3A_137 = tpu.memref_squeeze %dma_start3A_136 : memref<1x1000xi32, #tpu.memory_space<hbm>> -> memref<1000xi32, #tpu.memory_space<hbm>>
          %dma_start3A_138 = tpu.memref_slice %arg2[%run_scoped3A_123, %mul3A_122] : memref<2x320000xi32, #tpu.memory_space<hbm>> -> memref<1x1000xi32, #tpu.memory_space<hbm>>
          %dma_start3A_139 = tpu.memref_squeeze %dma_start3A_138 : memref<1x1000xi32, #tpu.memory_space<hbm>> -> memref<1000xi32, #tpu.memory_space<hbm>>
          tpu.enqueue_dma source(%dma_start3A_139 : memref<1000xi32, #tpu.memory_space<hbm>>) target(%arg14 : memref<1000xi32, #tpu.memory_space<vmem>>) target_semaphore(%run_scoped3A_135 : memref<!tpu.dma_semaphore, #tpu.memory_space<semaphore_mem>>)
          %dma_wait3A = tpu.memref_slice %arg2[%run_scoped3A_123, %mul3A_122] : memref<2x320000xi32, #tpu.memory_space<hbm>> -> memref<1x1000xi32, #tpu.memory_space<hbm>>
          %dma_wait3A_140 = tpu.memref_squeeze %dma_wait3A : memref<1x1000xi32, #tpu.memory_space<hbm>> -> memref<1000xi32, #tpu.memory_space<hbm>>
          %dma_wait3A_141 = tpu.memref_slice %arg2[%run_scoped3A_123, %mul3A_122] : memref<2x320000xi32, #tpu.memory_space<hbm>> -> memref<1x1000xi32, #tpu.memory_space<hbm>>
          %dma_wait3A_142 = tpu.memref_squeeze %dma_wait3A_141 : memref<1x1000xi32, #tpu.memory_space<hbm>> -> memref<1000xi32, #tpu.memory_space<hbm>>
          tpu.wait_dma2 semaphore(%run_scoped3A_135 : memref<!tpu.dma_semaphore, #tpu.memory_space<semaphore_mem>>) src(%dma_wait3A_142 : memref<1000xi32, #tpu.memory_space<hbm>>) dst(%arg14 : memref<1000xi32, #tpu.memory_space<vmem>>)
          tpu.yield
        }) : () -> ()
        %dma_start3A = arith.constant 0 : i32
        %dma_start3A_124 = arith.constant 0 : i32
        %dma_start3A_125 = tpu.memref_slice %arg3[%dma_start3A, %dma_start3A_124] : memref<10000x16xf32, #tpu.memory_space<hbm>> -> memref<10000x16xf32, #tpu.memory_space<hbm>>
        tpu.enqueue_indirect_dma source(%dma_start3A_125 : memref<10000x16xf32, #tpu.memory_space<hbm>>) target(%arg15 : memref<1000x16xf32, #tpu.memory_space<vmem>>) offsets(%arg13 : memref<1000xi32, #tpu.memory_space<vmem>>) semaphore(%arg21 : memref<!tpu.dma_semaphore, #tpu.memory_space<semaphore_mem>>)
        %dma_start3A_126 = arith.constant 0 : i32
        %dma_start3A_127 = arith.constant 0 : i32
        %dma_start3A_128 = tpu.memref_slice %arg4[%dma_start3A_126, %dma_start3A_127] : memref<10000x16xf32, #tpu.memory_space<hbm>> -> memref<10000x16xf32, #tpu.memory_space<hbm>>
        tpu.enqueue_indirect_dma source(%dma_start3A_128 : memref<10000x16xf32, #tpu.memory_space<hbm>>) target(%arg16 : memref<1000x16xf32, #tpu.memory_space<vmem>>) offsets(%arg14 : memref<1000xi32, #tpu.memory_space<vmem>>) semaphore(%arg21 : memref<!tpu.dma_semaphore, #tpu.memory_space<semaphore_mem>>)
        %mul3A_129 = arith.constant 1000 : i32
        %mul3A_130 = arith.muli %add3A_47, %mul3A_129 : i32
        %dma_start3A_131 = arith.constant 0 : i32
        %dma_start3A_132 = tpu.memref_slice %arg5[%mul3A_130, %dma_start3A_131] : memref<320000x16xf32, #tpu.memory_space<hbm>> -> memref<1000x16xf32, #tpu.memory_space<hbm>>
        %dma_start3A_133 = arith.constant 0 : i32
        %dma_start3A_134 = tpu.memref_slice %arg5[%mul3A_130, %dma_start3A_133] : memref<320000x16xf32, #tpu.memory_space<hbm>> -> memref<1000x16xf32, #tpu.memory_space<hbm>>
        tpu.enqueue_dma source(%dma_start3A_134 : memref<1000x16xf32, #tpu.memory_space<hbm>>) target(%arg17 : memref<1000x16xf32, #tpu.memory_space<vmem>>) target_semaphore(%arg21 : memref<!tpu.dma_semaphore, #tpu.memory_space<semaphore_mem>>)
      } else {
      }
      %mul3A_64 = arith.constant 32 : i32
      %mul3A_65 = arith.muli %mul3A_42, %mul3A_64 : i32
      %add3A_66 = arith.addi %mul3A_65, %add3A : i32
      %lt3A_67 = arith.constant 320 : i32
      %lt3A_68 = arith.cmpi slt, %add3A_66, %lt3A_67 : i32
      %convert_element_type3A_69 = arith.extui %lt3A_68 : i1 to i32
      %cond3A_70 = arith.constant 0 : i32
      %cond3A_71 = arith.cmpi ne, %convert_element_type3A_69, %cond3A_70 : i32
      scf.if %cond3A_71 {
        %dma_wait3A = arith.constant 0 : i32
        %dma_wait3A_119 = arith.constant 0 : i32
        %dma_wait3A_120 = tpu.memref_slice %arg3[%dma_wait3A, %dma_wait3A_119] : memref<10000x16xf32, #tpu.memory_space<hbm>> -> memref<1000x16xf32, #tpu.memory_space<hbm>>
        %dma_wait3A_121 = arith.constant 0 : i32
        %dma_wait3A_122 = arith.constant 0 : i32
        %dma_wait3A_123 = tpu.memref_slice %arg3[%dma_wait3A_121, %dma_wait3A_122] : memref<10000x16xf32, #tpu.memory_space<hbm>> -> memref<1000x16xf32, #tpu.memory_space<hbm>>
        tpu.wait_dma2 semaphore(%arg20 : memref<!tpu.dma_semaphore, #tpu.memory_space<semaphore_mem>>) src(%dma_wait3A_123 : memref<1000x16xf32, #tpu.memory_space<hbm>>) dst(%arg10 : memref<1000x16xf32, #tpu.memory_space<vmem>>)
        %dma_wait3A_124 = arith.constant 0 : i32
        %dma_wait3A_125 = arith.constant 0 : i32
        %dma_wait3A_126 = tpu.memref_slice %arg3[%dma_wait3A_124, %dma_wait3A_125] : memref<10000x16xf32, #tpu.memory_space<hbm>> -> memref<1000x16xf32, #tpu.memory_space<hbm>>
        %dma_wait3A_127 = arith.constant 0 : i32
        %dma_wait3A_128 = arith.constant 0 : i32
        %dma_wait3A_129 = tpu.memref_slice %arg3[%dma_wait3A_127, %dma_wait3A_128] : memref<10000x16xf32, #tpu.memory_space<hbm>> -> memref<1000x16xf32, #tpu.memory_space<hbm>>
        tpu.wait_dma2 semaphore(%arg20 : memref<!tpu.dma_semaphore, #tpu.memory_space<semaphore_mem>>) src(%dma_wait3A_129 : memref<1000x16xf32, #tpu.memory_space<hbm>>) dst(%arg11 : memref<1000x16xf32, #tpu.memory_space<vmem>>)
        %dma_wait3A_130 = arith.constant 0 : i32
        %dma_wait3A_131 = arith.constant 0 : i32
        %dma_wait3A_132 = tpu.memref_slice %arg5[%dma_wait3A_130, %dma_wait3A_131] : memref<320000x16xf32, #tpu.memory_space<hbm>> -> memref<1000x16xf32, #tpu.memory_space<hbm>>
        %dma_wait3A_133 = arith.constant 0 : i32
        %dma_wait3A_134 = arith.constant 0 : i32
        %dma_wait3A_135 = tpu.memref_slice %arg5[%dma_wait3A_133, %dma_wait3A_134] : memref<320000x16xf32, #tpu.memory_space<hbm>> -> memref<1000x16xf32, #tpu.memory_space<hbm>>
        tpu.wait_dma2 semaphore(%arg20 : memref<!tpu.dma_semaphore, #tpu.memory_space<semaphore_mem>>) src(%dma_wait3A_135 : memref<1000x16xf32, #tpu.memory_space<hbm>>) dst(%arg12 : memref<1000x16xf32, #tpu.memory_space<vmem>>)
      } else {
      }
      %mul3A_72 = arith.constant 32 : i32
      %mul3A_73 = arith.muli %mul3A_42, %mul3A_72 : i32
      %add3A_74 = arith.addi %mul3A_73, %add3A : i32
      %lt3A_75 = arith.constant 320 : i32
      %lt3A_76 = arith.cmpi slt, %add3A_74, %lt3A_75 : i32
      %convert_element_type3A_77 = arith.extui %lt3A_76 : i1 to i32
      %cond3A_78 = arith.constant 0 : i32
      %cond3A_79 = arith.cmpi ne, %convert_element_type3A_77, %cond3A_78 : i32
      scf.if %cond3A_79 {
        %scan3A_119 = arith.constant 0 : i32
        %scan3A_120 = arith.constant 0 : i32
        %scan3A_121 = arith.constant 1000 : i32
        %scan3A_122 = arith.addi %scan3A_120, %scan3A_121 : i32
        %scan3A_123 = arith.constant 1 : i32
        scf.for %scan3A_130 = %scan3A_120 to %scan3A_122 step %scan3A_123  : i32 {
          %get3A = arith.index_cast %scan3A_130 : i32 to index
          %get3A_131 = arith.constant 0 : index
          %get3A_132 = tpu.vector_load %arg10[%get3A, %get3A_131] {strides = array<i32>} : memref<1000x16xf32, #tpu.memory_space<vmem>>, vector<1x16xf32>,
          %get3A_133 = vector.shape_cast %get3A_132 : vector<1x16xf32> to vector<16xf32>
          %get3A_134 = arith.index_cast %scan3A_130 : i32 to index
          %get3A_135 = arith.constant 0 : index
          %get3A_136 = tpu.vector_load %arg11[%get3A_134, %get3A_135] {strides = array<i32>} : memref<1000x16xf32, #tpu.memory_space<vmem>>, vector<1x16xf32>,
          %get3A_137 = vector.shape_cast %get3A_136 : vector<1x16xf32> to vector<16xf32>
          %add3A_138 = arith.addf %get3A_133, %get3A_137 : vector<16xf32>
          %get3A_139 = arith.index_cast %scan3A_130 : i32 to index
          %get3A_140 = arith.constant 0 : index
          %get3A_141 = tpu.vector_load %arg12[%get3A_139, %get3A_140] {strides = array<i32>} : memref<1000x16xf32, #tpu.memory_space<vmem>>, vector<1x16xf32>,
          %get3A_142 = vector.shape_cast %get3A_141 : vector<1x16xf32> to vector<16xf32>
          %add3A_143 = arith.addf %add3A_138, %get3A_142 : vector<16xf32>
          %max3A = arith.constant 0.000000e+00 : f32
          %max3A_144 = vector.broadcast %max3A : f32 to vector<16xf32>
          %max3A_145 = arith.maximumf %add3A_143, %max3A_144 : vector<16xf32>
          %swap3A = arith.index_cast %scan3A_130 : i32 to index
          %swap3A_146 = arith.constant 0 : index
          %swap3A_147 = tpu.vector_load %arg12[%swap3A, %swap3A_146] {strides = array<i32>} : memref<1000x16xf32, #tpu.memory_space<vmem>>, vector<1x16xf32>,
          %swap3A_148 = vector.shape_cast %swap3A_147 : vector<1x16xf32> to vector<16xf32>
          %swap3A_149 = vector.shape_cast %max3A_145 : vector<16xf32> to vector<1x16xf32>
          tpu.vector_store %arg12[%swap3A, %swap3A_146], %swap3A_149 {strides = array<i32>} : memref<1000x16xf32, #tpu.memory_space<vmem>>, vector<1x16xf32>,
        }
        %scan3A_124 = arith.constant 1000 : i32
        %mul3A_125 = arith.constant 1000 : i32
        %mul3A_126 = arith.muli %add3A_74, %mul3A_125 : i32
        %dma_start3A = arith.constant 0 : i32
        %dma_start3A_127 = tpu.memref_slice %arg6[%mul3A_126, %dma_start3A] : memref<320000x16xf32, #tpu.memory_space<hbm>> -> memref<1000x16xf32, #tpu.memory_space<hbm>>
        %dma_start3A_128 = arith.constant 0 : i32
        %dma_start3A_129 = tpu.memref_slice %arg6[%mul3A_126, %dma_start3A_128] : memref<320000x16xf32, #tpu.memory_space<hbm>> -> memref<1000x16xf32, #tpu.memory_space<hbm>>
        tpu.enqueue_dma source(%arg12 : memref<1000x16xf32, #tpu.memory_space<vmem>>) target(%dma_start3A_129 : memref<1000x16xf32, #tpu.memory_space<hbm>>) target_semaphore(%arg22 : memref<!tpu.dma_semaphore, #tpu.memory_space<semaphore_mem>>)
        "tpu.region"() ({
          %run_scoped3A = tpu.sem_alloc : memref<!tpu.dma_semaphore, #tpu.memory_space<semaphore_mem>>
          %dma_start3A_130 = arith.constant 0 : i32
          %dma_start3A_131 = arith.constant 0 : i32
          %dma_start3A_132 = tpu.memref_slice %arg19[%dma_start3A_130, %dma_start3A_131] : memref<10000x16xf32, #tpu.memory_space<vmem_shared>> -> memref<10000x16xf32, #tpu.memory_space<vmem_shared>>
          tpu.enqueue_indirect_dma source(%arg12 : memref<1000x16xf32, #tpu.memory_space<vmem>>) target(%dma_start3A_132 : memref<10000x16xf32, #tpu.memory_space<vmem_shared>>) offsets(%arg9 : memref<1000xi32, #tpu.memory_space<vmem>>) semaphore(%run_scoped3A : memref<!tpu.dma_semaphore, #tpu.memory_space<semaphore_mem>>) {add = true}
          %dma_wait3A = arith.constant 0 : i32
          %dma_wait3A_133 = arith.constant 0 : i32
          %dma_wait3A_134 = tpu.memref_slice %arg19[%dma_wait3A, %dma_wait3A_133] : memref<10000x16xf32, #tpu.memory_space<vmem_shared>> -> memref<10000x16xf32, #tpu.memory_space<vmem_shared>>
          tpu.wait_indirect_dma semaphore(%run_scoped3A : memref<!tpu.dma_semaphore, #tpu.memory_space<semaphore_mem>>) src(%arg12 : memref<1000x16xf32, #tpu.memory_space<vmem>>) dst(%dma_wait3A_134 : memref<10000x16xf32, #tpu.memory_space<vmem_shared>>)
          tpu.yield
        }) : () -> ()
      } else {
      }
      %add3A_80 = arith.constant 2 : i32
      %add3A_81 = arith.addi %mul3A_42, %add3A_80 : i32
      %mul3A_82 = arith.constant 32 : i32
      %mul3A_83 = arith.muli %add3A_81, %mul3A_82 : i32
      %add3A_84 = arith.addi %mul3A_83, %add3A : i32
      %sub3A_85 = arith.constant 2 : i32
      %sub3A_86 = arith.subi %add3A_81, %sub3A_85 : i32
      %mul3A_87 = arith.constant 32 : i32
      %mul3A_88 = arith.muli %sub3A_86, %mul3A_87 : i32
      %add3A_89 = arith.addi %mul3A_88, %add3A : i32
      %ge3A_90 = arith.constant 0 : i32
      %ge3A_91 = arith.cmpi sge, %sub3A_86, %ge3A_90 : i32
      %lt3A_92 = arith.constant 320 : i32
      %lt3A_93 = arith.cmpi slt, %add3A_89, %lt3A_92 : i32
      %and3A_94 = arith.andi %ge3A_91, %lt3A_93 : i1
      %convert_element_type3A_95 = arith.extui %and3A_94 : i1 to i32
      %cond3A_96 = arith.constant 0 : i32
      %cond3A_97 = arith.cmpi ne, %convert_element_type3A_95, %cond3A_96 : i32
      scf.if %cond3A_97 {
        %dma_wait3A = arith.constant 0 : i32
        %dma_wait3A_119 = arith.constant 0 : i32
        %dma_wait3A_120 = tpu.memref_slice %arg6[%dma_wait3A, %dma_wait3A_119] : memref<320000x16xf32, #tpu.memory_space<hbm>> -> memref<1000x16xf32, #tpu.memory_space<hbm>>
        %dma_wait3A_121 = arith.constant 0 : i32
        %dma_wait3A_122 = arith.constant 0 : i32
        %dma_wait3A_123 = tpu.memref_slice %arg6[%dma_wait3A_121, %dma_wait3A_122] : memref<320000x16xf32, #tpu.memory_space<hbm>> -> memref<1000x16xf32, #tpu.memory_space<hbm>>
        tpu.wait_dma2 semaphore(%arg22 : memref<!tpu.dma_semaphore, #tpu.memory_space<semaphore_mem>>) src(%arg12 : memref<1000x16xf32, #tpu.memory_space<vmem>>) dst(%dma_wait3A_123 : memref<1000x16xf32, #tpu.memory_space<hbm>>)
      } else {
      }
      %lt3A_98 = arith.constant 320 : i32
      %lt3A_99 = arith.cmpi slt, %add3A_84, %lt3A_98 : i32
      %convert_element_type3A_100 = arith.extui %lt3A_99 : i1 to i32
      %cond3A_101 = arith.constant 0 : i32
      %cond3A_102 = arith.cmpi ne, %convert_element_type3A_100, %cond3A_101 : i32
      scf.if %cond3A_102 {
        %mul3A_119 = arith.constant 1000 : i32
        %mul3A_120 = arith.muli %add3A_84, %mul3A_119 : i32
        %run_scoped3A = arith.constant 0 : i32
        "tpu.region"() ({
          %run_scoped3A_135 = tpu.sem_alloc : memref<!tpu.dma_semaphore, #tpu.memory_space<semaphore_mem>>
          %dma_start3A_136 = tpu.memref_slice %arg2[%run_scoped3A, %mul3A_120] : memref<2x320000xi32, #tpu.memory_space<hbm>> -> memref<1x1000xi32, #tpu.memory_space<hbm>>
          %dma_start3A_137 = tpu.memref_squeeze %dma_start3A_136 : memref<1x1000xi32, #tpu.memory_space<hbm>> -> memref<1000xi32, #tpu.memory_space<hbm>>
          %dma_start3A_138 = tpu.memref_slice %arg2[%run_scoped3A, %mul3A_120] : memref<2x320000xi32, #tpu.memory_space<hbm>> -> memref<1x1000xi32, #tpu.memory_space<hbm>>
          %dma_start3A_139 = tpu.memref_squeeze %dma_start3A_138 : memref<1x1000xi32, #tpu.memory_space<hbm>> -> memref<1000xi32, #tpu.memory_space<hbm>>
          tpu.enqueue_dma source(%dma_start3A_139 : memref<1000xi32, #tpu.memory_space<hbm>>) target(%arg8 : memref<1000xi32, #tpu.memory_space<vmem>>) target_semaphore(%run_scoped3A_135 : memref<!tpu.dma_semaphore, #tpu.memory_space<semaphore_mem>>)
          %dma_wait3A = tpu.memref_slice %arg2[%run_scoped3A, %mul3A_120] : memref<2x320000xi32, #tpu.memory_space<hbm>> -> memref<1x1000xi32, #tpu.memory_space<hbm>>
          %dma_wait3A_140 = tpu.memref_squeeze %dma_wait3A : memref<1x1000xi32, #tpu.memory_space<hbm>> -> memref<1000xi32, #tpu.memory_space<hbm>>
          %dma_wait3A_141 = tpu.memref_slice %arg2[%run_scoped3A, %mul3A_120] : memref<2x320000xi32, #tpu.memory_space<hbm>> -> memref<1x1000xi32, #tpu.memory_space<hbm>>
          %dma_wait3A_142 = tpu.memref_squeeze %dma_wait3A_141 : memref<1x1000xi32, #tpu.memory_space<hbm>> -> memref<1000xi32, #tpu.memory_space<hbm>>
          tpu.wait_dma2 semaphore(%run_scoped3A_135 : memref<!tpu.dma_semaphore, #tpu.memory_space<semaphore_mem>>) src(%dma_wait3A_142 : memref<1000xi32, #tpu.memory_space<hbm>>) dst(%arg8 : memref<1000xi32, #tpu.memory_space<vmem>>)
          tpu.yield
        }) : () -> ()
        %mul3A_121 = arith.constant 1000 : i32
        %mul3A_122 = arith.muli %add3A_84, %mul3A_121 : i32
        %run_scoped3A_123 = arith.constant 1 : i32
        "tpu.region"() ({
          %run_scoped3A_135 = tpu.sem_alloc : memref<!tpu.dma_semaphore, #tpu.memory_space<semaphore_mem>>
          %dma_start3A_136 = tpu.memref_slice %arg2[%run_scoped3A_123, %mul3A_122] : memref<2x320000xi32, #tpu.memory_space<hbm>> -> memref<1x1000xi32, #tpu.memory_space<hbm>>
          %dma_start3A_137 = tpu.memref_squeeze %dma_start3A_136 : memref<1x1000xi32, #tpu.memory_space<hbm>> -> memref<1000xi32, #tpu.memory_space<hbm>>
          %dma_start3A_138 = tpu.memref_slice %arg2[%run_scoped3A_123, %mul3A_122] : memref<2x320000xi32, #tpu.memory_space<hbm>> -> memref<1x1000xi32, #tpu.memory_space<hbm>>
          %dma_start3A_139 = tpu.memref_squeeze %dma_start3A_138 : memref<1x1000xi32, #tpu.memory_space<hbm>> -> memref<1000xi32, #tpu.memory_space<hbm>>
          tpu.enqueue_dma source(%dma_start3A_139 : memref<1000xi32, #tpu.memory_space<hbm>>) target(%arg9 : memref<1000xi32, #tpu.memory_space<vmem>>) target_semaphore(%run_scoped3A_135 : memref<!tpu.dma_semaphore, #tpu.memory_space<semaphore_mem>>)
          %dma_wait3A = tpu.memref_slice %arg2[%run_scoped3A_123, %mul3A_122] : memref<2x320000xi32, #tpu.memory_space<hbm>> -> memref<1x1000xi32, #tpu.memory_space<hbm>>
          %dma_wait3A_140 = tpu.memref_squeeze %dma_wait3A : memref<1x1000xi32, #tpu.memory_space<hbm>> -> memref<1000xi32, #tpu.memory_space<hbm>>
          %dma_wait3A_141 = tpu.memref_slice %arg2[%run_scoped3A_123, %mul3A_122] : memref<2x320000xi32, #tpu.memory_space<hbm>> -> memref<1x1000xi32, #tpu.memory_space<hbm>>
          %dma_wait3A_142 = tpu.memref_squeeze %dma_wait3A_141 : memref<1x1000xi32, #tpu.memory_space<hbm>> -> memref<1000xi32, #tpu.memory_space<hbm>>
          tpu.wait_dma2 semaphore(%run_scoped3A_135 : memref<!tpu.dma_semaphore, #tpu.memory_space<semaphore_mem>>) src(%dma_wait3A_142 : memref<1000xi32, #tpu.memory_space<hbm>>) dst(%arg9 : memref<1000xi32, #tpu.memory_space<vmem>>)
          tpu.yield
        }) : () -> ()
        %dma_start3A = arith.constant 0 : i32
        %dma_start3A_124 = arith.constant 0 : i32
        %dma_start3A_125 = tpu.memref_slice %arg3[%dma_start3A, %dma_start3A_124] : memref<10000x16xf32, #tpu.memory_space<hbm>> -> memref<10000x16xf32, #tpu.memory_space<hbm>>
        tpu.enqueue_indirect_dma source(%dma_start3A_125 : memref<10000x16xf32, #tpu.memory_space<hbm>>) target(%arg10 : memref<1000x16xf32, #tpu.memory_space<vmem>>) offsets(%arg8 : memref<1000xi32, #tpu.memory_space<vmem>>) semaphore(%arg20 : memref<!tpu.dma_semaphore, #tpu.memory_space<semaphore_mem>>)
        %dma_start3A_126 = arith.constant 0 : i32
        %dma_start3A_127 = arith.constant 0 : i32
        %dma_start3A_128 = tpu.memref_slice %arg4[%dma_start3A_126, %dma_start3A_127] : memref<10000x16xf32, #tpu.memory_space<hbm>> -> memref<10000x16xf32, #tpu.memory_space<hbm>>
        tpu.enqueue_indirect_dma source(%dma_start3A_128 : memref<10000x16xf32, #tpu.memory_space<hbm>>) target(%arg11 : memref<1000x16xf32, #tpu.memory_space<vmem>>) offsets(%arg9 : memref<1000xi32, #tpu.memory_space<vmem>>) semaphore(%arg20 : memref<!tpu.dma_semaphore, #tpu.memory_space<semaphore_mem>>)
        %mul3A_129 = arith.constant 1000 : i32
        %mul3A_130 = arith.muli %add3A_84, %mul3A_129 : i32
        %dma_start3A_131 = arith.constant 0 : i32
        %dma_start3A_132 = tpu.memref_slice %arg5[%mul3A_130, %dma_start3A_131] : memref<320000x16xf32, #tpu.memory_space<hbm>> -> memref<1000x16xf32, #tpu.memory_space<hbm>>
        %dma_start3A_133 = arith.constant 0 : i32
        %dma_start3A_134 = tpu.memref_slice %arg5[%mul3A_130, %dma_start3A_133] : memref<320000x16xf32, #tpu.memory_space<hbm>> -> memref<1000x16xf32, #tpu.memory_space<hbm>>
        tpu.enqueue_dma source(%dma_start3A_134 : memref<1000x16xf32, #tpu.memory_space<hbm>>) target(%arg12 : memref<1000x16xf32, #tpu.memory_space<vmem>>) target_semaphore(%arg20 : memref<!tpu.dma_semaphore, #tpu.memory_space<semaphore_mem>>)
      } else {
      }
      %mul3A_103 = arith.constant 32 : i32
      %mul3A_104 = arith.muli %add3A_44, %mul3A_103 : i32
      %add3A_105 = arith.addi %mul3A_104, %add3A : i32
      %lt3A_106 = arith.constant 320 : i32
      %lt3A_107 = arith.cmpi slt, %add3A_105, %lt3A_106 : i32
      %convert_element_type3A_108 = arith.extui %lt3A_107 : i1 to i32
      %cond3A_109 = arith.constant 0 : i32
      %cond3A_110 = arith.cmpi ne, %convert_element_type3A_108, %cond3A_109 : i32
      scf.if %cond3A_110 {
        %dma_wait3A = arith.constant 0 : i32
        %dma_wait3A_119 = arith.constant 0 : i32
        %dma_wait3A_120 = tpu.memref_slice %arg3[%dma_wait3A, %dma_wait3A_119] : memref<10000x16xf32, #tpu.memory_space<hbm>> -> memref<1000x16xf32, #tpu.memory_space<hbm>>
        %dma_wait3A_121 = arith.constant 0 : i32
        %dma_wait3A_122 = arith.constant 0 : i32
        %dma_wait3A_123 = tpu.memref_slice %arg3[%dma_wait3A_121, %dma_wait3A_122] : memref<10000x16xf32, #tpu.memory_space<hbm>> -> memref<1000x16xf32, #tpu.memory_space<hbm>>
        tpu.wait_dma2 semaphore(%arg21 : memref<!tpu.dma_semaphore, #tpu.memory_space<semaphore_mem>>) src(%dma_wait3A_123 : memref<1000x16xf32, #tpu.memory_space<hbm>>) dst(%arg15 : memref<1000x16xf32, #tpu.memory_space<vmem>>)
        %dma_wait3A_124 = arith.constant 0 : i32
        %dma_wait3A_125 = arith.constant 0 : i32
        %dma_wait3A_126 = tpu.memref_slice %arg3[%dma_wait3A_124, %dma_wait3A_125] : memref<10000x16xf32, #tpu.memory_space<hbm>> -> memref<1000x16xf32, #tpu.memory_space<hbm>>
        %dma_wait3A_127 = arith.constant 0 : i32
        %dma_wait3A_128 = arith.constant 0 : i32
        %dma_wait3A_129 = tpu.memref_slice %arg3[%dma_wait3A_127, %dma_wait3A_128] : memref<10000x16xf32, #tpu.memory_space<hbm>> -> memref<1000x16xf32, #tpu.memory_space<hbm>>
        tpu.wait_dma2 semaphore(%arg21 : memref<!tpu.dma_semaphore, #tpu.memory_space<semaphore_mem>>) src(%dma_wait3A_129 : memref<1000x16xf32, #tpu.memory_space<hbm>>) dst(%arg16 : memref<1000x16xf32, #tpu.memory_space<vmem>>)
        %dma_wait3A_130 = arith.constant 0 : i32
        %dma_wait3A_131 = arith.constant 0 : i32
        %dma_wait3A_132 = tpu.memref_slice %arg5[%dma_wait3A_130, %dma_wait3A_131] : memref<320000x16xf32, #tpu.memory_space<hbm>> -> memref<1000x16xf32, #tpu.memory_space<hbm>>
        %dma_wait3A_133 = arith.constant 0 : i32
        %dma_wait3A_134 = arith.constant 0 : i32
        %dma_wait3A_135 = tpu.memref_slice %arg5[%dma_wait3A_133, %dma_wait3A_134] : memref<320000x16xf32, #tpu.memory_space<hbm>> -> memref<1000x16xf32, #tpu.memory_space<hbm>>
        tpu.wait_dma2 semaphore(%arg21 : memref<!tpu.dma_semaphore, #tpu.memory_space<semaphore_mem>>) src(%dma_wait3A_135 : memref<1000x16xf32, #tpu.memory_space<hbm>>) dst(%arg17 : memref<1000x16xf32, #tpu.memory_space<vmem>>)
      } else {
      }
      %mul3A_111 = arith.constant 32 : i32
      %mul3A_112 = arith.muli %add3A_44, %mul3A_111 : i32
      %add3A_113 = arith.addi %mul3A_112, %add3A : i32
      %lt3A_114 = arith.constant 320 : i32
      %lt3A_115 = arith.cmpi slt, %add3A_113, %lt3A_114 : i32
      %convert_element_type3A_116 = arith.extui %lt3A_115 : i1 to i32
      %cond3A_117 = arith.constant 0 : i32
      %cond3A_118 = arith.cmpi ne, %convert_element_type3A_116, %cond3A_117 : i32
      scf.if %cond3A_118 {
        %scan3A_119 = arith.constant 0 : i32
        %scan3A_120 = arith.constant 0 : i32
        %scan3A_121 = arith.constant 1000 : i32
        %scan3A_122 = arith.addi %scan3A_120, %scan3A_121 : i32
        %scan3A_123 = arith.constant 1 : i32
        scf.for %scan3A_130 = %scan3A_120 to %scan3A_122 step %scan3A_123  : i32 {
          %get3A = arith.index_cast %scan3A_130 : i32 to index
          %get3A_131 = arith.constant 0 : index
          %get3A_132 = tpu.vector_load %arg15[%get3A, %get3A_131] {strides = array<i32>} : memref<1000x16xf32, #tpu.memory_space<vmem>>, vector<1x16xf32>,
          %get3A_133 = vector.shape_cast %get3A_132 : vector<1x16xf32> to vector<16xf32>
          %get3A_134 = arith.index_cast %scan3A_130 : i32 to index
          %get3A_135 = arith.constant 0 : index
          %get3A_136 = tpu.vector_load %arg16[%get3A_134, %get3A_135] {strides = array<i32>} : memref<1000x16xf32, #tpu.memory_space<vmem>>, vector<1x16xf32>,
          %get3A_137 = vector.shape_cast %get3A_136 : vector<1x16xf32> to vector<16xf32>
          %add3A_138 = arith.addf %get3A_133, %get3A_137 : vector<16xf32>
          %get3A_139 = arith.index_cast %scan3A_130 : i32 to index
          %get3A_140 = arith.constant 0 : index
          %get3A_141 = tpu.vector_load %arg17[%get3A_139, %get3A_140] {strides = array<i32>} : memref<1000x16xf32, #tpu.memory_space<vmem>>, vector<1x16xf32>,
          %get3A_142 = vector.shape_cast %get3A_141 : vector<1x16xf32> to vector<16xf32>
          %add3A_143 = arith.addf %add3A_138, %get3A_142 : vector<16xf32>
          %max3A = arith.constant 0.000000e+00 : f32
          %max3A_144 = vector.broadcast %max3A : f32 to vector<16xf32>
          %max3A_145 = arith.maximumf %add3A_143, %max3A_144 : vector<16xf32>
          %swap3A = arith.index_cast %scan3A_130 : i32 to index
          %swap3A_146 = arith.constant 0 : index
          %swap3A_147 = tpu.vector_load %arg17[%swap3A, %swap3A_146] {strides = array<i32>} : memref<1000x16xf32, #tpu.memory_space<vmem>>, vector<1x16xf32>,
          %swap3A_148 = vector.shape_cast %swap3A_147 : vector<1x16xf32> to vector<16xf32>
          %swap3A_149 = vector.shape_cast %max3A_145 : vector<16xf32> to vector<1x16xf32>
          tpu.vector_store %arg17[%swap3A, %swap3A_146], %swap3A_149 {strides = array<i32>} : memref<1000x16xf32, #tpu.memory_space<vmem>>, vector<1x16xf32>,
        }
        %scan3A_124 = arith.constant 1000 : i32
        %mul3A_125 = arith.constant 1000 : i32
        %mul3A_126 = arith.muli %add3A_113, %mul3A_125 : i32
        %dma_start3A = arith.constant 0 : i32
        %dma_start3A_127 = tpu.memref_slice %arg6[%mul3A_126, %dma_start3A] : memref<320000x16xf32, #tpu.memory_space<hbm>> -> memref<1000x16xf32, #tpu.memory_space<hbm>>
        %dma_start3A_128 = arith.constant 0 : i32
        %dma_start3A_129 = tpu.memref_slice %arg6[%mul3A_126, %dma_start3A_128] : memref<320000x16xf32, #tpu.memory_space<hbm>> -> memref<1000x16xf32, #tpu.memory_space<hbm>>
        tpu.enqueue_dma source(%arg17 : memref<1000x16xf32, #tpu.memory_space<vmem>>) target(%dma_start3A_129 : memref<1000x16xf32, #tpu.memory_space<hbm>>) target_semaphore(%arg23 : memref<!tpu.dma_semaphore, #tpu.memory_space<semaphore_mem>>)
        "tpu.region"() ({
          %run_scoped3A = tpu.sem_alloc : memref<!tpu.dma_semaphore, #tpu.memory_space<semaphore_mem>>
          %dma_start3A_130 = arith.constant 0 : i32
          %dma_start3A_131 = arith.constant 0 : i32
          %dma_start3A_132 = tpu.memref_slice %arg19[%dma_start3A_130, %dma_start3A_131] : memref<10000x16xf32, #tpu.memory_space<vmem_shared>> -> memref<10000x16xf32, #tpu.memory_space<vmem_shared>>
          tpu.enqueue_indirect_dma source(%arg17 : memref<1000x16xf32, #tpu.memory_space<vmem>>) target(%dma_start3A_132 : memref<10000x16xf32, #tpu.memory_space<vmem_shared>>) offsets(%arg14 : memref<1000xi32, #tpu.memory_space<vmem>>) semaphore(%run_scoped3A : memref<!tpu.dma_semaphore, #tpu.memory_space<semaphore_mem>>) {add = true}
          %dma_wait3A = arith.constant 0 : i32
          %dma_wait3A_133 = arith.constant 0 : i32
          %dma_wait3A_134 = tpu.memref_slice %arg19[%dma_wait3A, %dma_wait3A_133] : memref<10000x16xf32, #tpu.memory_space<vmem_shared>> -> memref<10000x16xf32, #tpu.memory_space<vmem_shared>>
          tpu.wait_indirect_dma semaphore(%run_scoped3A : memref<!tpu.dma_semaphore, #tpu.memory_space<semaphore_mem>>) src(%arg17 : memref<1000x16xf32, #tpu.memory_space<vmem>>) dst(%dma_wait3A_134 : memref<10000x16xf32, #tpu.memory_space<vmem_shared>>)
          tpu.yield
        }) : () -> ()
      } else {
      }
    }
    %scan3A_25 = arith.constant 5 : i32
    %add3A_26 = arith.constant 288 : i32
    %add3A_27 = arith.addi %add3A_26, %add3A : i32
    %lt3A_28 = arith.constant 320 : i32
    %lt3A_29 = arith.cmpi slt, %add3A_27, %lt3A_28 : i32
    %and3A_30 = arith.constant true
    %and3A_31 = arith.andi %and3A_30, %lt3A_29 : i1
    %convert_element_type3A_32 = arith.extui %and3A_31 : i1 to i32
    %cond3A_33 = arith.constant 0 : i32
    %cond3A_34 = arith.cmpi ne, %convert_element_type3A_32, %cond3A_33 : i32
    scf.if %cond3A_34 {
      %dma_wait3A = arith.constant 0 : i32
      %dma_wait3A_40 = arith.constant 0 : i32
      %dma_wait3A_41 = tpu.memref_slice %arg6[%dma_wait3A, %dma_wait3A_40] : memref<320000x16xf32, #tpu.memory_space<hbm>> -> memref<1000x16xf32, #tpu.memory_space<hbm>>
      %dma_wait3A_42 = arith.constant 0 : i32
      %dma_wait3A_43 = arith.constant 0 : i32
      %dma_wait3A_44 = tpu.memref_slice %arg6[%dma_wait3A_42, %dma_wait3A_43] : memref<320000x16xf32, #tpu.memory_space<hbm>> -> memref<1000x16xf32, #tpu.memory_space<hbm>>
      tpu.wait_dma2 semaphore(%arg23 : memref<!tpu.dma_semaphore, #tpu.memory_space<semaphore_mem>>) src(%arg17 : memref<1000x16xf32, #tpu.memory_space<vmem>>) dst(%dma_wait3A_44 : memref<1000x16xf32, #tpu.memory_space<hbm>>)
    } else {
    }
    %barrier3A_35 = arith.constant 0 : index
    tpu.barrier barrier_id(%barrier3A_35)
    %mul3A_36 = arith.constant 625 : i32
    %mul3A_37 = arith.muli %arg1, %mul3A_36 : i32
    "tpu.region"() ({
      %run_scoped3A = tpu.sem_alloc : memref<!tpu.dma_semaphore, #tpu.memory_space<semaphore_mem>>
      %dma_start3A = arith.constant 0 : i32
      %dma_start3A_40 = tpu.memref_slice %arg19[%mul3A_37, %dma_start3A] : memref<10000x16xf32, #tpu.memory_space<vmem_shared>> -> memref<625x16xf32, #tpu.memory_space<vmem_shared>>
      %dma_start3A_41 = arith.constant 0 : i32
      %dma_start3A_42 = tpu.memref_slice %arg19[%mul3A_37, %dma_start3A_41] : memref<10000x16xf32, #tpu.memory_space<vmem_shared>> -> memref<625x16xf32, #tpu.memory_space<vmem_shared>>
      tpu.enqueue_dma source(%dma_start3A_42 : memref<625x16xf32, #tpu.memory_space<vmem_shared>>) target(%arg18 : memref<625x16xf32, #tpu.memory_space<vmem>>) target_semaphore(%run_scoped3A : memref<!tpu.dma_semaphore, #tpu.memory_space<semaphore_mem>>)
      %dma_wait3A = arith.constant 0 : i32
      %dma_wait3A_43 = tpu.memref_slice %arg19[%mul3A_37, %dma_wait3A] : memref<10000x16xf32, #tpu.memory_space<vmem_shared>> -> memref<625x16xf32, #tpu.memory_space<vmem_shared>>
      %dma_wait3A_44 = arith.constant 0 : i32
      %dma_wait3A_45 = tpu.memref_slice %arg19[%mul3A_37, %dma_wait3A_44] : memref<10000x16xf32, #tpu.memory_space<vmem_shared>> -> memref<625x16xf32, #tpu.memory_space<vmem_shared>>
      tpu.wait_dma2 semaphore(%run_scoped3A : memref<!tpu.dma_semaphore, #tpu.memory_space<semaphore_mem>>) src(%dma_wait3A_45 : memref<625x16xf32, #tpu.memory_space<vmem_shared>>) dst(%arg18 : memref<625x16xf32, #tpu.memory_space<vmem>>)
      tpu.yield
    }) : () -> ()
    %mul3A_38 = arith.constant 625 : i32
    %mul3A_39 = arith.muli %arg1, %mul3A_38 : i32
    "tpu.region"() ({
      %run_scoped3A = tpu.sem_alloc : memref<!tpu.dma_semaphore, #tpu.memory_space<semaphore_mem>>
      %dma_start3A = arith.constant 0 : i32
      %dma_start3A_40 = tpu.memref_slice %arg7[%arg0, %mul3A_39, %dma_start3A] : memref<2x10000x16xf32, #tpu.memory_space<hbm>> -> memref<1x625x16xf32, #tpu.memory_space<hbm>>
      %dma_start3A_41 = tpu.memref_squeeze %dma_start3A_40 : memref<1x625x16xf32, #tpu.memory_space<hbm>> -> memref<625x16xf32, #tpu.memory_space<hbm>>
      %dma_start3A_42 = arith.constant 0 : i32
      %dma_start3A_43 = tpu.memref_slice %arg7[%arg0, %mul3A_39, %dma_start3A_42] : memref<2x10000x16xf32, #tpu.memory_space<hbm>> -> memref<1x625x16xf32, #tpu.memory_space<hbm>>
      %dma_start3A_44 = tpu.memref_squeeze %dma_start3A_43 : memref<1x625x16xf32, #tpu.memory_space<hbm>> -> memref<625x16xf32, #tpu.memory_space<hbm>>
      tpu.enqueue_dma source(%arg18 : memref<625x16xf32, #tpu.memory_space<vmem>>) target(%dma_start3A_44 : memref<625x16xf32, #tpu.memory_space<hbm>>) target_semaphore(%run_scoped3A : memref<!tpu.dma_semaphore, #tpu.memory_space<semaphore_mem>>)
      %dma_wait3A = arith.constant 0 : i32
      %dma_wait3A_45 = tpu.memref_slice %arg7[%arg0, %mul3A_39, %dma_wait3A] : memref<2x10000x16xf32, #tpu.memory_space<hbm>> -> memref<1x625x16xf32, #tpu.memory_space<hbm>>
      %dma_wait3A_46 = tpu.memref_squeeze %dma_wait3A_45 : memref<1x625x16xf32, #tpu.memory_space<hbm>> -> memref<625x16xf32, #tpu.memory_space<hbm>>
      %dma_wait3A_47 = arith.constant 0 : i32
      %dma_wait3A_48 = tpu.memref_slice %arg7[%arg0, %mul3A_39, %dma_wait3A_47] : memref<2x10000x16xf32, #tpu.memory_space<hbm>> -> memref<1x625x16xf32, #tpu.memory_space<hbm>>
      %dma_wait3A_49 = tpu.memref_squeeze %dma_wait3A_48 : memref<1x625x16xf32, #tpu.memory_space<hbm>> -> memref<625x16xf32, #tpu.memory_space<hbm>>
      tpu.wait_dma2 semaphore(%run_scoped3A : memref<!tpu.dma_semaphore, #tpu.memory_space<semaphore_mem>>) src(%arg18 : memref<625x16xf32, #tpu.memory_space<vmem>>) dst(%dma_wait3A_49 : memref<625x16xf32, #tpu.memory_space<hbm>>)
      tpu.yield
    }) : () -> ()
    return
  }
}

#map = affine_map<(d0, d1) -> (0, 0)>
#map1 = affine_map<(d0, d1) -> (0, 0, 0)>
module attributes {stable_mosaic.version = 14 : i64} {
  func.func @body(%arg0: i32, %arg1: i32, %arg2: memref<2x320000xi32, #tpu.memory_space<hbm>>, %arg3: memref<10000x16xf32, #tpu.memory_space<hbm>>, %arg4: memref<10000x16xf32, #tpu.memory_space<hbm>>, %arg5: memref<320000x16xf32, #tpu.memory_space<hbm>>, %arg6: memref<2x10000x16xf32, #tpu.memory_space<hbm>>, %arg7: memref<1000xi32, #tpu.memory_space<vmem>>, %arg8: memref<1000xi32, #tpu.memory_space<vmem>>, %arg9: memref<1000x16xf32, #tpu.memory_space<vmem>>, %arg10: memref<1000x16xf32, #tpu.memory_space<vmem>>, %arg11: memref<1000x16xf32, #tpu.memory_space<vmem>>, %arg12: memref<1000xi32, #tpu.memory_space<vmem>>, %arg13: memref<1000xi32, #tpu.memory_space<vmem>>, %arg14: memref<1000x16xf32, #tpu.memory_space<vmem>>, %arg15: memref<1000x16xf32, #tpu.memory_space<vmem>>, %arg16: memref<1000x16xf32, #tpu.memory_space<vmem>>, %arg17: memref<625x16xf32, #tpu.memory_space<vmem>>, %arg18: memref<10000x16xf32, #tpu.memory_space<vmem_shared>>, %arg19: memref<!tpu.dma_semaphore, #tpu.memory_space<semaphore_mem>>, %arg20: memref<!tpu.dma_semaphore, #tpu.memory_space<semaphore_mem>>, %arg21: memref<!tpu.dma_semaphore, #tpu.memory_space<semaphore_mem>>, %arg22: memref<!tpu.dma_semaphore, #tpu.memory_space<semaphore_mem>>) attributes {dimension_semantics = [#tpu.dimension_semantics<core_parallel>, #tpu.dimension_semantics<subcore_parallel>], iteration_bounds = array<i64: 2, 16>, scalar_prefetch = 0 : i64, scratch_operands = 16 : i64, tpu.core_type = #tpu.core_type<sc_vector_subcore>, window_params = [{transform_indices = #map}, {transform_indices = #map}, {transform_indices = #map}, {transform_indices = #map}, {transform_indices = #map1}]} {
    %mul3A = arith.constant 2 : i32
    %mul3A_0 = arith.muli %arg1, %mul3A : i32
    %add3A = arith.addi %mul3A_0, %arg0 : i32
    %add3A_1 = arith.constant 0 : i32
    %add3A_2 = arith.addi %add3A_1, %add3A : i32
    %lt3A = arith.constant 320 : i32
    %lt3A_3 = arith.cmpi slt, %add3A_2, %lt3A : i32
    %convert_element_type3A = arith.extui %lt3A_3 : i1 to i32
    %cond3A = arith.constant 0 : i32
    %cond3A_4 = arith.cmpi ne, %convert_element_type3A, %cond3A : i32
    scf.if %cond3A_4 {
      %mul3A_23 = arith.constant 1000 : i32
      %mul3A_24 = arith.muli %add3A_2, %mul3A_23 : i32
      %run_scoped3A = arith.constant 0 : i32
      "tpu.region"() ({
        %run_scoped3A_39 = tpu.sem_alloc : memref<!tpu.dma_semaphore, #tpu.memory_space<semaphore_mem>>
        %dma_start3A_40 = tpu.memref_slice %arg2[%run_scoped3A, %mul3A_24] : memref<2x320000xi32, #tpu.memory_space<hbm>> -> memref<1x1000xi32, #tpu.memory_space<hbm>>
        %dma_start3A_41 = tpu.memref_squeeze %dma_start3A_40 : memref<1x1000xi32, #tpu.memory_space<hbm>> -> memref<1000xi32, #tpu.memory_space<hbm>>
        %dma_start3A_42 = tpu.memref_slice %arg2[%run_scoped3A, %mul3A_24] : memref<2x320000xi32, #tpu.memory_space<hbm>> -> memref<1x1000xi32, #tpu.memory_space<hbm>>
        %dma_start3A_43 = tpu.memref_squeeze %dma_start3A_42 : memref<1x1000xi32, #tpu.memory_space<hbm>> -> memref<1000xi32, #tpu.memory_space<hbm>>
        tpu.enqueue_dma source(%dma_start3A_43 : memref<1000xi32, #tpu.memory_space<hbm>>) target(%arg7 : memref<1000xi32, #tpu.memory_space<vmem>>) target_semaphore(%run_scoped3A_39 : memref<!tpu.dma_semaphore, #tpu.memory_space<semaphore_mem>>)
        %dma_wait3A = tpu.memref_slice %arg2[%run_scoped3A, %mul3A_24] : memref<2x320000xi32, #tpu.memory_space<hbm>> -> memref<1x1000xi32, #tpu.memory_space<hbm>>
        %dma_wait3A_44 = tpu.memref_squeeze %dma_wait3A : memref<1x1000xi32, #tpu.memory_space<hbm>> -> memref<1000xi32, #tpu.memory_space<hbm>>
        %dma_wait3A_45 = tpu.memref_slice %arg2[%run_scoped3A, %mul3A_24] : memref<2x320000xi32, #tpu.memory_space<hbm>> -> memref<1x1000xi32, #tpu.memory_space<hbm>>
        %dma_wait3A_46 = tpu.memref_squeeze %dma_wait3A_45 : memref<1x1000xi32, #tpu.memory_space<hbm>> -> memref<1000xi32, #tpu.memory_space<hbm>>
        tpu.wait_dma2 semaphore(%run_scoped3A_39 : memref<!tpu.dma_semaphore, #tpu.memory_space<semaphore_mem>>) src(%dma_wait3A_46 : memref<1000xi32, #tpu.memory_space<hbm>>) dst(%arg7 : memref<1000xi32, #tpu.memory_space<vmem>>)
        tpu.yield
      }) : () -> ()
      %mul3A_25 = arith.constant 1000 : i32
      %mul3A_26 = arith.muli %add3A_2, %mul3A_25 : i32
      %run_scoped3A_27 = arith.constant 1 : i32
      "tpu.region"() ({
        %run_scoped3A_39 = tpu.sem_alloc : memref<!tpu.dma_semaphore, #tpu.memory_space<semaphore_mem>>
        %dma_start3A_40 = tpu.memref_slice %arg2[%run_scoped3A_27, %mul3A_26] : memref<2x320000xi32, #tpu.memory_space<hbm>> -> memref<1x1000xi32, #tpu.memory_space<hbm>>
        %dma_start3A_41 = tpu.memref_squeeze %dma_start3A_40 : memref<1x1000xi32, #tpu.memory_space<hbm>> -> memref<1000xi32, #tpu.memory_space<hbm>>
        %dma_start3A_42 = tpu.memref_slice %arg2[%run_scoped3A_27, %mul3A_26] : memref<2x320000xi32, #tpu.memory_space<hbm>> -> memref<1x1000xi32, #tpu.memory_space<hbm>>
        %dma_start3A_43 = tpu.memref_squeeze %dma_start3A_42 : memref<1x1000xi32, #tpu.memory_space<hbm>> -> memref<1000xi32, #tpu.memory_space<hbm>>
        tpu.enqueue_dma source(%dma_start3A_43 : memref<1000xi32, #tpu.memory_space<hbm>>) target(%arg8 : memref<1000xi32, #tpu.memory_space<vmem>>) target_semaphore(%run_scoped3A_39 : memref<!tpu.dma_semaphore, #tpu.memory_space<semaphore_mem>>)
        %dma_wait3A = tpu.memref_slice %arg2[%run_scoped3A_27, %mul3A_26] : memref<2x320000xi32, #tpu.memory_space<hbm>> -> memref<1x1000xi32, #tpu.memory_space<hbm>>
        %dma_wait3A_44 = tpu.memref_squeeze %dma_wait3A : memref<1x1000xi32, #tpu.memory_space<hbm>> -> memref<1000xi32, #tpu.memory_space<hbm>>
        %dma_wait3A_45 = tpu.memref_slice %arg2[%run_scoped3A_27, %mul3A_26] : memref<2x320000xi32, #tpu.memory_space<hbm>> -> memref<1x1000xi32, #tpu.memory_space<hbm>>
        %dma_wait3A_46 = tpu.memref_squeeze %dma_wait3A_45 : memref<1x1000xi32, #tpu.memory_space<hbm>> -> memref<1000xi32, #tpu.memory_space<hbm>>
        tpu.wait_dma2 semaphore(%run_scoped3A_39 : memref<!tpu.dma_semaphore, #tpu.memory_space<semaphore_mem>>) src(%dma_wait3A_46 : memref<1000xi32, #tpu.memory_space<hbm>>) dst(%arg8 : memref<1000xi32, #tpu.memory_space<vmem>>)
        tpu.yield
      }) : () -> ()
      %dma_start3A = arith.constant 0 : i32
      %dma_start3A_28 = arith.constant 0 : i32
      %dma_start3A_29 = tpu.memref_slice %arg3[%dma_start3A, %dma_start3A_28] : memref<10000x16xf32, #tpu.memory_space<hbm>> -> memref<10000x16xf32, #tpu.memory_space<hbm>>
      tpu.enqueue_indirect_dma source(%dma_start3A_29 : memref<10000x16xf32, #tpu.memory_space<hbm>>) target(%arg9 : memref<1000x16xf32, #tpu.memory_space<vmem>>) offsets(%arg7 : memref<1000xi32, #tpu.memory_space<vmem>>) semaphore(%arg19 : memref<!tpu.dma_semaphore, #tpu.memory_space<semaphore_mem>>)
      %dma_start3A_30 = arith.constant 0 : i32
      %dma_start3A_31 = arith.constant 0 : i32
      %dma_start3A_32 = tpu.memref_slice %arg4[%dma_start3A_30, %dma_start3A_31] : memref<10000x16xf32, #tpu.memory_space<hbm>> -> memref<10000x16xf32, #tpu.memory_space<hbm>>
      tpu.enqueue_indirect_dma source(%dma_start3A_32 : memref<10000x16xf32, #tpu.memory_space<hbm>>) target(%arg10 : memref<1000x16xf32, #tpu.memory_space<vmem>>) offsets(%arg8 : memref<1000xi32, #tpu.memory_space<vmem>>) semaphore(%arg19 : memref<!tpu.dma_semaphore, #tpu.memory_space<semaphore_mem>>)
      %mul3A_33 = arith.constant 1000 : i32
      %mul3A_34 = arith.muli %add3A_2, %mul3A_33 : i32
      %dma_start3A_35 = arith.constant 0 : i32
      %dma_start3A_36 = tpu.memref_slice %arg5[%mul3A_34, %dma_start3A_35] : memref<320000x16xf32, #tpu.memory_space<hbm>> -> memref<1000x16xf32, #tpu.memory_space<hbm>>
      %dma_start3A_37 = arith.constant 0 : i32
      %dma_start3A_38 = tpu.memref_slice %arg5[%mul3A_34, %dma_start3A_37] : memref<320000x16xf32, #tpu.memory_space<hbm>> -> memref<1000x16xf32, #tpu.memory_space<hbm>>
      tpu.enqueue_dma source(%dma_start3A_38 : memref<1000x16xf32, #tpu.memory_space<hbm>>) target(%arg11 : memref<1000x16xf32, #tpu.memory_space<vmem>>) target_semaphore(%arg19 : memref<!tpu.dma_semaphore, #tpu.memory_space<semaphore_mem>>)
    } else {
    }
    %scan3A = arith.constant 0 : i32
    %scan3A_5 = arith.constant 0 : i32
    %scan3A_6 = arith.constant 625 : i32
    %scan3A_7 = arith.addi %scan3A_5, %scan3A_6 : i32
    %scan3A_8 = arith.constant 1 : i32
    scf.for %scan3A_23 = %scan3A_5 to %scan3A_7 step %scan3A_8  : i32 {
      %broadcast_in_dim3A = arith.constant 0.000000e+00 : f32
      %broadcast_in_dim3A_24 = vector.broadcast %broadcast_in_dim3A : f32 to vector<16xf32>
      %swap3A = arith.index_cast %scan3A_23 : i32 to index
      %swap3A_25 = arith.constant 0 : index
      %swap3A_26 = tpu.vector_load %arg17[%swap3A, %swap3A_25] {strides = array<i32>} : memref<625x16xf32, #tpu.memory_space<vmem>>, vector<1x16xf32>,
      %swap3A_27 = vector.shape_cast %swap3A_26 : vector<1x16xf32> to vector<16xf32>
      %swap3A_28 = vector.shape_cast %broadcast_in_dim3A_24 : vector<16xf32> to vector<1x16xf32>
      tpu.vector_store %arg17[%swap3A, %swap3A_25], %swap3A_28 {strides = array<i32>} : memref<625x16xf32, #tpu.memory_space<vmem>>, vector<1x16xf32>,
    }
    %scan3A_9 = arith.constant 625 : i32
    %mul3A_10 = arith.constant 625 : i32
    %mul3A_11 = arith.muli %arg1, %mul3A_10 : i32
    "tpu.region"() ({
      %run_scoped3A = tpu.sem_alloc : memref<!tpu.dma_semaphore, #tpu.memory_space<semaphore_mem>>
      %dma_start3A = arith.constant 0 : i32
      %dma_start3A_23 = tpu.memref_slice %arg18[%mul3A_11, %dma_start3A] : memref<10000x16xf32, #tpu.memory_space<vmem_shared>> -> memref<625x16xf32, #tpu.memory_space<vmem_shared>>
      %dma_start3A_24 = arith.constant 0 : i32
      %dma_start3A_25 = tpu.memref_slice %arg18[%mul3A_11, %dma_start3A_24] : memref<10000x16xf32, #tpu.memory_space<vmem_shared>> -> memref<625x16xf32, #tpu.memory_space<vmem_shared>>
      tpu.enqueue_dma source(%arg17 : memref<625x16xf32, #tpu.memory_space<vmem>>) target(%dma_start3A_25 : memref<625x16xf32, #tpu.memory_space<vmem_shared>>) target_semaphore(%run_scoped3A : memref<!tpu.dma_semaphore, #tpu.memory_space<semaphore_mem>>)
      %dma_wait3A = arith.constant 0 : i32
      %dma_wait3A_26 = tpu.memref_slice %arg18[%mul3A_11, %dma_wait3A] : memref<10000x16xf32, #tpu.memory_space<vmem_shared>> -> memref<625x16xf32, #tpu.memory_space<vmem_shared>>
      %dma_wait3A_27 = arith.constant 0 : i32
      %dma_wait3A_28 = tpu.memref_slice %arg18[%mul3A_11, %dma_wait3A_27] : memref<10000x16xf32, #tpu.memory_space<vmem_shared>> -> memref<625x16xf32, #tpu.memory_space<vmem_shared>>
      tpu.wait_dma2 semaphore(%run_scoped3A : memref<!tpu.dma_semaphore, #tpu.memory_space<semaphore_mem>>) src(%arg17 : memref<625x16xf32, #tpu.memory_space<vmem>>) dst(%dma_wait3A_28 : memref<625x16xf32, #tpu.memory_space<vmem_shared>>)
      tpu.yield
    }) : () -> ()
    %barrier3A = arith.constant 0 : index
    tpu.barrier barrier_id(%barrier3A)
    %scan3A_12 = arith.constant 0 : i32
    %scan3A_13 = arith.constant 0 : i32
    %scan3A_14 = arith.constant 5 : i32
    %scan3A_15 = arith.addi %scan3A_13, %scan3A_14 : i32
    %scan3A_16 = arith.constant 1 : i32
    scf.for %scan3A_23 = %scan3A_13 to %scan3A_15 step %scan3A_16  : i32 {
      %mul3A_24 = arith.constant 2 : i32
      %mul3A_25 = arith.muli %mul3A_24, %scan3A_23 : i32
      %add3A_26 = arith.constant 1 : i32
      %add3A_27 = arith.addi %mul3A_25, %add3A_26 : i32
      %mul3A_28 = arith.constant 32 : i32
      %mul3A_29 = arith.muli %add3A_27, %mul3A_28 : i32
      %add3A_30 = arith.addi %mul3A_29, %add3A : i32
      %sub3A = arith.constant 2 : i32
      %sub3A_31 = arith.subi %add3A_27, %sub3A : i32
      %lt3A_32 = arith.constant 320 : i32
      %lt3A_33 = arith.cmpi slt, %add3A_30, %lt3A_32 : i32
      %convert_element_type3A_34 = arith.extui %lt3A_33 : i1 to i32
      %cond3A_35 = arith.constant 0 : i32
      %cond3A_36 = arith.cmpi ne, %convert_element_type3A_34, %cond3A_35 : i32
      scf.if %cond3A_36 {
        %mul3A_81 = arith.constant 1000 : i32
        %mul3A_82 = arith.muli %add3A_30, %mul3A_81 : i32
        %run_scoped3A = arith.constant 0 : i32
        "tpu.region"() ({
          %run_scoped3A_97 = tpu.sem_alloc : memref<!tpu.dma_semaphore, #tpu.memory_space<semaphore_mem>>
          %dma_start3A_98 = tpu.memref_slice %arg2[%run_scoped3A, %mul3A_82] : memref<2x320000xi32, #tpu.memory_space<hbm>> -> memref<1x1000xi32, #tpu.memory_space<hbm>>
          %dma_start3A_99 = tpu.memref_squeeze %dma_start3A_98 : memref<1x1000xi32, #tpu.memory_space<hbm>> -> memref<1000xi32, #tpu.memory_space<hbm>>
          %dma_start3A_100 = tpu.memref_slice %arg2[%run_scoped3A, %mul3A_82] : memref<2x320000xi32, #tpu.memory_space<hbm>> -> memref<1x1000xi32, #tpu.memory_space<hbm>>
          %dma_start3A_101 = tpu.memref_squeeze %dma_start3A_100 : memref<1x1000xi32, #tpu.memory_space<hbm>> -> memref<1000xi32, #tpu.memory_space<hbm>>
          tpu.enqueue_dma source(%dma_start3A_101 : memref<1000xi32, #tpu.memory_space<hbm>>) target(%arg12 : memref<1000xi32, #tpu.memory_space<vmem>>) target_semaphore(%run_scoped3A_97 : memref<!tpu.dma_semaphore, #tpu.memory_space<semaphore_mem>>)
          %dma_wait3A = tpu.memref_slice %arg2[%run_scoped3A, %mul3A_82] : memref<2x320000xi32, #tpu.memory_space<hbm>> -> memref<1x1000xi32, #tpu.memory_space<hbm>>
          %dma_wait3A_102 = tpu.memref_squeeze %dma_wait3A : memref<1x1000xi32, #tpu.memory_space<hbm>> -> memref<1000xi32, #tpu.memory_space<hbm>>
          %dma_wait3A_103 = tpu.memref_slice %arg2[%run_scoped3A, %mul3A_82] : memref<2x320000xi32, #tpu.memory_space<hbm>> -> memref<1x1000xi32, #tpu.memory_space<hbm>>
          %dma_wait3A_104 = tpu.memref_squeeze %dma_wait3A_103 : memref<1x1000xi32, #tpu.memory_space<hbm>> -> memref<1000xi32, #tpu.memory_space<hbm>>
          tpu.wait_dma2 semaphore(%run_scoped3A_97 : memref<!tpu.dma_semaphore, #tpu.memory_space<semaphore_mem>>) src(%dma_wait3A_104 : memref<1000xi32, #tpu.memory_space<hbm>>) dst(%arg12 : memref<1000xi32, #tpu.memory_space<vmem>>)
          tpu.yield
        }) : () -> ()
        %mul3A_83 = arith.constant 1000 : i32
        %mul3A_84 = arith.muli %add3A_30, %mul3A_83 : i32
        %run_scoped3A_85 = arith.constant 1 : i32
        "tpu.region"() ({
          %run_scoped3A_97 = tpu.sem_alloc : memref<!tpu.dma_semaphore, #tpu.memory_space<semaphore_mem>>
          %dma_start3A_98 = tpu.memref_slice %arg2[%run_scoped3A_85, %mul3A_84] : memref<2x320000xi32, #tpu.memory_space<hbm>> -> memref<1x1000xi32, #tpu.memory_space<hbm>>
          %dma_start3A_99 = tpu.memref_squeeze %dma_start3A_98 : memref<1x1000xi32, #tpu.memory_space<hbm>> -> memref<1000xi32, #tpu.memory_space<hbm>>
          %dma_start3A_100 = tpu.memref_slice %arg2[%run_scoped3A_85, %mul3A_84] : memref<2x320000xi32, #tpu.memory_space<hbm>> -> memref<1x1000xi32, #tpu.memory_space<hbm>>
          %dma_start3A_101 = tpu.memref_squeeze %dma_start3A_100 : memref<1x1000xi32, #tpu.memory_space<hbm>> -> memref<1000xi32, #tpu.memory_space<hbm>>
          tpu.enqueue_dma source(%dma_start3A_101 : memref<1000xi32, #tpu.memory_space<hbm>>) target(%arg13 : memref<1000xi32, #tpu.memory_space<vmem>>) target_semaphore(%run_scoped3A_97 : memref<!tpu.dma_semaphore, #tpu.memory_space<semaphore_mem>>)
          %dma_wait3A = tpu.memref_slice %arg2[%run_scoped3A_85, %mul3A_84] : memref<2x320000xi32, #tpu.memory_space<hbm>> -> memref<1x1000xi32, #tpu.memory_space<hbm>>
          %dma_wait3A_102 = tpu.memref_squeeze %dma_wait3A : memref<1x1000xi32, #tpu.memory_space<hbm>> -> memref<1000xi32, #tpu.memory_space<hbm>>
          %dma_wait3A_103 = tpu.memref_slice %arg2[%run_scoped3A_85, %mul3A_84] : memref<2x320000xi32, #tpu.memory_space<hbm>> -> memref<1x1000xi32, #tpu.memory_space<hbm>>
          %dma_wait3A_104 = tpu.memref_squeeze %dma_wait3A_103 : memref<1x1000xi32, #tpu.memory_space<hbm>> -> memref<1000xi32, #tpu.memory_space<hbm>>
          tpu.wait_dma2 semaphore(%run_scoped3A_97 : memref<!tpu.dma_semaphore, #tpu.memory_space<semaphore_mem>>) src(%dma_wait3A_104 : memref<1000xi32, #tpu.memory_space<hbm>>) dst(%arg13 : memref<1000xi32, #tpu.memory_space<vmem>>)
          tpu.yield
        }) : () -> ()
        %dma_start3A = arith.constant 0 : i32
        %dma_start3A_86 = arith.constant 0 : i32
        %dma_start3A_87 = tpu.memref_slice %arg3[%dma_start3A, %dma_start3A_86] : memref<10000x16xf32, #tpu.memory_space<hbm>> -> memref<10000x16xf32, #tpu.memory_space<hbm>>
        tpu.enqueue_indirect_dma source(%dma_start3A_87 : memref<10000x16xf32, #tpu.memory_space<hbm>>) target(%arg14 : memref<1000x16xf32, #tpu.memory_space<vmem>>) offsets(%arg12 : memref<1000xi32, #tpu.memory_space<vmem>>) semaphore(%arg20 : memref<!tpu.dma_semaphore, #tpu.memory_space<semaphore_mem>>)
        %dma_start3A_88 = arith.constant 0 : i32
        %dma_start3A_89 = arith.constant 0 : i32
        %dma_start3A_90 = tpu.memref_slice %arg4[%dma_start3A_88, %dma_start3A_89] : memref<10000x16xf32, #tpu.memory_space<hbm>> -> memref<10000x16xf32, #tpu.memory_space<hbm>>
        tpu.enqueue_indirect_dma source(%dma_start3A_90 : memref<10000x16xf32, #tpu.memory_space<hbm>>) target(%arg15 : memref<1000x16xf32, #tpu.memory_space<vmem>>) offsets(%arg13 : memref<1000xi32, #tpu.memory_space<vmem>>) semaphore(%arg20 : memref<!tpu.dma_semaphore, #tpu.memory_space<semaphore_mem>>)
        %mul3A_91 = arith.constant 1000 : i32
        %mul3A_92 = arith.muli %add3A_30, %mul3A_91 : i32
        %dma_start3A_93 = arith.constant 0 : i32
        %dma_start3A_94 = tpu.memref_slice %arg5[%mul3A_92, %dma_start3A_93] : memref<320000x16xf32, #tpu.memory_space<hbm>> -> memref<1000x16xf32, #tpu.memory_space<hbm>>
        %dma_start3A_95 = arith.constant 0 : i32
        %dma_start3A_96 = tpu.memref_slice %arg5[%mul3A_92, %dma_start3A_95] : memref<320000x16xf32, #tpu.memory_space<hbm>> -> memref<1000x16xf32, #tpu.memory_space<hbm>>
        tpu.enqueue_dma source(%dma_start3A_96 : memref<1000x16xf32, #tpu.memory_space<hbm>>) target(%arg16 : memref<1000x16xf32, #tpu.memory_space<vmem>>) target_semaphore(%arg20 : memref<!tpu.dma_semaphore, #tpu.memory_space<semaphore_mem>>)
      } else {
      }
      %mul3A_37 = arith.constant 32 : i32
      %mul3A_38 = arith.muli %mul3A_25, %mul3A_37 : i32
      %add3A_39 = arith.addi %mul3A_38, %add3A : i32
      %lt3A_40 = arith.constant 320 : i32
      %lt3A_41 = arith.cmpi slt, %add3A_39, %lt3A_40 : i32
      %convert_element_type3A_42 = arith.extui %lt3A_41 : i1 to i32
      %cond3A_43 = arith.constant 0 : i32
      %cond3A_44 = arith.cmpi ne, %convert_element_type3A_42, %cond3A_43 : i32
      scf.if %cond3A_44 {
        %dma_wait3A = arith.constant 0 : i32
        %dma_wait3A_81 = arith.constant 0 : i32
        %dma_wait3A_82 = tpu.memref_slice %arg3[%dma_wait3A, %dma_wait3A_81] : memref<10000x16xf32, #tpu.memory_space<hbm>> -> memref<1000x16xf32, #tpu.memory_space<hbm>>
        %dma_wait3A_83 = arith.constant 0 : i32
        %dma_wait3A_84 = arith.constant 0 : i32
        %dma_wait3A_85 = tpu.memref_slice %arg3[%dma_wait3A_83, %dma_wait3A_84] : memref<10000x16xf32, #tpu.memory_space<hbm>> -> memref<1000x16xf32, #tpu.memory_space<hbm>>
        tpu.wait_dma2 semaphore(%arg19 : memref<!tpu.dma_semaphore, #tpu.memory_space<semaphore_mem>>) src(%dma_wait3A_85 : memref<1000x16xf32, #tpu.memory_space<hbm>>) dst(%arg9 : memref<1000x16xf32, #tpu.memory_space<vmem>>)
        %dma_wait3A_86 = arith.constant 0 : i32
        %dma_wait3A_87 = arith.constant 0 : i32
        %dma_wait3A_88 = tpu.memref_slice %arg3[%dma_wait3A_86, %dma_wait3A_87] : memref<10000x16xf32, #tpu.memory_space<hbm>> -> memref<1000x16xf32, #tpu.memory_space<hbm>>
        %dma_wait3A_89 = arith.constant 0 : i32
        %dma_wait3A_90 = arith.constant 0 : i32
        %dma_wait3A_91 = tpu.memref_slice %arg3[%dma_wait3A_89, %dma_wait3A_90] : memref<10000x16xf32, #tpu.memory_space<hbm>> -> memref<1000x16xf32, #tpu.memory_space<hbm>>
        tpu.wait_dma2 semaphore(%arg19 : memref<!tpu.dma_semaphore, #tpu.memory_space<semaphore_mem>>) src(%dma_wait3A_91 : memref<1000x16xf32, #tpu.memory_space<hbm>>) dst(%arg10 : memref<1000x16xf32, #tpu.memory_space<vmem>>)
        %dma_wait3A_92 = arith.constant 0 : i32
        %dma_wait3A_93 = arith.constant 0 : i32
        %dma_wait3A_94 = tpu.memref_slice %arg5[%dma_wait3A_92, %dma_wait3A_93] : memref<320000x16xf32, #tpu.memory_space<hbm>> -> memref<1000x16xf32, #tpu.memory_space<hbm>>
        %dma_wait3A_95 = arith.constant 0 : i32
        %dma_wait3A_96 = arith.constant 0 : i32
        %dma_wait3A_97 = tpu.memref_slice %arg5[%dma_wait3A_95, %dma_wait3A_96] : memref<320000x16xf32, #tpu.memory_space<hbm>> -> memref<1000x16xf32, #tpu.memory_space<hbm>>
        tpu.wait_dma2 semaphore(%arg19 : memref<!tpu.dma_semaphore, #tpu.memory_space<semaphore_mem>>) src(%dma_wait3A_97 : memref<1000x16xf32, #tpu.memory_space<hbm>>) dst(%arg11 : memref<1000x16xf32, #tpu.memory_space<vmem>>)
      } else {
      }
      %mul3A_45 = arith.constant 32 : i32
      %mul3A_46 = arith.muli %mul3A_25, %mul3A_45 : i32
      %add3A_47 = arith.addi %mul3A_46, %add3A : i32
      %lt3A_48 = arith.constant 320 : i32
      %lt3A_49 = arith.cmpi slt, %add3A_47, %lt3A_48 : i32
      %convert_element_type3A_50 = arith.extui %lt3A_49 : i1 to i32
      %cond3A_51 = arith.constant 0 : i32
      %cond3A_52 = arith.cmpi ne, %convert_element_type3A_50, %cond3A_51 : i32
      scf.if %cond3A_52 {
        %scan3A_81 = arith.constant 0 : i32
        %scan3A_82 = arith.constant 0 : i32
        %scan3A_83 = arith.constant 1000 : i32
        %scan3A_84 = arith.addi %scan3A_82, %scan3A_83 : i32
        %scan3A_85 = arith.constant 1 : i32
        scf.for %scan3A_87 = %scan3A_82 to %scan3A_84 step %scan3A_85  : i32 {
          %get3A = arith.index_cast %scan3A_87 : i32 to index
          %get3A_88 = arith.constant 0 : index
          %get3A_89 = tpu.vector_load %arg9[%get3A, %get3A_88] {strides = array<i32>} : memref<1000x16xf32, #tpu.memory_space<vmem>>, vector<1x16xf32>,
          %get3A_90 = vector.shape_cast %get3A_89 : vector<1x16xf32> to vector<16xf32>
          %get3A_91 = arith.index_cast %scan3A_87 : i32 to index
          %get3A_92 = arith.constant 0 : index
          %get3A_93 = tpu.vector_load %arg10[%get3A_91, %get3A_92] {strides = array<i32>} : memref<1000x16xf32, #tpu.memory_space<vmem>>, vector<1x16xf32>,
          %get3A_94 = vector.shape_cast %get3A_93 : vector<1x16xf32> to vector<16xf32>
          %add3A_95 = arith.addf %get3A_90, %get3A_94 : vector<16xf32>
          %get3A_96 = arith.index_cast %scan3A_87 : i32 to index
          %get3A_97 = arith.constant 0 : index
          %get3A_98 = tpu.vector_load %arg11[%get3A_96, %get3A_97] {strides = array<i32>} : memref<1000x16xf32, #tpu.memory_space<vmem>>, vector<1x16xf32>,
          %get3A_99 = vector.shape_cast %get3A_98 : vector<1x16xf32> to vector<16xf32>
          %add3A_100 = arith.addf %add3A_95, %get3A_99 : vector<16xf32>
          %max3A = arith.constant 0.000000e+00 : f32
          %max3A_101 = vector.broadcast %max3A : f32 to vector<16xf32>
          %max3A_102 = arith.maximumf %add3A_100, %max3A_101 : vector<16xf32>
          %swap3A = arith.index_cast %scan3A_87 : i32 to index
          %swap3A_103 = arith.constant 0 : index
          %swap3A_104 = tpu.vector_load %arg11[%swap3A, %swap3A_103] {strides = array<i32>} : memref<1000x16xf32, #tpu.memory_space<vmem>>, vector<1x16xf32>,
          %swap3A_105 = vector.shape_cast %swap3A_104 : vector<1x16xf32> to vector<16xf32>
          %swap3A_106 = vector.shape_cast %max3A_102 : vector<16xf32> to vector<1x16xf32>
          tpu.vector_store %arg11[%swap3A, %swap3A_103], %swap3A_106 {strides = array<i32>} : memref<1000x16xf32, #tpu.memory_space<vmem>>, vector<1x16xf32>,
        }
        %scan3A_86 = arith.constant 1000 : i32
        "tpu.region"() ({
          %run_scoped3A = tpu.sem_alloc : memref<!tpu.dma_semaphore, #tpu.memory_space<semaphore_mem>>
          %dma_start3A = arith.constant 0 : i32
          %dma_start3A_87 = arith.constant 0 : i32
          %dma_start3A_88 = tpu.memref_slice %arg18[%dma_start3A, %dma_start3A_87] : memref<10000x16xf32, #tpu.memory_space<vmem_shared>> -> memref<10000x16xf32, #tpu.memory_space<vmem_shared>>
          tpu.enqueue_indirect_dma source(%arg11 : memref<1000x16xf32, #tpu.memory_space<vmem>>) target(%dma_start3A_88 : memref<10000x16xf32, #tpu.memory_space<vmem_shared>>) offsets(%arg8 : memref<1000xi32, #tpu.memory_space<vmem>>) semaphore(%run_scoped3A : memref<!tpu.dma_semaphore, #tpu.memory_space<semaphore_mem>>) {add = true}
          %dma_wait3A = arith.constant 0 : i32
          %dma_wait3A_89 = arith.constant 0 : i32
          %dma_wait3A_90 = tpu.memref_slice %arg18[%dma_wait3A, %dma_wait3A_89] : memref<10000x16xf32, #tpu.memory_space<vmem_shared>> -> memref<10000x16xf32, #tpu.memory_space<vmem_shared>>
          tpu.wait_indirect_dma semaphore(%run_scoped3A : memref<!tpu.dma_semaphore, #tpu.memory_space<semaphore_mem>>) src(%arg11 : memref<1000x16xf32, #tpu.memory_space<vmem>>) dst(%dma_wait3A_90 : memref<10000x16xf32, #tpu.memory_space<vmem_shared>>)
          tpu.yield
        }) : () -> ()
      } else {
      }
      %add3A_53 = arith.constant 2 : i32
      %add3A_54 = arith.addi %mul3A_25, %add3A_53 : i32
      %mul3A_55 = arith.constant 32 : i32
      %mul3A_56 = arith.muli %add3A_54, %mul3A_55 : i32
      %add3A_57 = arith.addi %mul3A_56, %add3A : i32
      %sub3A_58 = arith.constant 2 : i32
      %sub3A_59 = arith.subi %add3A_54, %sub3A_58 : i32
      %lt3A_60 = arith.constant 320 : i32
      %lt3A_61 = arith.cmpi slt, %add3A_57, %lt3A_60 : i32
      %convert_element_type3A_62 = arith.extui %lt3A_61 : i1 to i32
      %cond3A_63 = arith.constant 0 : i32
      %cond3A_64 = arith.cmpi ne, %convert_element_type3A_62, %cond3A_63 : i32
      scf.if %cond3A_64 {
        %mul3A_81 = arith.constant 1000 : i32
        %mul3A_82 = arith.muli %add3A_57, %mul3A_81 : i32
        %run_scoped3A = arith.constant 0 : i32
        "tpu.region"() ({
          %run_scoped3A_97 = tpu.sem_alloc : memref<!tpu.dma_semaphore, #tpu.memory_space<semaphore_mem>>
          %dma_start3A_98 = tpu.memref_slice %arg2[%run_scoped3A, %mul3A_82] : memref<2x320000xi32, #tpu.memory_space<hbm>> -> memref<1x1000xi32, #tpu.memory_space<hbm>>
          %dma_start3A_99 = tpu.memref_squeeze %dma_start3A_98 : memref<1x1000xi32, #tpu.memory_space<hbm>> -> memref<1000xi32, #tpu.memory_space<hbm>>
          %dma_start3A_100 = tpu.memref_slice %arg2[%run_scoped3A, %mul3A_82] : memref<2x320000xi32, #tpu.memory_space<hbm>> -> memref<1x1000xi32, #tpu.memory_space<hbm>>
          %dma_start3A_101 = tpu.memref_squeeze %dma_start3A_100 : memref<1x1000xi32, #tpu.memory_space<hbm>> -> memref<1000xi32, #tpu.memory_space<hbm>>
          tpu.enqueue_dma source(%dma_start3A_101 : memref<1000xi32, #tpu.memory_space<hbm>>) target(%arg7 : memref<1000xi32, #tpu.memory_space<vmem>>) target_semaphore(%run_scoped3A_97 : memref<!tpu.dma_semaphore, #tpu.memory_space<semaphore_mem>>)
          %dma_wait3A = tpu.memref_slice %arg2[%run_scoped3A, %mul3A_82] : memref<2x320000xi32, #tpu.memory_space<hbm>> -> memref<1x1000xi32, #tpu.memory_space<hbm>>
          %dma_wait3A_102 = tpu.memref_squeeze %dma_wait3A : memref<1x1000xi32, #tpu.memory_space<hbm>> -> memref<1000xi32, #tpu.memory_space<hbm>>
          %dma_wait3A_103 = tpu.memref_slice %arg2[%run_scoped3A, %mul3A_82] : memref<2x320000xi32, #tpu.memory_space<hbm>> -> memref<1x1000xi32, #tpu.memory_space<hbm>>
          %dma_wait3A_104 = tpu.memref_squeeze %dma_wait3A_103 : memref<1x1000xi32, #tpu.memory_space<hbm>> -> memref<1000xi32, #tpu.memory_space<hbm>>
          tpu.wait_dma2 semaphore(%run_scoped3A_97 : memref<!tpu.dma_semaphore, #tpu.memory_space<semaphore_mem>>) src(%dma_wait3A_104 : memref<1000xi32, #tpu.memory_space<hbm>>) dst(%arg7 : memref<1000xi32, #tpu.memory_space<vmem>>)
          tpu.yield
        }) : () -> ()
        %mul3A_83 = arith.constant 1000 : i32
        %mul3A_84 = arith.muli %add3A_57, %mul3A_83 : i32
        %run_scoped3A_85 = arith.constant 1 : i32
        "tpu.region"() ({
          %run_scoped3A_97 = tpu.sem_alloc : memref<!tpu.dma_semaphore, #tpu.memory_space<semaphore_mem>>
          %dma_start3A_98 = tpu.memref_slice %arg2[%run_scoped3A_85, %mul3A_84] : memref<2x320000xi32, #tpu.memory_space<hbm>> -> memref<1x1000xi32, #tpu.memory_space<hbm>>
          %dma_start3A_99 = tpu.memref_squeeze %dma_start3A_98 : memref<1x1000xi32, #tpu.memory_space<hbm>> -> memref<1000xi32, #tpu.memory_space<hbm>>
          %dma_start3A_100 = tpu.memref_slice %arg2[%run_scoped3A_85, %mul3A_84] : memref<2x320000xi32, #tpu.memory_space<hbm>> -> memref<1x1000xi32, #tpu.memory_space<hbm>>
          %dma_start3A_101 = tpu.memref_squeeze %dma_start3A_100 : memref<1x1000xi32, #tpu.memory_space<hbm>> -> memref<1000xi32, #tpu.memory_space<hbm>>
          tpu.enqueue_dma source(%dma_start3A_101 : memref<1000xi32, #tpu.memory_space<hbm>>) target(%arg8 : memref<1000xi32, #tpu.memory_space<vmem>>) target_semaphore(%run_scoped3A_97 : memref<!tpu.dma_semaphore, #tpu.memory_space<semaphore_mem>>)
          %dma_wait3A = tpu.memref_slice %arg2[%run_scoped3A_85, %mul3A_84] : memref<2x320000xi32, #tpu.memory_space<hbm>> -> memref<1x1000xi32, #tpu.memory_space<hbm>>
          %dma_wait3A_102 = tpu.memref_squeeze %dma_wait3A : memref<1x1000xi32, #tpu.memory_space<hbm>> -> memref<1000xi32, #tpu.memory_space<hbm>>
          %dma_wait3A_103 = tpu.memref_slice %arg2[%run_scoped3A_85, %mul3A_84] : memref<2x320000xi32, #tpu.memory_space<hbm>> -> memref<1x1000xi32, #tpu.memory_space<hbm>>
          %dma_wait3A_104 = tpu.memref_squeeze %dma_wait3A_103 : memref<1x1000xi32, #tpu.memory_space<hbm>> -> memref<1000xi32, #tpu.memory_space<hbm>>
          tpu.wait_dma2 semaphore(%run_scoped3A_97 : memref<!tpu.dma_semaphore, #tpu.memory_space<semaphore_mem>>) src(%dma_wait3A_104 : memref<1000xi32, #tpu.memory_space<hbm>>) dst(%arg8 : memref<1000xi32, #tpu.memory_space<vmem>>)
          tpu.yield
        }) : () -> ()
        %dma_start3A = arith.constant 0 : i32
        %dma_start3A_86 = arith.constant 0 : i32
        %dma_start3A_87 = tpu.memref_slice %arg3[%dma_start3A, %dma_start3A_86] : memref<10000x16xf32, #tpu.memory_space<hbm>> -> memref<10000x16xf32, #tpu.memory_space<hbm>>
        tpu.enqueue_indirect_dma source(%dma_start3A_87 : memref<10000x16xf32, #tpu.memory_space<hbm>>) target(%arg9 : memref<1000x16xf32, #tpu.memory_space<vmem>>) offsets(%arg7 : memref<1000xi32, #tpu.memory_space<vmem>>) semaphore(%arg19 : memref<!tpu.dma_semaphore, #tpu.memory_space<semaphore_mem>>)
        %dma_start3A_88 = arith.constant 0 : i32
        %dma_start3A_89 = arith.constant 0 : i32
        %dma_start3A_90 = tpu.memref_slice %arg4[%dma_start3A_88, %dma_start3A_89] : memref<10000x16xf32, #tpu.memory_space<hbm>> -> memref<10000x16xf32, #tpu.memory_space<hbm>>
        tpu.enqueue_indirect_dma source(%dma_start3A_90 : memref<10000x16xf32, #tpu.memory_space<hbm>>) target(%arg10 : memref<1000x16xf32, #tpu.memory_space<vmem>>) offsets(%arg8 : memref<1000xi32, #tpu.memory_space<vmem>>) semaphore(%arg19 : memref<!tpu.dma_semaphore, #tpu.memory_space<semaphore_mem>>)
        %mul3A_91 = arith.constant 1000 : i32
        %mul3A_92 = arith.muli %add3A_57, %mul3A_91 : i32
        %dma_start3A_93 = arith.constant 0 : i32
        %dma_start3A_94 = tpu.memref_slice %arg5[%mul3A_92, %dma_start3A_93] : memref<320000x16xf32, #tpu.memory_space<hbm>> -> memref<1000x16xf32, #tpu.memory_space<hbm>>
        %dma_start3A_95 = arith.constant 0 : i32
        %dma_start3A_96 = tpu.memref_slice %arg5[%mul3A_92, %dma_start3A_95] : memref<320000x16xf32, #tpu.memory_space<hbm>> -> memref<1000x16xf32, #tpu.memory_space<hbm>>
        tpu.enqueue_dma source(%dma_start3A_96 : memref<1000x16xf32, #tpu.memory_space<hbm>>) target(%arg11 : memref<1000x16xf32, #tpu.memory_space<vmem>>) target_semaphore(%arg19 : memref<!tpu.dma_semaphore, #tpu.memory_space<semaphore_mem>>)
      } else {
      }
      %mul3A_65 = arith.constant 32 : i32
      %mul3A_66 = arith.muli %add3A_27, %mul3A_65 : i32
      %add3A_67 = arith.addi %mul3A_66, %add3A : i32
      %lt3A_68 = arith.constant 320 : i32
      %lt3A_69 = arith.cmpi slt, %add3A_67, %lt3A_68 : i32
      %convert_element_type3A_70 = arith.extui %lt3A_69 : i1 to i32
      %cond3A_71 = arith.constant 0 : i32
      %cond3A_72 = arith.cmpi ne, %convert_element_type3A_70, %cond3A_71 : i32
      scf.if %cond3A_72 {
        %dma_wait3A = arith.constant 0 : i32
        %dma_wait3A_81 = arith.constant 0 : i32
        %dma_wait3A_82 = tpu.memref_slice %arg3[%dma_wait3A, %dma_wait3A_81] : memref<10000x16xf32, #tpu.memory_space<hbm>> -> memref<1000x16xf32, #tpu.memory_space<hbm>>
        %dma_wait3A_83 = arith.constant 0 : i32
        %dma_wait3A_84 = arith.constant 0 : i32
        %dma_wait3A_85 = tpu.memref_slice %arg3[%dma_wait3A_83, %dma_wait3A_84] : memref<10000x16xf32, #tpu.memory_space<hbm>> -> memref<1000x16xf32, #tpu.memory_space<hbm>>
        tpu.wait_dma2 semaphore(%arg20 : memref<!tpu.dma_semaphore, #tpu.memory_space<semaphore_mem>>) src(%dma_wait3A_85 : memref<1000x16xf32, #tpu.memory_space<hbm>>) dst(%arg14 : memref<1000x16xf32, #tpu.memory_space<vmem>>)
        %dma_wait3A_86 = arith.constant 0 : i32
        %dma_wait3A_87 = arith.constant 0 : i32
        %dma_wait3A_88 = tpu.memref_slice %arg3[%dma_wait3A_86, %dma_wait3A_87] : memref<10000x16xf32, #tpu.memory_space<hbm>> -> memref<1000x16xf32, #tpu.memory_space<hbm>>
        %dma_wait3A_89 = arith.constant 0 : i32
        %dma_wait3A_90 = arith.constant 0 : i32
        %dma_wait3A_91 = tpu.memref_slice %arg3[%dma_wait3A_89, %dma_wait3A_90] : memref<10000x16xf32, #tpu.memory_space<hbm>> -> memref<1000x16xf32, #tpu.memory_space<hbm>>
        tpu.wait_dma2 semaphore(%arg20 : memref<!tpu.dma_semaphore, #tpu.memory_space<semaphore_mem>>) src(%dma_wait3A_91 : memref<1000x16xf32, #tpu.memory_space<hbm>>) dst(%arg15 : memref<1000x16xf32, #tpu.memory_space<vmem>>)
        %dma_wait3A_92 = arith.constant 0 : i32
        %dma_wait3A_93 = arith.constant 0 : i32
        %dma_wait3A_94 = tpu.memref_slice %arg5[%dma_wait3A_92, %dma_wait3A_93] : memref<320000x16xf32, #tpu.memory_space<hbm>> -> memref<1000x16xf32, #tpu.memory_space<hbm>>
        %dma_wait3A_95 = arith.constant 0 : i32
        %dma_wait3A_96 = arith.constant 0 : i32
        %dma_wait3A_97 = tpu.memref_slice %arg5[%dma_wait3A_95, %dma_wait3A_96] : memref<320000x16xf32, #tpu.memory_space<hbm>> -> memref<1000x16xf32, #tpu.memory_space<hbm>>
        tpu.wait_dma2 semaphore(%arg20 : memref<!tpu.dma_semaphore, #tpu.memory_space<semaphore_mem>>) src(%dma_wait3A_97 : memref<1000x16xf32, #tpu.memory_space<hbm>>) dst(%arg16 : memref<1000x16xf32, #tpu.memory_space<vmem>>)
      } else {
      }
      %mul3A_73 = arith.constant 32 : i32
      %mul3A_74 = arith.muli %add3A_27, %mul3A_73 : i32
      %add3A_75 = arith.addi %mul3A_74, %add3A : i32
      %lt3A_76 = arith.constant 320 : i32
      %lt3A_77 = arith.cmpi slt, %add3A_75, %lt3A_76 : i32
      %convert_element_type3A_78 = arith.extui %lt3A_77 : i1 to i32
      %cond3A_79 = arith.constant 0 : i32
      %cond3A_80 = arith.cmpi ne, %convert_element_type3A_78, %cond3A_79 : i32
      scf.if %cond3A_80 {
        %scan3A_81 = arith.constant 0 : i32
        %scan3A_82 = arith.constant 0 : i32
        %scan3A_83 = arith.constant 1000 : i32
        %scan3A_84 = arith.addi %scan3A_82, %scan3A_83 : i32
        %scan3A_85 = arith.constant 1 : i32
        scf.for %scan3A_87 = %scan3A_82 to %scan3A_84 step %scan3A_85  : i32 {
          %get3A = arith.index_cast %scan3A_87 : i32 to index
          %get3A_88 = arith.constant 0 : index
          %get3A_89 = tpu.vector_load %arg14[%get3A, %get3A_88] {strides = array<i32>} : memref<1000x16xf32, #tpu.memory_space<vmem>>, vector<1x16xf32>,
          %get3A_90 = vector.shape_cast %get3A_89 : vector<1x16xf32> to vector<16xf32>
          %get3A_91 = arith.index_cast %scan3A_87 : i32 to index
          %get3A_92 = arith.constant 0 : index
          %get3A_93 = tpu.vector_load %arg15[%get3A_91, %get3A_92] {strides = array<i32>} : memref<1000x16xf32, #tpu.memory_space<vmem>>, vector<1x16xf32>,
          %get3A_94 = vector.shape_cast %get3A_93 : vector<1x16xf32> to vector<16xf32>
          %add3A_95 = arith.addf %get3A_90, %get3A_94 : vector<16xf32>
          %get3A_96 = arith.index_cast %scan3A_87 : i32 to index
          %get3A_97 = arith.constant 0 : index
          %get3A_98 = tpu.vector_load %arg16[%get3A_96, %get3A_97] {strides = array<i32>} : memref<1000x16xf32, #tpu.memory_space<vmem>>, vector<1x16xf32>,
          %get3A_99 = vector.shape_cast %get3A_98 : vector<1x16xf32> to vector<16xf32>
          %add3A_100 = arith.addf %add3A_95, %get3A_99 : vector<16xf32>
          %max3A = arith.constant 0.000000e+00 : f32
          %max3A_101 = vector.broadcast %max3A : f32 to vector<16xf32>
          %max3A_102 = arith.maximumf %add3A_100, %max3A_101 : vector<16xf32>
          %swap3A = arith.index_cast %scan3A_87 : i32 to index
          %swap3A_103 = arith.constant 0 : index
          %swap3A_104 = tpu.vector_load %arg16[%swap3A, %swap3A_103] {strides = array<i32>} : memref<1000x16xf32, #tpu.memory_space<vmem>>, vector<1x16xf32>,
          %swap3A_105 = vector.shape_cast %swap3A_104 : vector<1x16xf32> to vector<16xf32>
          %swap3A_106 = vector.shape_cast %max3A_102 : vector<16xf32> to vector<1x16xf32>
          tpu.vector_store %arg16[%swap3A, %swap3A_103], %swap3A_106 {strides = array<i32>} : memref<1000x16xf32, #tpu.memory_space<vmem>>, vector<1x16xf32>,
        }
        %scan3A_86 = arith.constant 1000 : i32
        "tpu.region"() ({
          %run_scoped3A = tpu.sem_alloc : memref<!tpu.dma_semaphore, #tpu.memory_space<semaphore_mem>>
          %dma_start3A = arith.constant 0 : i32
          %dma_start3A_87 = arith.constant 0 : i32
          %dma_start3A_88 = tpu.memref_slice %arg18[%dma_start3A, %dma_start3A_87] : memref<10000x16xf32, #tpu.memory_space<vmem_shared>> -> memref<10000x16xf32, #tpu.memory_space<vmem_shared>>
          tpu.enqueue_indirect_dma source(%arg16 : memref<1000x16xf32, #tpu.memory_space<vmem>>) target(%dma_start3A_88 : memref<10000x16xf32, #tpu.memory_space<vmem_shared>>) offsets(%arg13 : memref<1000xi32, #tpu.memory_space<vmem>>) semaphore(%run_scoped3A : memref<!tpu.dma_semaphore, #tpu.memory_space<semaphore_mem>>) {add = true}
          %dma_wait3A = arith.constant 0 : i32
          %dma_wait3A_89 = arith.constant 0 : i32
          %dma_wait3A_90 = tpu.memref_slice %arg18[%dma_wait3A, %dma_wait3A_89] : memref<10000x16xf32, #tpu.memory_space<vmem_shared>> -> memref<10000x16xf32, #tpu.memory_space<vmem_shared>>
          tpu.wait_indirect_dma semaphore(%run_scoped3A : memref<!tpu.dma_semaphore, #tpu.memory_space<semaphore_mem>>) src(%arg16 : memref<1000x16xf32, #tpu.memory_space<vmem>>) dst(%dma_wait3A_90 : memref<10000x16xf32, #tpu.memory_space<vmem_shared>>)
          tpu.yield
        }) : () -> ()
      } else {
      }
    }
    %scan3A_17 = arith.constant 5 : i32
    %barrier3A_18 = arith.constant 0 : index
    tpu.barrier barrier_id(%barrier3A_18)
    %mul3A_19 = arith.constant 625 : i32
    %mul3A_20 = arith.muli %arg1, %mul3A_19 : i32
    "tpu.region"() ({
      %run_scoped3A = tpu.sem_alloc : memref<!tpu.dma_semaphore, #tpu.memory_space<semaphore_mem>>
      %dma_start3A = arith.constant 0 : i32
      %dma_start3A_23 = tpu.memref_slice %arg18[%mul3A_20, %dma_start3A] : memref<10000x16xf32, #tpu.memory_space<vmem_shared>> -> memref<625x16xf32, #tpu.memory_space<vmem_shared>>
      %dma_start3A_24 = arith.constant 0 : i32
      %dma_start3A_25 = tpu.memref_slice %arg18[%mul3A_20, %dma_start3A_24] : memref<10000x16xf32, #tpu.memory_space<vmem_shared>> -> memref<625x16xf32, #tpu.memory_space<vmem_shared>>
      tpu.enqueue_dma source(%dma_start3A_25 : memref<625x16xf32, #tpu.memory_space<vmem_shared>>) target(%arg17 : memref<625x16xf32, #tpu.memory_space<vmem>>) target_semaphore(%run_scoped3A : memref<!tpu.dma_semaphore, #tpu.memory_space<semaphore_mem>>)
      %dma_wait3A = arith.constant 0 : i32
      %dma_wait3A_26 = tpu.memref_slice %arg18[%mul3A_20, %dma_wait3A] : memref<10000x16xf32, #tpu.memory_space<vmem_shared>> -> memref<625x16xf32, #tpu.memory_space<vmem_shared>>
      %dma_wait3A_27 = arith.constant 0 : i32
      %dma_wait3A_28 = tpu.memref_slice %arg18[%mul3A_20, %dma_wait3A_27] : memref<10000x16xf32, #tpu.memory_space<vmem_shared>> -> memref<625x16xf32, #tpu.memory_space<vmem_shared>>
      tpu.wait_dma2 semaphore(%run_scoped3A : memref<!tpu.dma_semaphore, #tpu.memory_space<semaphore_mem>>) src(%dma_wait3A_28 : memref<625x16xf32, #tpu.memory_space<vmem_shared>>) dst(%arg17 : memref<625x16xf32, #tpu.memory_space<vmem>>)
      tpu.yield
    }) : () -> ()
    %mul3A_21 = arith.constant 625 : i32
    %mul3A_22 = arith.muli %arg1, %mul3A_21 : i32
    "tpu.region"() ({
      %run_scoped3A = tpu.sem_alloc : memref<!tpu.dma_semaphore, #tpu.memory_space<semaphore_mem>>
      %dma_start3A = arith.constant 0 : i32
      %dma_start3A_23 = tpu.memref_slice %arg6[%arg0, %mul3A_22, %dma_start3A] : memref<2x10000x16xf32, #tpu.memory_space<hbm>> -> memref<1x625x16xf32, #tpu.memory_space<hbm>>
      %dma_start3A_24 = tpu.memref_squeeze %dma_start3A_23 : memref<1x625x16xf32, #tpu.memory_space<hbm>> -> memref<625x16xf32, #tpu.memory_space<hbm>>
      %dma_start3A_25 = arith.constant 0 : i32
      %dma_start3A_26 = tpu.memref_slice %arg6[%arg0, %mul3A_22, %dma_start3A_25] : memref<2x10000x16xf32, #tpu.memory_space<hbm>> -> memref<1x625x16xf32, #tpu.memory_space<hbm>>
      %dma_start3A_27 = tpu.memref_squeeze %dma_start3A_26 : memref<1x625x16xf32, #tpu.memory_space<hbm>> -> memref<625x16xf32, #tpu.memory_space<hbm>>
      tpu.enqueue_dma source(%arg17 : memref<625x16xf32, #tpu.memory_space<vmem>>) target(%dma_start3A_27 : memref<625x16xf32, #tpu.memory_space<hbm>>) target_semaphore(%run_scoped3A : memref<!tpu.dma_semaphore, #tpu.memory_space<semaphore_mem>>)
      %dma_wait3A = arith.constant 0 : i32
      %dma_wait3A_28 = tpu.memref_slice %arg6[%arg0, %mul3A_22, %dma_wait3A] : memref<2x10000x16xf32, #tpu.memory_space<hbm>> -> memref<1x625x16xf32, #tpu.memory_space<hbm>>
      %dma_wait3A_29 = tpu.memref_squeeze %dma_wait3A_28 : memref<1x625x16xf32, #tpu.memory_space<hbm>> -> memref<625x16xf32, #tpu.memory_space<hbm>>
      %dma_wait3A_30 = arith.constant 0 : i32
      %dma_wait3A_31 = tpu.memref_slice %arg6[%arg0, %mul3A_22, %dma_wait3A_30] : memref<2x10000x16xf32, #tpu.memory_space<hbm>> -> memref<1x625x16xf32, #tpu.memory_space<hbm>>
      %dma_wait3A_32 = tpu.memref_squeeze %dma_wait3A_31 : memref<1x625x16xf32, #tpu.memory_space<hbm>> -> memref<625x16xf32, #tpu.memory_space<hbm>>
      tpu.wait_dma2 semaphore(%run_scoped3A : memref<!tpu.dma_semaphore, #tpu.memory_space<semaphore_mem>>) src(%arg17 : memref<625x16xf32, #tpu.memory_space<vmem>>) dst(%dma_wait3A_32 : memref<625x16xf32, #tpu.memory_space<hbm>>)
      tpu.yield
    }) : () -> ()
    return
  }
}

module attributes {stable_mosaic.version = 14 : i64} {
  func.func @_embedproj_t0_body(%arg0: i32, %arg1: memref<1250x1024xf32, #tpu.memory_space<vmem>>, %arg2: memref<1024x1024xf32, #tpu.memory_space<vmem>>, %arg3: memref<1x1024xf32, #tpu.memory_space<vmem>>, %arg4: memref<1024x128xf32, #tpu.memory_space<vmem>>, %arg5: memref<1024x128xf32, #tpu.memory_space<vmem>>, %arg6: memref<1x128xf32, #tpu.memory_space<vmem>>, %arg7: memref<1x128xf32, #tpu.memory_space<vmem>>, %arg8: memref<2000x128xf32, #tpu.memory_space<vmem>>, %arg9: memref<128x128xf32, #tpu.memory_space<vmem>>, %arg10: memref<1x128xf32, #tpu.memory_space<vmem>>, %arg11: memref<1250x1024xf32, #tpu.memory_space<vmem>>, %arg12: memref<1250x128xf32, #tpu.memory_space<vmem>>, %arg13: memref<1250x128xf32, #tpu.memory_space<vmem>>, %arg14: memref<2000x128xf32, #tpu.memory_space<vmem>>) attributes {dimension_semantics = [#tpu.dimension_semantics<arbitrary>], iteration_bounds = array<i64: 21>, scalar_prefetch = 0 : i64, scratch_operands = 0 : i64, tpu.core_type = #tpu.core_type<tc>, window_params = [{pipeline_mode = #tpu.pipeline_mode<synchronous>, transform_indices = @transform_0, window_bounds = array<i64: 1250, 1024>}, {pipeline_mode = #tpu.pipeline_mode<synchronous>, transform_indices = @transform_1, window_bounds = array<i64: 1024, 1024>}, {pipeline_mode = #tpu.pipeline_mode<synchronous>, transform_indices = @transform_2, window_bounds = array<i64: 1, 1024>}, {pipeline_mode = #tpu.pipeline_mode<synchronous>, transform_indices = @transform_3, window_bounds = array<i64: 1024, 128>}, {pipeline_mode = #tpu.pipeline_mode<synchronous>, transform_indices = @transform_4, window_bounds = array<i64: 1024, 128>}, {pipeline_mode = #tpu.pipeline_mode<synchronous>, transform_indices = @transform_5, window_bounds = array<i64: 1, 128>}, {pipeline_mode = #tpu.pipeline_mode<synchronous>, transform_indices = @transform_6, window_bounds = array<i64: 1, 128>}, {transform_indices = @transform_7, window_bounds = array<i64: 2000, 128>}, {pipeline_mode = #tpu.pipeline_mode<synchronous>, transform_indices = @transform_8, window_bounds = array<i64: 128, 128>}, {pipeline_mode = #tpu.pipeline_mode<synchronous>, transform_indices = @transform_9, window_bounds = array<i64: 1, 128>}, {pipeline_mode = #tpu.pipeline_mode<synchronous>, transform_indices = @transform_10, window_bounds = array<i64: 1250, 1024>}, {pipeline_mode = #tpu.pipeline_mode<synchronous>, transform_indices = @transform_11, window_bounds = array<i64: 1250, 128>}, {pipeline_mode = #tpu.pipeline_mode<synchronous>, transform_indices = @transform_12, window_bounds = array<i64: 1250, 128>}, {transform_indices = @transform_13, window_bounds = array<i64: 2000, 128>}]} {
    %eq3A = arith.constant 0 : i32
    %eq3A_0 = arith.cmpi eq, %arg0, %eq3A : i32
    %convert_element_type3A = arith.extui %eq3A_0 : i1 to i32
    %cond3A = arith.constant 0 : i32
    %cond3A_1 = arith.cmpi ne, %convert_element_type3A, %cond3A : i32
    scf.if %cond3A_1 {
      %get3A = arith.constant 0 : index
      %get3A_6 = arith.constant 0 : index
      %get3A_7 = vector.load %arg1[%get3A, %get3A_6] : memref<1250x1024xf32, #tpu.memory_space<vmem>>, vector<1250x1024xf32>
      %get3A_8 = arith.constant 0 : index
      %get3A_9 = arith.constant 0 : index
      %get3A_10 = vector.load %arg2[%get3A_8, %get3A_9] : memref<1024x1024xf32, #tpu.memory_space<vmem>>, vector<1024x1024xf32>
      %dot_general3A = arith.constant dense<0.000000e+00> : vector<1250x1024xf32>
      %dot_general3A_11 = tpu.matmul %get3A_7, %get3A_10, %dot_general3A {dimension_numbers = #tpu.dot_dimension_numbers<[1], [0], [0], [1], [0, 0, 1, 1], [], []>, transpose_lhs_hint = false} : vector<1250x1024xf32>, vector<1024x1024xf32>, vector<1250x1024xf32> -> vector<1250x1024xf32>
      %get3A_12 = arith.constant 0 : index
      %get3A_13 = arith.constant 0 : index
      %get3A_14 = vector.load %arg3[%get3A_12, %get3A_13] : memref<1x1024xf32, #tpu.memory_space<vmem>>, vector<1x1024xf32>
      %add3A = vector.broadcast %get3A_14 : vector<1x1024xf32> to vector<1250x1024xf32>
      %add3A_15 = arith.addf %dot_general3A_11, %add3A : vector<1250x1024xf32>
      %swap3A = arith.constant 0 : index
      %swap3A_16 = arith.constant 0 : index
      %swap3A_17 = vector.load %arg11[%swap3A, %swap3A_16] : memref<1250x1024xf32, #tpu.memory_space<vmem>>, vector<1250x1024xf32>
      tpu.vector_store %arg11[%swap3A, %swap3A_16], %add3A_15 {strides = array<i32>} : memref<1250x1024xf32, #tpu.memory_space<vmem>>, vector<1250x1024xf32>,
      %get3A_18 = arith.constant 0 : index
      %get3A_19 = arith.constant 0 : index
      %get3A_20 = vector.load %arg4[%get3A_18, %get3A_19] : memref<1024x128xf32, #tpu.memory_space<vmem>>, vector<1024x128xf32>
      %dot_general3A_21 = arith.constant dense<0.000000e+00> : vector<1250x128xf32>
      %dot_general3A_22 = tpu.matmul %get3A_7, %get3A_20, %dot_general3A_21 {dimension_numbers = #tpu.dot_dimension_numbers<[1], [0], [0], [1], [0, 0, 1, 1], [], []>, transpose_lhs_hint = false} : vector<1250x1024xf32>, vector<1024x128xf32>, vector<1250x128xf32> -> vector<1250x128xf32>
      %get3A_23 = arith.constant 0 : index
      %get3A_24 = arith.constant 0 : index
      %get3A_25 = vector.load %arg6[%get3A_23, %get3A_24] : memref<1x128xf32, #tpu.memory_space<vmem>>, vector<1x128xf32>
      %add3A_26 = vector.broadcast %get3A_25 : vector<1x128xf32> to vector<1250x128xf32>
      %add3A_27 = arith.addf %dot_general3A_22, %add3A_26 : vector<1250x128xf32>
      %swap3A_28 = arith.constant 0 : index
      %swap3A_29 = arith.constant 0 : index
      %swap3A_30 = vector.load %arg12[%swap3A_28, %swap3A_29] : memref<1250x128xf32, #tpu.memory_space<vmem>>, vector<1250x128xf32>
      tpu.vector_store %arg12[%swap3A_28, %swap3A_29], %add3A_27 {strides = array<i32>} : memref<1250x128xf32, #tpu.memory_space<vmem>>, vector<1250x128xf32>,
      %get3A_31 = arith.constant 0 : index
      %get3A_32 = arith.constant 0 : index
      %get3A_33 = vector.load %arg5[%get3A_31, %get3A_32] : memref<1024x128xf32, #tpu.memory_space<vmem>>, vector<1024x128xf32>
      %dot_general3A_34 = arith.constant dense<0.000000e+00> : vector<1250x128xf32>
      %dot_general3A_35 = tpu.matmul %get3A_7, %get3A_33, %dot_general3A_34 {dimension_numbers = #tpu.dot_dimension_numbers<[1], [0], [0], [1], [0, 0, 1, 1], [], []>, transpose_lhs_hint = false} : vector<1250x1024xf32>, vector<1024x128xf32>, vector<1250x128xf32> -> vector<1250x128xf32>
      %get3A_36 = arith.constant 0 : index
      %get3A_37 = arith.constant 0 : index
      %get3A_38 = vector.load %arg7[%get3A_36, %get3A_37] : memref<1x128xf32, #tpu.memory_space<vmem>>, vector<1x128xf32>
      %add3A_39 = vector.broadcast %get3A_38 : vector<1x128xf32> to vector<1250x128xf32>
      %add3A_40 = arith.addf %dot_general3A_35, %add3A_39 : vector<1250x128xf32>
      %swap3A_41 = arith.constant 0 : index
      %swap3A_42 = arith.constant 0 : index
      %swap3A_43 = vector.load %arg13[%swap3A_41, %swap3A_42] : memref<1250x128xf32, #tpu.memory_space<vmem>>, vector<1250x128xf32>
      tpu.vector_store %arg13[%swap3A_41, %swap3A_42], %add3A_40 {strides = array<i32>} : memref<1250x128xf32, #tpu.memory_space<vmem>>, vector<1250x128xf32>,
    } else {
    }
    %gt3A = arith.constant 0 : i32
    %gt3A_2 = arith.cmpi sgt, %arg0, %gt3A : i32
    %convert_element_type3A_3 = arith.extui %gt3A_2 : i1 to i32
    %cond3A_4 = arith.constant 0 : i32
    %cond3A_5 = arith.cmpi ne, %convert_element_type3A_3, %cond3A_4 : i32
    scf.if %cond3A_5 {
      %get3A = arith.constant 0 : index
      %get3A_6 = arith.constant 0 : index
      %get3A_7 = vector.load %arg8[%get3A, %get3A_6] : memref<2000x128xf32, #tpu.memory_space<vmem>>, vector<2000x128xf32>
      %get3A_8 = arith.constant 0 : index
      %get3A_9 = arith.constant 0 : index
      %get3A_10 = vector.load %arg9[%get3A_8, %get3A_9] : memref<128x128xf32, #tpu.memory_space<vmem>>, vector<128x128xf32>
      %dot_general3A = arith.constant dense<0.000000e+00> : vector<2000x128xf32>
      %dot_general3A_11 = tpu.matmul %get3A_7, %get3A_10, %dot_general3A {dimension_numbers = #tpu.dot_dimension_numbers<[1], [0], [0], [1], [0, 0, 1, 1], [], []>, transpose_lhs_hint = false} : vector<2000x128xf32>, vector<128x128xf32>, vector<2000x128xf32> -> vector<2000x128xf32>
      %get3A_12 = arith.constant 0 : index
      %get3A_13 = arith.constant 0 : index
      %get3A_14 = vector.load %arg10[%get3A_12, %get3A_13] : memref<1x128xf32, #tpu.memory_space<vmem>>, vector<1x128xf32>
      %add3A = vector.broadcast %get3A_14 : vector<1x128xf32> to vector<2000x128xf32>
      %add3A_15 = arith.addf %dot_general3A_11, %add3A : vector<2000x128xf32>
      %swap3A = arith.constant 0 : index
      %swap3A_16 = arith.constant 0 : index
      %swap3A_17 = vector.load %arg14[%swap3A, %swap3A_16] : memref<2000x128xf32, #tpu.memory_space<vmem>>, vector<2000x128xf32>
      tpu.vector_store %arg14[%swap3A, %swap3A_16], %add3A_15 {strides = array<i32>} : memref<2000x128xf32, #tpu.memory_space<vmem>>, vector<2000x128xf32>,
    } else {
    }
    return
  }
  func.func @transform_0(%arg0: i32) -> (i32, i32) {
    %c0_i32 = arith.constant 0 : i32
    %c0_i32_0 = arith.constant 0 : i32
    %c0_i32_1 = arith.constant 0 : i32
    return %c0_i32, %c0_i32_0 : i32, i32
  }
  func.func @transform_1(%arg0: i32) -> (i32, i32) {
    %c0_i32 = arith.constant 0 : i32
    %c0_i32_0 = arith.constant 0 : i32
    %c0_i32_1 = arith.constant 0 : i32
    return %c0_i32, %c0_i32_0 : i32, i32
  }
  func.func @transform_2(%arg0: i32) -> (i32, i32) {
    %c0_i32 = arith.constant 0 : i32
    %c0_i32_0 = arith.constant 0 : i32
    %c0_i32_1 = arith.constant 0 : i32
    return %c0_i32, %c0_i32_0 : i32, i32
  }
  func.func @transform_3(%arg0: i32) -> (i32, i32) {
    %c0_i32 = arith.constant 0 : i32
    %c0_i32_0 = arith.constant 0 : i32
    %c0_i32_1 = arith.constant 0 : i32
    return %c0_i32, %c0_i32_0 : i32, i32
  }
  func.func @transform_4(%arg0: i32) -> (i32, i32) {
    %c0_i32 = arith.constant 0 : i32
    %c0_i32_0 = arith.constant 0 : i32
    %c0_i32_1 = arith.constant 0 : i32
    return %c0_i32, %c0_i32_0 : i32, i32
  }
  func.func @transform_5(%arg0: i32) -> (i32, i32) {
    %c0_i32 = arith.constant 0 : i32
    %c0_i32_0 = arith.constant 0 : i32
    %c0_i32_1 = arith.constant 0 : i32
    return %c0_i32, %c0_i32_0 : i32, i32
  }
  func.func @transform_6(%arg0: i32) -> (i32, i32) {
    %c0_i32 = arith.constant 0 : i32
    %c0_i32_0 = arith.constant 0 : i32
    %c0_i32_1 = arith.constant 0 : i32
    return %c0_i32, %c0_i32_0 : i32, i32
  }
  func.func @transform_7(%arg0: i32) -> (i32, i32) {
    %sub3A = arith.constant 1 : i32
    %sub3A_0 = arith.subi %arg0, %sub3A : i32
    %max3A = arith.constant 0 : i32
    %max3A_1 = arith.maxsi %sub3A_0, %max3A : i32
    %c0_i32 = arith.constant 0 : i32
    %c0_i32_2 = arith.constant 0 : i32
    return %max3A_1, %c0_i32 : i32, i32
  }
  func.func @transform_8(%arg0: i32) -> (i32, i32) {
    %c0_i32 = arith.constant 0 : i32
    %c0_i32_0 = arith.constant 0 : i32
    %c0_i32_1 = arith.constant 0 : i32
    return %c0_i32, %c0_i32_0 : i32, i32
  }
  func.func @transform_9(%arg0: i32) -> (i32, i32) {
    %c0_i32 = arith.constant 0 : i32
    %c0_i32_0 = arith.constant 0 : i32
    %c0_i32_1 = arith.constant 0 : i32
    return %c0_i32, %c0_i32_0 : i32, i32
  }
  func.func @transform_10(%arg0: i32) -> (i32, i32) {
    %c0_i32 = arith.constant 0 : i32
    %c0_i32_0 = arith.constant 0 : i32
    %c0_i32_1 = arith.constant 0 : i32
    return %c0_i32, %c0_i32_0 : i32, i32
  }
  func.func @transform_11(%arg0: i32) -> (i32, i32) {
    %c0_i32 = arith.constant 0 : i32
    %c0_i32_0 = arith.constant 0 : i32
    %c0_i32_1 = arith.constant 0 : i32
    return %c0_i32, %c0_i32_0 : i32, i32
  }
  func.func @transform_12(%arg0: i32) -> (i32, i32) {
    %c0_i32 = arith.constant 0 : i32
    %c0_i32_0 = arith.constant 0 : i32
    %c0_i32_1 = arith.constant 0 : i32
    return %c0_i32, %c0_i32_0 : i32, i32
  }
  func.func @transform_13(%arg0: i32) -> (i32, i32) {
    %sub3A = arith.constant 1 : i32
    %sub3A_0 = arith.subi %arg0, %sub3A : i32
    %max3A = arith.constant 0 : i32
    %max3A_1 = arith.maxsi %sub3A_0, %max3A : i32
    %c0_i32 = arith.constant 0 : i32
    %c0_i32_2 = arith.constant 0 : i32
    return %max3A_1, %c0_i32 : i32, i32
  }
}

module attributes {stable_mosaic.version = 14 : i64} {
  func.func @_updproj_tmsg_body(%arg0: i32, %arg1: memref<1250x1024xf32, #tpu.memory_space<vmem>>, %arg2: memref<2x1250x128xf32, #tpu.memory_space<vmem>>, %arg3: memref<1024x1024xf32, #tpu.memory_space<vmem>>, %arg4: memref<128x1024xf32, #tpu.memory_space<vmem>>, %arg5: memref<1x1024xf32, #tpu.memory_space<vmem>>, %arg6: memref<1024x128xf32, #tpu.memory_space<vmem>>, %arg7: memref<1024x128xf32, #tpu.memory_space<vmem>>, %arg8: memref<2000x128xf32, #tpu.memory_space<vmem>>, %arg9: memref<128x128xf32, #tpu.memory_space<vmem>>, %arg10: memref<1x128xf32, #tpu.memory_space<vmem>>, %arg11: memref<1250x1024xf32, #tpu.memory_space<vmem>>, %arg12: memref<1250x128xf32, #tpu.memory_space<vmem>>, %arg13: memref<1250x128xf32, #tpu.memory_space<vmem>>, %arg14: memref<2000x128xf32, #tpu.memory_space<vmem>>) attributes {dimension_semantics = [#tpu.dimension_semantics<arbitrary>], iteration_bounds = array<i64: 21>, scalar_prefetch = 0 : i64, scratch_operands = 0 : i64, tpu.core_type = #tpu.core_type<tc>, window_params = [{pipeline_mode = #tpu.pipeline_mode<synchronous>, transform_indices = @transform_0, window_bounds = array<i64: 1250, 1024>}, {pipeline_mode = #tpu.pipeline_mode<synchronous>, transform_indices = @transform_1, window_bounds = array<i64: 2, 1250, 128>}, {pipeline_mode = #tpu.pipeline_mode<synchronous>, transform_indices = @transform_2, window_bounds = array<i64: 1024, 1024>}, {pipeline_mode = #tpu.pipeline_mode<synchronous>, transform_indices = @transform_3, window_bounds = array<i64: 128, 1024>}, {pipeline_mode = #tpu.pipeline_mode<synchronous>, transform_indices = @transform_4, window_bounds = array<i64: 1, 1024>}, {pipeline_mode = #tpu.pipeline_mode<synchronous>, transform_indices = @transform_5, window_bounds = array<i64: 1024, 128>}, {pipeline_mode = #tpu.pipeline_mode<synchronous>, transform_indices = @transform_6, window_bounds = array<i64: 1024, 128>}, {transform_indices = @transform_7, window_bounds = array<i64: 2000, 128>}, {pipeline_mode = #tpu.pipeline_mode<synchronous>, transform_indices = @transform_8, window_bounds = array<i64: 128, 128>}, {pipeline_mode = #tpu.pipeline_mode<synchronous>, transform_indices = @transform_9, window_bounds = array<i64: 1, 128>}, {pipeline_mode = #tpu.pipeline_mode<synchronous>, transform_indices = @transform_10, window_bounds = array<i64: 1250, 1024>}, {pipeline_mode = #tpu.pipeline_mode<synchronous>, transform_indices = @transform_11, window_bounds = array<i64: 1250, 128>}, {pipeline_mode = #tpu.pipeline_mode<synchronous>, transform_indices = @transform_12, window_bounds = array<i64: 1250, 128>}, {transform_indices = @transform_13, window_bounds = array<i64: 2000, 128>}]} {
    %eq3A = arith.constant 0 : i32
    %eq3A_0 = arith.cmpi eq, %arg0, %eq3A : i32
    %convert_element_type3A = arith.extui %eq3A_0 : i1 to i32
    %cond3A = arith.constant 0 : i32
    %cond3A_1 = arith.cmpi ne, %convert_element_type3A, %cond3A : i32
    scf.if %cond3A_1 {
      %get3A = arith.constant 0 : index
      %get3A_6 = arith.constant 0 : index
      %get3A_7 = arith.constant 0 : index
      %get3A_8 = vector.load %arg2[%get3A, %get3A_6, %get3A_7] : memref<2x1250x128xf32, #tpu.memory_space<vmem>>, vector<1x1250x128xf32>
      %get3A_9 = vector.shape_cast %get3A_8 : vector<1x1250x128xf32> to vector<1250x128xf32>
      %get3A_10 = arith.constant 1 : index
      %get3A_11 = arith.constant 0 : index
      %get3A_12 = arith.constant 0 : index
      %get3A_13 = vector.load %arg2[%get3A_10, %get3A_11, %get3A_12] : memref<2x1250x128xf32, #tpu.memory_space<vmem>>, vector<1x1250x128xf32>
      %get3A_14 = vector.shape_cast %get3A_13 : vector<1x1250x128xf32> to vector<1250x128xf32>
      %add3A = arith.addf %get3A_9, %get3A_14 : vector<1250x128xf32>
      %get3A_15 = arith.constant 0 : index
      %get3A_16 = arith.constant 0 : index
      %get3A_17 = vector.load %arg1[%get3A_15, %get3A_16] : memref<1250x1024xf32, #tpu.memory_space<vmem>>, vector<1250x1024xf32>
      %get3A_18 = arith.constant 0 : index
      %get3A_19 = arith.constant 0 : index
      %get3A_20 = vector.load %arg3[%get3A_18, %get3A_19] : memref<1024x1024xf32, #tpu.memory_space<vmem>>, vector<1024x1024xf32>
      %dot_general3A = arith.constant dense<0.000000e+00> : vector<1250x1024xf32>
      %dot_general3A_21 = tpu.matmul %get3A_17, %get3A_20, %dot_general3A {dimension_numbers = #tpu.dot_dimension_numbers<[1], [0], [0], [1], [0, 0, 1, 1], [], []>, transpose_lhs_hint = false} : vector<1250x1024xf32>, vector<1024x1024xf32>, vector<1250x1024xf32> -> vector<1250x1024xf32>
      %get3A_22 = arith.constant 0 : index
      %get3A_23 = arith.constant 0 : index
      %get3A_24 = vector.load %arg4[%get3A_22, %get3A_23] : memref<128x1024xf32, #tpu.memory_space<vmem>>, vector<128x1024xf32>
      %dot_general3A_25 = arith.constant dense<0.000000e+00> : vector<1250x1024xf32>
      %dot_general3A_26 = tpu.matmul %add3A, %get3A_24, %dot_general3A_25 {dimension_numbers = #tpu.dot_dimension_numbers<[1], [0], [0], [1], [0, 0, 1, 1], [], []>, transpose_lhs_hint = false} : vector<1250x128xf32>, vector<128x1024xf32>, vector<1250x1024xf32> -> vector<1250x1024xf32>
      %add3A_27 = arith.addf %dot_general3A_21, %dot_general3A_26 : vector<1250x1024xf32>
      %get3A_28 = arith.constant 0 : index
      %get3A_29 = arith.constant 0 : index
      %get3A_30 = vector.load %arg5[%get3A_28, %get3A_29] : memref<1x1024xf32, #tpu.memory_space<vmem>>, vector<1x1024xf32>
      %add3A_31 = vector.broadcast %get3A_30 : vector<1x1024xf32> to vector<1250x1024xf32>
      %add3A_32 = arith.addf %add3A_27, %add3A_31 : vector<1250x1024xf32>
      %max3A = arith.constant 0.000000e+00 : f32
      %max3A_33 = vector.broadcast %max3A : f32 to vector<1250x1024xf32>
      %max3A_34 = arith.maximumf %add3A_32, %max3A_33 : vector<1250x1024xf32>
      %swap3A = arith.constant 0 : index
      %swap3A_35 = arith.constant 0 : index
      %swap3A_36 = vector.load %arg11[%swap3A, %swap3A_35] : memref<1250x1024xf32, #tpu.memory_space<vmem>>, vector<1250x1024xf32>
      tpu.vector_store %arg11[%swap3A, %swap3A_35], %max3A_34 {strides = array<i32>} : memref<1250x1024xf32, #tpu.memory_space<vmem>>, vector<1250x1024xf32>,
      %get3A_37 = arith.constant 0 : index
      %get3A_38 = arith.constant 0 : index
      %get3A_39 = vector.load %arg6[%get3A_37, %get3A_38] : memref<1024x128xf32, #tpu.memory_space<vmem>>, vector<1024x128xf32>
      %dot_general3A_40 = arith.constant dense<0.000000e+00> : vector<1250x128xf32>
      %dot_general3A_41 = tpu.matmul %max3A_34, %get3A_39, %dot_general3A_40 {dimension_numbers = #tpu.dot_dimension_numbers<[1], [0], [0], [1], [0, 0, 1, 1], [], []>, transpose_lhs_hint = false} : vector<1250x1024xf32>, vector<1024x128xf32>, vector<1250x128xf32> -> vector<1250x128xf32>
      %swap3A_42 = arith.constant 0 : index
      %swap3A_43 = arith.constant 0 : index
      %swap3A_44 = vector.load %arg12[%swap3A_42, %swap3A_43] : memref<1250x128xf32, #tpu.memory_space<vmem>>, vector<1250x128xf32>
      tpu.vector_store %arg12[%swap3A_42, %swap3A_43], %dot_general3A_41 {strides = array<i32>} : memref<1250x128xf32, #tpu.memory_space<vmem>>, vector<1250x128xf32>,
      %get3A_45 = arith.constant 0 : index
      %get3A_46 = arith.constant 0 : index
      %get3A_47 = vector.load %arg7[%get3A_45, %get3A_46] : memref<1024x128xf32, #tpu.memory_space<vmem>>, vector<1024x128xf32>
      %dot_general3A_48 = arith.constant dense<0.000000e+00> : vector<1250x128xf32>
      %dot_general3A_49 = tpu.matmul %max3A_34, %get3A_47, %dot_general3A_48 {dimension_numbers = #tpu.dot_dimension_numbers<[1], [0], [0], [1], [0, 0, 1, 1], [], []>, transpose_lhs_hint = false} : vector<1250x1024xf32>, vector<1024x128xf32>, vector<1250x128xf32> -> vector<1250x128xf32>
      %swap3A_50 = arith.constant 0 : index
      %swap3A_51 = arith.constant 0 : index
      %swap3A_52 = vector.load %arg13[%swap3A_50, %swap3A_51] : memref<1250x128xf32, #tpu.memory_space<vmem>>, vector<1250x128xf32>
      tpu.vector_store %arg13[%swap3A_50, %swap3A_51], %dot_general3A_49 {strides = array<i32>} : memref<1250x128xf32, #tpu.memory_space<vmem>>, vector<1250x128xf32>,
    } else {
    }
    %gt3A = arith.constant 0 : i32
    %gt3A_2 = arith.cmpi sgt, %arg0, %gt3A : i32
    %convert_element_type3A_3 = arith.extui %gt3A_2 : i1 to i32
    %cond3A_4 = arith.constant 0 : i32
    %cond3A_5 = arith.cmpi ne, %convert_element_type3A_3, %cond3A_4 : i32
    scf.if %cond3A_5 {
      %get3A = arith.constant 0 : index
      %get3A_6 = arith.constant 0 : index
      %get3A_7 = vector.load %arg8[%get3A, %get3A_6] : memref<2000x128xf32, #tpu.memory_space<vmem>>, vector<2000x128xf32>
      %get3A_8 = arith.constant 0 : index
      %get3A_9 = arith.constant 0 : index
      %get3A_10 = vector.load %arg9[%get3A_8, %get3A_9] : memref<128x128xf32, #tpu.memory_space<vmem>>, vector<128x128xf32>
      %dot_general3A = arith.constant dense<0.000000e+00> : vector<2000x128xf32>
      %dot_general3A_11 = tpu.matmul %get3A_7, %get3A_10, %dot_general3A {dimension_numbers = #tpu.dot_dimension_numbers<[1], [0], [0], [1], [0, 0, 1, 1], [], []>, transpose_lhs_hint = false} : vector<2000x128xf32>, vector<128x128xf32>, vector<2000x128xf32> -> vector<2000x128xf32>
      %get3A_12 = arith.constant 0 : index
      %get3A_13 = arith.constant 0 : index
      %get3A_14 = vector.load %arg10[%get3A_12, %get3A_13] : memref<1x128xf32, #tpu.memory_space<vmem>>, vector<1x128xf32>
      %add3A = vector.broadcast %get3A_14 : vector<1x128xf32> to vector<2000x128xf32>
      %add3A_15 = arith.addf %dot_general3A_11, %add3A : vector<2000x128xf32>
      %swap3A = arith.constant 0 : index
      %swap3A_16 = arith.constant 0 : index
      %swap3A_17 = vector.load %arg14[%swap3A, %swap3A_16] : memref<2000x128xf32, #tpu.memory_space<vmem>>, vector<2000x128xf32>
      tpu.vector_store %arg14[%swap3A, %swap3A_16], %add3A_15 {strides = array<i32>} : memref<2000x128xf32, #tpu.memory_space<vmem>>, vector<2000x128xf32>,
    } else {
    }
    return
  }
  func.func @transform_0(%arg0: i32) -> (i32, i32) {
    %c0_i32 = arith.constant 0 : i32
    %c0_i32_0 = arith.constant 0 : i32
    %c0_i32_1 = arith.constant 0 : i32
    return %c0_i32, %c0_i32_0 : i32, i32
  }
  func.func @transform_1(%arg0: i32) -> (i32, i32, i32) {
    %c0_i32 = arith.constant 0 : i32
    %c0_i32_0 = arith.constant 0 : i32
    %c0_i32_1 = arith.constant 0 : i32
    %c0_i32_2 = arith.constant 0 : i32
    return %c0_i32, %c0_i32_0, %c0_i32_1 : i32, i32, i32
  }
  func.func @transform_2(%arg0: i32) -> (i32, i32) {
    %c0_i32 = arith.constant 0 : i32
    %c0_i32_0 = arith.constant 0 : i32
    %c0_i32_1 = arith.constant 0 : i32
    return %c0_i32, %c0_i32_0 : i32, i32
  }
  func.func @transform_3(%arg0: i32) -> (i32, i32) {
    %c0_i32 = arith.constant 0 : i32
    %c0_i32_0 = arith.constant 0 : i32
    %c0_i32_1 = arith.constant 0 : i32
    return %c0_i32, %c0_i32_0 : i32, i32
  }
  func.func @transform_4(%arg0: i32) -> (i32, i32) {
    %c0_i32 = arith.constant 0 : i32
    %c0_i32_0 = arith.constant 0 : i32
    %c0_i32_1 = arith.constant 0 : i32
    return %c0_i32, %c0_i32_0 : i32, i32
  }
  func.func @transform_5(%arg0: i32) -> (i32, i32) {
    %c0_i32 = arith.constant 0 : i32
    %c0_i32_0 = arith.constant 0 : i32
    %c0_i32_1 = arith.constant 0 : i32
    return %c0_i32, %c0_i32_0 : i32, i32
  }
  func.func @transform_6(%arg0: i32) -> (i32, i32) {
    %c0_i32 = arith.constant 0 : i32
    %c0_i32_0 = arith.constant 0 : i32
    %c0_i32_1 = arith.constant 0 : i32
    return %c0_i32, %c0_i32_0 : i32, i32
  }
  func.func @transform_7(%arg0: i32) -> (i32, i32) {
    %sub3A = arith.constant 1 : i32
    %sub3A_0 = arith.subi %arg0, %sub3A : i32
    %max3A = arith.constant 0 : i32
    %max3A_1 = arith.maxsi %sub3A_0, %max3A : i32
    %c0_i32 = arith.constant 0 : i32
    %c0_i32_2 = arith.constant 0 : i32
    return %max3A_1, %c0_i32 : i32, i32
  }
  func.func @transform_8(%arg0: i32) -> (i32, i32) {
    %c0_i32 = arith.constant 0 : i32
    %c0_i32_0 = arith.constant 0 : i32
    %c0_i32_1 = arith.constant 0 : i32
    return %c0_i32, %c0_i32_0 : i32, i32
  }
  func.func @transform_9(%arg0: i32) -> (i32, i32) {
    %c0_i32 = arith.constant 0 : i32
    %c0_i32_0 = arith.constant 0 : i32
    %c0_i32_1 = arith.constant 0 : i32
    return %c0_i32, %c0_i32_0 : i32, i32
  }
  func.func @transform_10(%arg0: i32) -> (i32, i32) {
    %c0_i32 = arith.constant 0 : i32
    %c0_i32_0 = arith.constant 0 : i32
    %c0_i32_1 = arith.constant 0 : i32
    return %c0_i32, %c0_i32_0 : i32, i32
  }
  func.func @transform_11(%arg0: i32) -> (i32, i32) {
    %c0_i32 = arith.constant 0 : i32
    %c0_i32_0 = arith.constant 0 : i32
    %c0_i32_1 = arith.constant 0 : i32
    return %c0_i32, %c0_i32_0 : i32, i32
  }
  func.func @transform_12(%arg0: i32) -> (i32, i32) {
    %c0_i32 = arith.constant 0 : i32
    %c0_i32_0 = arith.constant 0 : i32
    %c0_i32_1 = arith.constant 0 : i32
    return %c0_i32, %c0_i32_0 : i32, i32
  }
  func.func @transform_13(%arg0: i32) -> (i32, i32) {
    %sub3A = arith.constant 1 : i32
    %sub3A_0 = arith.subi %arg0, %sub3A : i32
    %max3A = arith.constant 0 : i32
    %max3A_1 = arith.maxsi %sub3A_0, %max3A : i32
    %c0_i32 = arith.constant 0 : i32
    %c0_i32_2 = arith.constant 0 : i32
    return %max3A_1, %c0_i32 : i32, i32
  }
}

module attributes {stable_mosaic.version = 14 : i64} {
  func.func @_node_update_body(%arg0: i32, %arg1: memref<1250x1024xf32, #tpu.memory_space<vmem>>, %arg2: memref<2x1250x128xf32, #tpu.memory_space<vmem>>, %arg3: memref<1024x1024xf32, #tpu.memory_space<vmem>>, %arg4: memref<128x1024xf32, #tpu.memory_space<vmem>>, %arg5: memref<1x1024xf32, #tpu.memory_space<vmem>>, %arg6: memref<1250x1024xf32, #tpu.memory_space<vmem>>) attributes {dimension_semantics = [#tpu.dimension_semantics<arbitrary>], iteration_bounds = array<i64: 1>, scalar_prefetch = 0 : i64, scratch_operands = 0 : i64, tpu.core_type = #tpu.core_type<tc>, window_params = [{pipeline_mode = #tpu.pipeline_mode<synchronous>, transform_indices = @transform_0, window_bounds = array<i64: 1250, 1024>}, {pipeline_mode = #tpu.pipeline_mode<synchronous>, transform_indices = @transform_1, window_bounds = array<i64: 2, 1250, 128>}, {pipeline_mode = #tpu.pipeline_mode<synchronous>, transform_indices = @transform_2, window_bounds = array<i64: 1024, 1024>}, {pipeline_mode = #tpu.pipeline_mode<synchronous>, transform_indices = @transform_3, window_bounds = array<i64: 128, 1024>}, {pipeline_mode = #tpu.pipeline_mode<synchronous>, transform_indices = @transform_4, window_bounds = array<i64: 1, 1024>}, {pipeline_mode = #tpu.pipeline_mode<synchronous>, transform_indices = @transform_5, window_bounds = array<i64: 1250, 1024>}]} {
    %get3A = arith.constant 0 : index
    %get3A_0 = arith.constant 0 : index
    %get3A_1 = arith.constant 0 : index
    %get3A_2 = vector.load %arg2[%get3A, %get3A_0, %get3A_1] : memref<2x1250x128xf32, #tpu.memory_space<vmem>>, vector<1x1250x128xf32>
    %get3A_3 = vector.shape_cast %get3A_2 : vector<1x1250x128xf32> to vector<1250x128xf32>
    %get3A_4 = arith.constant 1 : index
    %get3A_5 = arith.constant 0 : index
    %get3A_6 = arith.constant 0 : index
    %get3A_7 = vector.load %arg2[%get3A_4, %get3A_5, %get3A_6] : memref<2x1250x128xf32, #tpu.memory_space<vmem>>, vector<1x1250x128xf32>
    %get3A_8 = vector.shape_cast %get3A_7 : vector<1x1250x128xf32> to vector<1250x128xf32>
    %add3A = arith.addf %get3A_3, %get3A_8 : vector<1250x128xf32>
    %get3A_9 = arith.constant 0 : index
    %get3A_10 = arith.constant 0 : index
    %get3A_11 = vector.load %arg1[%get3A_9, %get3A_10] : memref<1250x1024xf32, #tpu.memory_space<vmem>>, vector<1250x1024xf32>
    %get3A_12 = arith.constant 0 : index
    %get3A_13 = arith.constant 0 : index
    %get3A_14 = vector.load %arg3[%get3A_12, %get3A_13] : memref<1024x1024xf32, #tpu.memory_space<vmem>>, vector<1024x1024xf32>
    %dot_general3A = arith.constant dense<0.000000e+00> : vector<1250x1024xf32>
    %dot_general3A_15 = tpu.matmul %get3A_11, %get3A_14, %dot_general3A {dimension_numbers = #tpu.dot_dimension_numbers<[1], [0], [0], [1], [0, 0, 1, 1], [], []>, transpose_lhs_hint = false} : vector<1250x1024xf32>, vector<1024x1024xf32>, vector<1250x1024xf32> -> vector<1250x1024xf32>
    %get3A_16 = arith.constant 0 : index
    %get3A_17 = arith.constant 0 : index
    %get3A_18 = vector.load %arg4[%get3A_16, %get3A_17] : memref<128x1024xf32, #tpu.memory_space<vmem>>, vector<128x1024xf32>
    %dot_general3A_19 = arith.constant dense<0.000000e+00> : vector<1250x1024xf32>
    %dot_general3A_20 = tpu.matmul %add3A, %get3A_18, %dot_general3A_19 {dimension_numbers = #tpu.dot_dimension_numbers<[1], [0], [0], [1], [0, 0, 1, 1], [], []>, transpose_lhs_hint = false} : vector<1250x128xf32>, vector<128x1024xf32>, vector<1250x1024xf32> -> vector<1250x1024xf32>
    %add3A_21 = arith.addf %dot_general3A_15, %dot_general3A_20 : vector<1250x1024xf32>
    %get3A_22 = arith.constant 0 : index
    %get3A_23 = arith.constant 0 : index
    %get3A_24 = vector.load %arg5[%get3A_22, %get3A_23] : memref<1x1024xf32, #tpu.memory_space<vmem>>, vector<1x1024xf32>
    %add3A_25 = vector.broadcast %get3A_24 : vector<1x1024xf32> to vector<1250x1024xf32>
    %add3A_26 = arith.addf %add3A_21, %add3A_25 : vector<1250x1024xf32>
    %max3A = arith.constant 0.000000e+00 : f32
    %max3A_27 = vector.broadcast %max3A : f32 to vector<1250x1024xf32>
    %max3A_28 = arith.maximumf %add3A_26, %max3A_27 : vector<1250x1024xf32>
    %swap3A = arith.constant 0 : index
    %swap3A_29 = arith.constant 0 : index
    %swap3A_30 = vector.load %arg6[%swap3A, %swap3A_29] : memref<1250x1024xf32, #tpu.memory_space<vmem>>, vector<1250x1024xf32>
    tpu.vector_store %arg6[%swap3A, %swap3A_29], %max3A_28 {strides = array<i32>} : memref<1250x1024xf32, #tpu.memory_space<vmem>>, vector<1250x1024xf32>,
    return
  }
  func.func @transform_0(%arg0: i32) -> (i32, i32) {
    %c0_i32 = arith.constant 0 : i32
    %c0_i32_0 = arith.constant 0 : i32
    %c0_i32_1 = arith.constant 0 : i32
    return %c0_i32, %c0_i32_0 : i32, i32
  }
  func.func @transform_1(%arg0: i32) -> (i32, i32, i32) {
    %c0_i32 = arith.constant 0 : i32
    %c0_i32_0 = arith.constant 0 : i32
    %c0_i32_1 = arith.constant 0 : i32
    %c0_i32_2 = arith.constant 0 : i32
    return %c0_i32, %c0_i32_0, %c0_i32_1 : i32, i32, i32
  }
  func.func @transform_2(%arg0: i32) -> (i32, i32) {
    %c0_i32 = arith.constant 0 : i32
    %c0_i32_0 = arith.constant 0 : i32
    %c0_i32_1 = arith.constant 0 : i32
    return %c0_i32, %c0_i32_0 : i32, i32
  }
  func.func @transform_3(%arg0: i32) -> (i32, i32) {
    %c0_i32 = arith.constant 0 : i32
    %c0_i32_0 = arith.constant 0 : i32
    %c0_i32_1 = arith.constant 0 : i32
    return %c0_i32, %c0_i32_0 : i32, i32
  }
  func.func @transform_4(%arg0: i32) -> (i32, i32) {
    %c0_i32 = arith.constant 0 : i32
    %c0_i32_0 = arith.constant 0 : i32
    %c0_i32_1 = arith.constant 0 : i32
    return %c0_i32, %c0_i32_0 : i32, i32
  }
  func.func @transform_5(%arg0: i32) -> (i32, i32) {
    %c0_i32 = arith.constant 0 : i32
    %c0_i32_0 = arith.constant 0 : i32
    %c0_i32_1 = arith.constant 0 : i32
    return %c0_i32, %c0_i32_0 : i32, i32
  }
}

module attributes {stable_mosaic.version = 14 : i64} {
  func.func @_readout_body(%arg0: i32, %arg1: memref<1000x1xf32, #tpu.memory_space<vmem>>, %arg2: memref<1000x128xf32, #tpu.memory_space<vmem>>, %arg3: memref<128x128xf32, #tpu.memory_space<vmem>>, %arg4: memref<1x128xf32, #tpu.memory_space<vmem>>, %arg5: memref<128x256xf32, #tpu.memory_space<vmem>>, %arg6: memref<128x256xf32, #tpu.memory_space<vmem>>, %arg7: memref<128x128xf32, #tpu.memory_space<vmem>>) attributes {dimension_semantics = [#tpu.dimension_semantics<arbitrary>], iteration_bounds = array<i64: 10>, scalar_prefetch = 0 : i64, scratch_operands = 1 : i64, tpu.core_type = #tpu.core_type<tc>, window_params = [{transform_indices = @transform_0, window_bounds = array<i64: 1000, 1>}, {transform_indices = @transform_1, window_bounds = array<i64: 1000, 128>}, {pipeline_mode = #tpu.pipeline_mode<synchronous>, transform_indices = @transform_2, window_bounds = array<i64: 128, 128>}, {pipeline_mode = #tpu.pipeline_mode<synchronous>, transform_indices = @transform_3, window_bounds = array<i64: 1, 128>}, {pipeline_mode = #tpu.pipeline_mode<synchronous>, transform_indices = @transform_4, window_bounds = array<i64: 128, 256>}, {pipeline_mode = #tpu.pipeline_mode<synchronous>, transform_indices = @transform_5, window_bounds = array<i64: 128, 256>}]} {
    %eq3A = arith.constant 0 : i32
    %eq3A_0 = arith.cmpi eq, %arg0, %eq3A : i32
    %convert_element_type3A = arith.extui %eq3A_0 : i1 to i32
    %cond3A = arith.constant 0 : i32
    %cond3A_1 = arith.cmpi ne, %convert_element_type3A, %cond3A : i32
    scf.if %cond3A_1 {
      %broadcast_in_dim3A = arith.constant 0.000000e+00 : f32
      %broadcast_in_dim3A_23 = vector.broadcast %broadcast_in_dim3A : f32 to vector<128x128xf32>
      %swap3A_24 = arith.constant 0 : index
      %swap3A_25 = arith.constant 0 : index
      %swap3A_26 = vector.load %arg7[%swap3A_24, %swap3A_25] : memref<128x128xf32, #tpu.memory_space<vmem>>, vector<128x128xf32>
      tpu.vector_store %arg7[%swap3A_24, %swap3A_25], %broadcast_in_dim3A_23 {strides = array<i32>} : memref<128x128xf32, #tpu.memory_space<vmem>>, vector<128x128xf32>,
    } else {
    }
    %get3A = arith.constant 0 : index
    %get3A_2 = arith.constant 0 : index
    %get3A_3 = vector.load %arg1[%get3A, %get3A_2] : memref<1000x1xf32, #tpu.memory_space<vmem>>, vector<1000x1xf32>
    %iota3A = tpu.iota {dimensions = array<i32: 1>} : vector<1000x128xi32>
    %convert_element_type3A_4 = arith.sitofp %iota3A : vector<1000x128xi32> to vector<1000x128xf32>
    %eq3A_5 = vector.broadcast %get3A_3 : vector<1000x1xf32> to vector<1000x128xf32>
    %eq3A_6 = arith.cmpf oeq, %eq3A_5, %convert_element_type3A_4 : vector<1000x128xf32>
    %convert_element_type3A_7 = arith.extui %eq3A_6 : vector<1000x128xi1> to vector<1000x128xi32>
    %convert_element_type3A_8 = arith.sitofp %convert_element_type3A_7 : vector<1000x128xi32> to vector<1000x128xf32>
    %get3A_9 = arith.constant 0 : index
    %get3A_10 = arith.constant 0 : index
    %get3A_11 = vector.load %arg2[%get3A_9, %get3A_10] : memref<1000x128xf32, #tpu.memory_space<vmem>>, vector<1000x128xf32>
    %dot_general3A = arith.constant dense<0.000000e+00> : vector<128x128xf32>
    %dot_general3A_12 = tpu.matmul %convert_element_type3A_8, %get3A_11, %dot_general3A {dimension_numbers = #tpu.dot_dimension_numbers<[0], [0], [1], [1], [0, 1, 1, 1], [], []>, transpose_lhs_hint = false} : vector<1000x128xf32>, vector<1000x128xf32>, vector<128x128xf32> -> vector<128x128xf32>
    %get3A_13 = arith.constant 0 : index
    %get3A_14 = arith.constant 0 : index
    %get3A_15 = vector.load %arg7[%get3A_13, %get3A_14] : memref<128x128xf32, #tpu.memory_space<vmem>>, vector<128x128xf32>
    %add3A = arith.addf %get3A_15, %dot_general3A_12 : vector<128x128xf32>
    %swap3A = arith.constant 0 : index
    %swap3A_16 = arith.constant 0 : index
    %swap3A_17 = vector.load %arg7[%swap3A, %swap3A_16] : memref<128x128xf32, #tpu.memory_space<vmem>>, vector<128x128xf32>
    tpu.vector_store %arg7[%swap3A, %swap3A_16], %add3A {strides = array<i32>} : memref<128x128xf32, #tpu.memory_space<vmem>>, vector<128x128xf32>,
    %eq3A_18 = arith.constant 9 : i32
    %eq3A_19 = arith.cmpi eq, %arg0, %eq3A_18 : i32
    %convert_element_type3A_20 = arith.extui %eq3A_19 : i1 to i32
    %cond3A_21 = arith.constant 0 : i32
    %cond3A_22 = arith.cmpi ne, %convert_element_type3A_20, %cond3A_21 : i32
    scf.if %cond3A_22 {
      %get3A_23 = arith.constant 0 : index
      %get3A_24 = arith.constant 0 : index
      %get3A_25 = vector.load %arg7[%get3A_23, %get3A_24] : memref<128x128xf32, #tpu.memory_space<vmem>>, vector<128x128xf32>
      %get3A_26 = arith.constant 0 : index
      %get3A_27 = arith.constant 0 : index
      %get3A_28 = vector.load %arg3[%get3A_26, %get3A_27] : memref<128x128xf32, #tpu.memory_space<vmem>>, vector<128x128xf32>
      %dot_general3A_29 = arith.constant dense<0.000000e+00> : vector<128x128xf32>
      %dot_general3A_30 = tpu.matmul %get3A_25, %get3A_28, %dot_general3A_29 {dimension_numbers = #tpu.dot_dimension_numbers<[1], [0], [0], [1], [0, 0, 1, 1], [], []>, transpose_lhs_hint = false} : vector<128x128xf32>, vector<128x128xf32>, vector<128x128xf32> -> vector<128x128xf32>
      %get3A_31 = arith.constant 0 : index
      %get3A_32 = arith.constant 0 : index
      %get3A_33 = vector.load %arg4[%get3A_31, %get3A_32] : memref<1x128xf32, #tpu.memory_space<vmem>>, vector<1x128xf32>
      %add3A_34 = vector.broadcast %get3A_33 : vector<1x128xf32> to vector<128x128xf32>
      %add3A_35 = arith.addf %dot_general3A_30, %add3A_34 : vector<128x128xf32>
      %max3A = arith.constant 0.000000e+00 : f32
      %max3A_36 = vector.broadcast %max3A : f32 to vector<128x128xf32>
      %max3A_37 = arith.maximumf %add3A_35, %max3A_36 : vector<128x128xf32>
      %get3A_38 = arith.constant 0 : index
      %get3A_39 = arith.constant 0 : index
      %get3A_40 = vector.load %arg5[%get3A_38, %get3A_39] : memref<128x256xf32, #tpu.memory_space<vmem>>, vector<128x256xf32>
      %dot_general3A_41 = arith.constant dense<0.000000e+00> : vector<128x256xf32>
      %dot_general3A_42 = tpu.matmul %max3A_37, %get3A_40, %dot_general3A_41 {dimension_numbers = #tpu.dot_dimension_numbers<[1], [0], [0], [1], [0, 0, 1, 1], [], []>, transpose_lhs_hint = false} : vector<128x128xf32>, vector<128x256xf32>, vector<128x256xf32> -> vector<128x256xf32>
      %swap3A_43 = arith.constant 0 : index
      %swap3A_44 = arith.constant 0 : index
      %swap3A_45 = vector.load %arg6[%swap3A_43, %swap3A_44] : memref<128x256xf32, #tpu.memory_space<vmem>>, vector<128x256xf32>
      tpu.vector_store %arg6[%swap3A_43, %swap3A_44], %dot_general3A_42 {strides = array<i32>} : memref<128x256xf32, #tpu.memory_space<vmem>>, vector<128x256xf32>,
    } else {
    }
    return
  }
  func.func @transform_0(%arg0: i32) -> (i32, i32) {
    %c0_i32 = arith.constant 0 : i32
    %c0_i32_0 = arith.constant 0 : i32
    return %arg0, %c0_i32 : i32, i32
  }
  func.func @transform_1(%arg0: i32) -> (i32, i32) {
    %c0_i32 = arith.constant 0 : i32
    %c0_i32_0 = arith.constant 0 : i32
    return %arg0, %c0_i32 : i32, i32
  }
  func.func @transform_2(%arg0: i32) -> (i32, i32) {
    %c0_i32 = arith.constant 0 : i32
    %c0_i32_0 = arith.constant 0 : i32
    %c0_i32_1 = arith.constant 0 : i32
    return %c0_i32, %c0_i32_0 : i32, i32
  }
  func.func @transform_3(%arg0: i32) -> (i32, i32) {
    %c0_i32 = arith.constant 0 : i32
    %c0_i32_0 = arith.constant 0 : i32
    %c0_i32_1 = arith.constant 0 : i32
    return %c0_i32, %c0_i32_0 : i32, i32
  }
  func.func @transform_4(%arg0: i32) -> (i32, i32) {
    %c0_i32 = arith.constant 0 : i32
    %c0_i32_0 = arith.constant 0 : i32
    %c0_i32_1 = arith.constant 0 : i32
    return %c0_i32, %c0_i32_0 : i32, i32
  }
  func.func @transform_5(%arg0: i32) -> (i32, i32) {
    %c0_i32 = arith.constant 0 : i32
    %c0_i32_0 = arith.constant 0 : i32
    %c0_i32_1 = arith.constant 0 : i32
    return %c0_i32, %c0_i32_0 : i32, i32
  }
}

</mosaic_0001>

<sc_bundles>
// kernel: kernel.10.cloned.1.call-start
scs
__scs_entry_jumppad:
0x0: {  	(pc) =	sbr.rel $0x88, $3  }
0x1: {  	(tag) =	ssettag $0x0;
	lr =	simm.s32 $0x1  }
0x2: {  	[smem:$0x3F92] =	sst lr;
	_ =	strace $0xD0000000  }
0x3: {  	_ = 	snop  }
0x4: {  	_ = 	snop  }
0x5: {  	_ = 	snop  }
0x6: {  	_ = 	snop  }
0x7: {  	_ = 	snop  }
__scs_overlays_trampoline_lowered:
0x8: {  	[smem:$0x3FA1] =	sst s0  }
0x9: {  	[smem:$0x3FA2] =	sst s1  }
0xa: {  	[smem:$0x3FA3] =	sst s2  }
0xb: {  	[smem:$0x3FA4] =	sst s3  }
0xc: {  	[smem:$0x3FA5] =	sst s4  }
0xd: {  	[smem:$0x3FA6] =	sst s5  }
0xe: {  	[smem:$0x3FA7] =	sst s6  }
0xf: {  	[smem:$0x3FA8] =	sst s7  }
0x10: {  	[smem:$0x3FA9] =	sst s8  }
0x11: {  	[smem:$0x3FAA] =	sst s9;
	s0 =	simm.s32 @!p0 $0x0  }
0x12: {  	s1 =	sld [smem:$0x3F90];
	s0 =	simm.s32 @p0 $0x1  }
0x13: {  	[smem:$0x3FAB] =	sst s0;
	s0 =	simm.s32 @!p1 $0x0  }
0x14: {  	s2 =	sld [smem:$0x3F8F];
	s0 =	simm.s32 @p1 $0x1  }
0x15: {  	[smem:$0x3FAC] =	sst s0;
	s0 =	simm.s32 @!p2 $0x0  }
0x16: {  	s3 =	sld [smem:$0x3FDB];
	s0 =	simm.s32 @p2 $0x1  }
0x17: {  	s4 =	simm.s32 $0x1BF5;
	[smem:$0x3FAE] =	sst s0  }
0x18: {  	s0 =	sld [smem:$0x3F91];
	_ =	swait.ge [sflag:s4], $0x0  }
0x19: {  	s7 =	sld [smem:$0x3F92]  }
0x1a: {  	s8 =	sadd.s32 $0xFFFFE003, lr  }
0x1b: {  	s9 =	sadd.s32 $0xFFFFFEF7, lr;
	s5 =	simm.s32 $0xFFFFFFFF;
	p2 =	slt.u32 s8, $0xFFFFF086  }
0x1c: {  	p1 =	slt.u32 s9, $0xF7A;
	s5 =	simm.s32 @!p2 $0x0  }
0x1d: {  	s5 =	simm.s32 @p1 $0x1;
	p0 =	seq.s32 s7, s2  }
0x1e: {  	s7 =	smul.u32 @!p0 $0xF7A, s2;
	p2 =	seq.s32 @!p0 s5, $0x0  }
0x1f: {  	s9 =	smul.u32 $0xF7A, s1;
	s8 =	simm.s32 @!p0 $0x1BF5;
	p2 =	por !p2, p0  }
0x20: {  	[sflag:s8] =	ssyncset.s32 @!p0 $0xFFFFF086;
	s6 =	sadd.s32 @!p0 s3, s7;
	s7 =	simm.s32 @!p0 $0x108  }
0x21: {  	s3 =	sadd.s32 s3, s9;
	s6 =	sadd.s32 @!p0 $0x88, s6;
	s7 =	simm.s32 @p2 $0x1082  }
0x22: {  	[simem:s7], [sflag:s8] =	dma.local @!p0 [hbm:s6], $0xF7A  }
0x23: {  	s9 =	sor.u32 $0xD0000000, s2;
	s6 =	simm.s32 $0x108;
	_ =	swait.ge @!p0 [sflag:s8], $0x0  }
0x24: {  	s3 =	sadd.s32 $0x88, s3;
	s6 =	simm.s32 @!p1 $0x1082;
	[sflag:s4] =	ssyncset.s32 $0xFFFFF086  }
0x25: {  	[simem:s6], [sflag:s4] =	dma.local [hbm:s3], $0xF7A  }
0x26: {  	[smem:$0x3F92] =	sst s1;
	(tag) =	ssettag s2;
	_ =	strace s9  }
0x27: {  	s1 =	sld [smem:$0x3FA2]  }
0x28: {  	s2 =	sld [smem:$0x3FA3]  }
0x29: {  	s4 =	sld [smem:$0x3FA5]  }
0x2a: {  	p0 =	seq.s32 s5, $0x0;
	s5 =	sld [smem:$0x3FA6]  }
0x2b: {  	s6 =	sld [smem:$0x3FA7]  }
0x2c: {  	s7 =	sld [smem:$0x3FA8]  }
0x2d: {  	s3 =	simm.s32 $0x108;
	s8 =	sld [smem:$0x3FA9]  }
0x2e: {  	s3 =	simm.s32 @!p0 $0x1082;
	s9 =	sld [smem:$0x3FAA]  }
0x2f: {  	lr =	sadd.s32 s0, s3;
	s0 =	sld [smem:$0x3FA1]  }
0x30: {  	s3 =	sld [smem:$0x3FA4]  }
0x31: {  	[smem:$0x3FAD] =	sst s10  }
0x32: {  	s10 =	sld [smem:$0x3FAB];
	_ =	sdelay $0x3  }
0x33: {  	p0 =	seq.s32 s10, $0x1;
	s10 =	sld [smem:$0x3FAD];
	_ =	sdelay $0x3  }
0x34: {  	[smem:$0x3FAD] =	sst s10  }
0x35: {  	s10 =	sld [smem:$0x3FAC];
	_ =	sdelay $0x3  }
0x36: {  	p1 =	seq.s32 s10, $0x1;
	s10 =	sld [smem:$0x3FAD];
	_ =	sdelay $0x3  }
0x37: {  	[smem:$0x3FAD] =	sst s10  }
0x38: {  	s10 =	sld [smem:$0x3FAE]  }
0x39: {  	_ = 	snop;
	(pc) =	sbr.ind lr, $3  }
0x3a: {  	_ = 	snop  }
0x3b: {  	_ = 	snop  }
0x3c: {  	p2 =	seq.s32 s10, $0x1;
	s10 =	sld [smem:$0x3FAD]  }
0x3d: {  	_ =	shalt  }
0x3e: {  	_ =	shalt  }
0x3f: {  	_ =	shalt  }
0x40: {  	_ =	shalt  }
0x41: {  	_ =	shalt  }
0x42: {  	_ =	shalt  }
0x43: {  	_ =	shalt  }
0x44: {  	_ =	shalt  }
0x45: {  	_ =	shalt  }
0x46: {  	_ =	shalt  }
0x47: {  	_ =	shalt  }
0x48: {  	_ =	shalt  }
0x49: {  	_ =	shalt  }
0x4a: {  	_ =	shalt  }
0x4b: {  	_ =	shalt  }
0x4c: {  	_ =	shalt  }
0x4d: {  	_ =	shalt  }
0x4e: {  	_ =	shalt  }
0x4f: {  	_ =	shalt  }
0x50: {  	_ =	shalt  }
0x51: {  	_ =	shalt  }
0x52: {  	_ =	shalt  }
0x53: {  	_ =	shalt  }
0x54: {  	_ =	shalt  }
0x55: {  	_ =	shalt  }
0x56: {  	_ =	shalt  }
0x57: {  	_ =	shalt  }
0x58: {  	_ =	shalt  }
0x59: {  	_ =	shalt  }
0x5a: {  	_ =	shalt  }
0x5b: {  	_ =	shalt  }
0x5c: {  	_ =	shalt  }
0x5d: {  	_ =	shalt  }
0x5e: {  	_ =	shalt  }
0x5f: {  	_ =	shalt  }
0x60: {  	_ =	shalt  }
0x61: {  	_ =	shalt  }
0x62: {  	_ =	shalt  }
0x63: {  	_ =	shalt  }
0x64: {  	_ =	shalt  }
0x65: {  	_ =	shalt  }
0x66: {  	_ =	shalt  }
0x67: {  	_ =	shalt  }
0x68: {  	_ =	shalt  }
0x69: {  	_ =	shalt  }
0x6a: {  	_ =	shalt  }
0x6b: {  	_ =	shalt  }
0x6c: {  	_ =	shalt  }
0x6d: {  	_ =	shalt  }
0x6e: {  	_ =	shalt  }
0x6f: {  	_ =	shalt  }
0x70: {  	_ =	shalt  }
0x71: {  	_ =	shalt  }
0x72: {  	_ =	shalt  }
0x73: {  	_ =	shalt  }
0x74: {  	_ =	shalt  }
0x75: {  	_ =	shalt  }
0x76: {  	_ =	shalt  }
0x77: {  	_ =	shalt  }
0x78: {  	_ =	shalt  }
0x79: {  	_ =	shalt  }
0x7a: {  	_ =	shalt  }
0x7b: {  	_ =	shalt  }
0x7c: {  	_ =	shalt  }
0x7d: {  	_ =	shalt  }
0x7e: {  	_ =	shalt  }
0x7f: {  	_ =	shalt  }
0x80: {  	_ =	shalt  }
0x81: {  	_ =	shalt  }
0x82: {  	_ =	shalt  }
0x83: {  	_ =	shalt  }
0x84: {  	_ =	shalt  }
0x85: {  	_ =	shalt  }
0x86: {  	_ =	shalt  }
0x87: {  	_ =	shalt  }
.Lfunc_end0:
.L_simem_size_0:
called_computation_lowered:
.L_overlay_start_0:
0x88: {  	s2 =	sld [smem:$0x3FD9]  }
0x89: {  	s3 =	sld [smem:$0x3FFE];
	_ =	sdelay $0x1  }
0x8a: {  	s1 =	srdreg.scid  }
0x8b: {  	s0 =	sand.u32 $0x1, s1  }
0x8c: {  	s16 =	sshll.u32 s0, $0xA;
	s2 =	sadd.s32 s3, s2  }
0x8d: {  	s2 =	sadd.s32 s2, s16  }
0x8e: {  	[smem:$0x3FB9] =	sst s2  }
0x8f: {  	_ = 	snop  }
0x90: {  	(tm) =	ssettm $0x1  }
0x91: {  	s17 =	sld [smem:$0x3FFB];
	_ =	sdelay $0x3  }
0x92: {  	_ =	strace s17  }
0x93: {  	s2 =	sld [smem:$0x3FFC];
	_ =	sdelay $0x3  }
0x94: {  	_ =	strace s2  }
0x95: {  	s2 =	sld [smem:$0x3FFD];
	_ =	sdelay $0x3  }
0x96: {  	_ =	strace s2  }
0x97: {  	_ =	strace $0x8FFFFFFF  }
0x98: {  	s18 =	sld [smem:$0x3FDB];
	_ =	sdelay $0x1  }
0x99: {  	s19 =	simm.s32 $_scs_section_size  }
0x9a: {  	s4 =	simm.s32 $_size__tile_overlayer_lowered;
	s5 =	simm.s32 $_tile_overlayer_lowered  }
0x9b: {  	s22 =	simm.s32 $0x1BFF;
	s21 =	sshll.u32 s5, $0x1;
	s2 =	sadd.s32 s19, s18  }
0x9c: {  	s6 =	simm.s32 $0x0;
	s20 =	sshll.u32 s4, $0x1;
	s4 =	sadd.s32 s21, s2  }
0x9d: {  	[timem:s6], [sflag:s22] =	dma.local [hbm:s4], s20  }
0x9e: {  	_ =	swait.ge [sflag:s22], s20  }
0x9f: {  	s3 =	ssub.s32 $0x0, s20;
	[sflag:s22] =	ssyncset.done $0x0  }
0xa0: {  	[sflag:s22] =	ssyncadd.s32 s3;
	_ =	sdelay $0x1  }
0xa1: {  	s23 =	simm.s32 $0x1B8B  }
0xa2: {  	_ =	swait.ge [sflag:s23], $0x1  }
0xa3: {  	[sflag:s23] =	ssyncset.done $0x0  }
0xa4: {  	s25 =	simm.s32 $0x1B8E;
	s24 =	sld [smem:$0x3FFE];
	[sflag:s23] =	ssyncadd.s32 $0xFFFFFFFF  }
0xa5: {  	s26 =	simm.s32 $execute0_lowered;
	[smem:$0x3FD2] =	sst s25  }
0xa6: {  	s4 =	sshll.u32 s26, $0x1;
	_ =	strace $0x80000046;
	[dreg:$0x1] =	wrdreg $0xFFFFFFFF  }
0xa7: {  	s28 =	simm.s32 $_size_execute0_lowered;
	s2 =	sadd.s32 s2, s4;
	[dreg:$0x0] =	wrdreg $0x0  }
0xa8: {  	s4 =	sshll.u32 s28, $0x1;
	[dreg:$0x2] =	wrdreg s2  }
0xa9: {  	[dreg:$0x3] =	wrdreg s4  }
0xaa: {  	[dreg:$0x4] =	wrdreg $0xC0  }
0xab: {  	_ =	task [dreg:s6], $0x5FFFF  }
0xac: {  	[dreg:$0x1] =	wrdreg $0xFFFFFFFF  }
0xad: {  	[dreg:$0x0] =	wrdreg $0x60  }
0xae: {  	[dreg:$0x2] =	wrdreg s24  }
0xaf: {  	[dreg:$0x3] =	wrdreg $0x1ADB00  }
0xb0: {  	[dreg:$0x4] =	wrdreg $0x9  }
0xb1: {  	_ =	task.clear_ibuf [dreg:s6], $0x5FFFF;
	_ =	strace $0x90000046  }
0xb2: {  	s29 =	simm.s32 $0x9;
	_ =	strace $0x80000048  }
0xb3: {  	_ =	swait.ge [sflag:s29], $0x1  }
0xb4: {  	[sflag:s29] =	ssyncadd.s32 $0xFFFFFFFF  }
0xb5: {  	_ =	strace $0x90000048  }
0xb6: {  	_ =	sfence  }
0xb7: {  	s30 =	sld [smem:$0x0];
	_ =	sdelay $0x2  }
0xb8: {  	s31 =	sshll.u32 s1, $0xD;
	s1 =	sshrl.u32 s1, $0x2  }
0xb9: {  	s3 =	sand.u32 $0x4000, s31;
	s1 =	sadd.s32 s1, s30  }
0xba: {  	s0 =	sor.u32 s3, s0;
	s1 =	sshll.u32 s1, $0x11  }
0xbb: {  	s0 =	sor.u32 s1, s0  }
0xbc: {  	s0 =	sadd.s32 $0x8F2B, s0  }
0xbd: {  	[sflag:s0] =	ssyncadd.remote.s32 $0x1  }
0xbe: {  	_ =	sfence.sel $0xFFFF  }
0xbf: {  	[dreg:$0x0] =	wrdreg $0xFFFFFFFF;
	(pc) =	sbr.abs _section_cstart, $3  }
0xc0: {  	[dreg:$0x1] =	wrdreg $0xFFFFFFFF  }
0xc1: {  	_ =	task.clear_ibuf [dreg:s6], $0x2FFFF;
	_ =	strace $0x9FFFFFFF  }
0xc2: {  	(tm) =	ssettm $0x7FFFFFFF  }
0xc3: {  	_ =	shalt  }
tec
execute0_lowered:
.L_overlay_start_1:
0x0: {  	(tag) =	ssettag $0x1  }
0x1: {  	s0 =	rddreg [dreg:$0x0]  }
0x2: {  	s2 =	rddreg [dreg:$0x1]  }
0x3: {  	s3 =	simm.s32 $0x0;
	s1 =	srdreg.scid;
	s4 =	stileid.u32  }
0x4: {  	s17 =	simm.s32 $0x5;
	s18 =	simm.s32 $0x3E8;
	s21 =	simm.s32 $0x84D0  }
0x5: {  	s28 =	simm.s32 $0x109A0;
	s29 =	simm.s32 $0x14820;
	s30 =	simm.s32 $0x1  }
0x6: {  	s31 =	simm.s32 $0x3;
	s19 =	simm.s32 $0x0;
	s20 =	simm.s32 $0x0  }
0x7: {  	[smem:$0x7FF] =	sst s3;
	s1 =	sand.u32 $0x1, s1;
	s10 =	smul.u32 $0x2710, s4  }
0x8: {  	s6 =	sshll.u32 s4, $0x1;
	s4 =	sadd.s32 $0x77600, s0;
	s5 =	sadd.s32 $0x127400, s0  }
0x9: {  	s7 =	sadd.s32 $0x12C400, s0;
	s8 =	smul.u32 $0x27100, s1;
	s6 =	sor.u32 s1, s6  }
0xa: {  	s9 =	sadd.s32 $0x13B200, s0;
	s1 =	ssub.s32 $0x2, s1;
	s12 =	smul.u32 $0x3E8, s6  }
0xb: {  	_ =	strace $0x80000047;
	s13 =	smul.u32 $0x7D0, s6;
	s23 =	sshrl.u32 s1, $0x1  }
0xc: {  	s14 =	sor.u32 $0x40, s6;
	s11 =	sadd.s32 s10, s8;
	s8 =	sadd.s32 $0x8B000, s0  }
0xd: {  	s1 =	ssub.s32 s1, s23;
	s23 =	simm.s32 $0xC350;
	s11 =	sshrl.u32 s11, $0x3  }
0xe: {  	s12 =	sshrl.u32 s12, $0x3;
	s25 =	sadd.s32 s8, s13;
	s13 =	sadd.s32 s10, s2  }
0xf: {  	s26 =	smax.u32 s1, $0x1;
	s0 =	sadd.s32 s11, s0;
	[dreg:$0x5] =	wrdreg s25  }
0x10: {  	s12 =	sadd.s32 s4, s12;
	[dreg:$0x7] =	wrdreg s26;
	s11 =	simm.s32 $0x186A0  }
0x11: {  	s25 =	simm.s32 $0xC738;
	[dreg:$0x3] =	wrdreg s12;
	s24 =	sadd.s32 $0x9C40, s12  }
0x12: {  	s26 =	simm.s32 $0xCB20;
	s0 =	sadd.s32 $0x131400, s0;
	[dreg:$0x4] =	wrdreg s24  }
0x13: {  	v0 =	vimm.f32 $0.0e+00;
	[dreg:$0x6] =	wrdreg s0;
	s24 =	simm.s32 $0x6;
	s0 =	simm.s32 $0x2  }
.LBB2_1:
0x14: {  	s1 =	rddreg [dreg:$0x3]  }
0x15: {  	[tilespmem:s3], [sflag:$0x5] =	stream.linear.gather [hbm4b:s1+s3], $0x3E8, $0x38;
	[tilespmem:$0x1D4C0] =	vst v63  }
0x16: {  	_ =	swait.ge [sflag:s17], $0x3E8  }
0x17: {  	[sflag:s17] =	ssyncset.done $0x0  }
0x18: {  	s12 =	rddreg [dreg:$0x4];
	[sflag:s17] =	ssyncadd.s32 $0xFFFFFC18  }
0x19: {  	[tilespmem:s18], [sflag:$0x5] =	stream.linear.gather [hbm4b:s12+s3], $0x3E8, $0x38;
	[tilespmem:$0x1D4C0] =	vst v63  }
0x1a: {  	_ =	swait.ge [sflag:s17], $0x3E8  }
0x1b: {  	[sflag:s17] =	ssyncset.done $0x0  }
0x1c: {  	s15 =	simm.s32 $0x7D0;
	[sflag:s17] =	ssyncadd.s32 $0xFFFFFC18  }
0x1d: {  	[tilespmem:s15], [sflag:$0x1] =	stream.indirect.gather [hbm4b:s5+s18], $0x10, s3, s18, $0xb8;
	[tilespmem:$0x1D4C0] =	vst v63  }
0x1e: {  	s16 =	simm.s32 $0x4650  }
0x1f: {  	[tilespmem:s16], [sflag:$0x1] =	stream.indirect.gather [hbm4b:s7+s18], $0x10, s18, s18, $0xb8;
	[tilespmem:$0x1D4C0] =	vst v63  }
0x20: {  	s10 =	simm.s32 $0x0;
	s1 =	simm.s32 $0x40;
	s22 =	rddreg [dreg:$0x5]  }
0x21: {  	[tilespmem:s21], [sflag:$0x1] =	stream.linear.gather [hbm4b:s22+s3], $0x3E80, $0x38;
	[tilespmem:$0x1D4C0] =	vst v63  }
.LBB2_2:
0x22: {  	p0 =	sne.s32 s1, $0x9C00;
	[tilespmem:s10+$0x186A0] =	vst v0;
	s10 =	smov.u32 s1;
	s1 =	sadd.s32 $0x40, s1  }
.Ltmp0:
0x23: {  	(pc) =	sbr.rel @p0 .LBB2_2-.Ltmp0, $2  }
0x24: {  	_ =	sdelay $0x2  }
0x25: {  	s10 =	sshra.s32 s10, $0x2  }
0x26: {  	[tilespmem:s10+$0x186A0] =	vst v0  }
0x27: {  	[spmem:s13] =	stream.linear.scatter [tilespmem:s11], [sflag:$0x5], $0x2710, $0x38;
	[tilespmem:$0x1D4C0] =	vst v63  }
0x28: {  	_ =	swait.ge [sflag:s17], $0x2710  }
0x29: {  	[sflag:s17] =	ssyncset.done $0x0  }
0x2a: {  	[sflag:s17] =	ssyncadd.s32 $0xFFFFD8F0  }
0x2b: {  	s11 =	simm.s32 $0x0;
	[bflag:$0x0] =	sbarrier.arrive $0xFFFF  }
.LBB2_4:
0x2c: {  	s15 =	sshll.u32 s11, $0x6  }
0x2d: {  	s16 =	sor.u32 s6, s15  }
0x2e: {  	p0 =	seq.s32 s11, $0x0;
	s1 =	sor.u32 $0x20, s16  }
0x2f: {  	s10 =	simm.s32 @!p0 $0x4;
	s12 =	smul.u32 $0x3E8, s1  }
0x30: {  	_ =	swait.ge @!p0 [sflag:s10], $0x3E80  }
0x31: {  	[sflag:s10] =	ssyncset.done @!p0 $0x0;
	s12 =	sshrl.u32 s12, $0x3  }
0x32: {  	[sflag:s10] =	ssyncadd.s32 @!p0 $0xFFFFC180;
	s22 =	sadd.s32 s4, s12  }
0x33: {  	[tilespmem:s23], [sflag:$0x6] =	stream.linear.gather [hbm4b:s22+s20], $0x3E8, $0x38;
	[tilespmem:$0x1D4C0] =	vst v63  }
0x34: {  	_ =	swait.ge [sflag:s24], $0x3E8  }
0x35: {  	[sflag:s24] =	ssyncset.done $0x0  }
0x36: {  	s10 =	sadd.s32 $0x9C40, s22;
	[sflag:s24] =	ssyncadd.s32 $0xFFFFFC18  }
0x37: {  	[tilespmem:s25], [sflag:$0x6] =	stream.linear.gather [hbm4b:s10+s20], $0x3E8, $0x38;
	[tilespmem:$0x1D4C0] =	vst v63  }
0x38: {  	_ =	swait.ge [sflag:s24], $0x3E8  }
0x39: {  	[sflag:s24] =	ssyncset.done $0x0  }
0x3a: {  	[sflag:s24] =	ssyncadd.s32 $0xFFFFFC18  }
0x3b: {  	[tilespmem:s26], [sflag:$0x2] =	stream.indirect.gather [hbm4b:s5+s18], $0x10, s23, s18, $0xb8;
	[tilespmem:$0x1D4C0] =	vst v63  }
0x3c: {  	s12 =	smul.u32 $0x7D0, s1  }
0x3d: {  	[tilespmem:s28], [sflag:$0x2] =	stream.indirect.gather [hbm4b:s7+s18], $0x10, s25, s18, $0xb8;
	[tilespmem:$0x1D4C0] =	vst v63  }
0x3e: {  	s1 =	sadd.s32 s8, s12  }
0x3f: {  	[tilespmem:s29], [sflag:$0x2] =	stream.linear.gather [hbm4b:s1+s20], $0x3E80, $0x38;
	[tilespmem:$0x1D4C0] =	vst v63  }
0x40: {  	_ =	swait.ge [sflag:s30], $0x3E80  }
0x41: {  	[sflag:s30] =	ssyncset.done $0x0  }
0x42: {  	[sflag:s30] =	ssyncadd.s32 $0xFFFFC180  }
0x43: {  	_ =	swait.ge [sflag:s30], $0x3E80  }
0x44: {  	[sflag:s30] =	ssyncset.done $0x0  }
0x45: {  	[sflag:s30] =	ssyncadd.s32 $0xFFFFC180  }
0x46: {  	_ =	swait.ge [sflag:s30], $0x3E80  }
0x47: {  	[sflag:s30] =	ssyncset.done $0x0  }
0x48: {  	s10 =	simm.s32 $0x0;
	[sflag:s30] =	ssyncadd.s32 $0xFFFFC180  }
0x49: {  	v1 =	vld [tilespmem:s10+$0x7D0]  }
0x4a: {  	v2 =	vld [tilespmem:s10+$0x4650];
	_ =	sdelay $0x1  }
0x4b: {  	v3 =	vld [tilespmem:s10+$0x84D0];
	_ =	sdelay $0x2  }
0x4c: {  	v1 =	vadd.f32 v2, v1;
	_ =	sdelay $0x1  }
0x4d: {  	s22 =	simm.s32 $0x10;
	v2 =	vadd.f32 v3, v1  }
0x4e: {  	s1 =	simm.s32 $0x80;
	v1 =	vld [tilespmem:s22+$0x7D0]  }
.LBB2_5:
0x4f: {  	p0 =	sne.s32 s1, $0xF9C0;
	v3 =	vld [tilespmem:s22+$0x4650];
	v2 =	vmax.f32 v2, $0.0e+00  }
0x50: {  	[tilespmem:s10+$0x84D0] =	vst v2;
	s10 =	smov.u32 s22  }
0x51: {  	v2 =	vld [tilespmem:s10+$0x84D0];
	_ =	sdelay $0x1  }
.Ltmp1:
0x52: {  	(pc) =	sbr.rel @p0 .LBB2_5-.Ltmp1, $3  }
0x53: {  	v1 =	vadd.f32 v3, v1;
	_ =	sdelay $0x1  }
0x54: {  	s22 =	sshra.s32 s1, $0x2;
	v2 =	vadd.f32 v2, v1  }
0x55: {  	s1 =	sadd.s32 $0x40, s1;
	v1 =	vld [tilespmem:s22+$0x7D0]  }
0x56: {  	v3 =	vld [tilespmem:s22+$0x4650];
	v2 =	vmax.f32 v2, $0.0e+00  }
0x57: {  	[tilespmem:s10+$0x84D0] =	vst v2  }
0x58: {  	v2 =	vld [tilespmem:s22+$0x84D0];
	_ =	sdelay $0x2  }
0x59: {  	v1 =	vadd.f32 v3, v1;
	_ =	sdelay $0x1  }
0x5a: {  	v1 =	vadd.f32 v2, v1  }
0x5b: {  	s1 =	smul.u32 $0x7D0, s16  }
0x5c: {  	v1 =	vmax.f32 v1, $0.0e+00  }
0x5d: {  	s1 =	sadd.s32 s9, s1;
	[tilespmem:s22+$0x84D0] =	vst v1  }
0x5e: {  	[hbm4b:s1+s3] =	stream.linear.scatter [tilespmem:s21], [sflag:$0x3], $0x3E80, $0x38;
	[tilespmem:$0x1D4C0] =	vst v63  }
0x5f: {  	_ = 	snop  }
0x60: {  	[spmem:s2] =	stream.indirect.scatter.add.f32 [tilespmem:s21], [sflag:$0x6], $0x10, s18, s18, $0xb8;
	[tilespmem:$0x1D4C0] =	vst v63  }
0x61: {  	p0 =	seq.s32 s11, $0x4;
	_ =	swait.ge [sflag:s24], $0x3E80  }
0x62: {  	s1 =	sadd.s32 @!p0 s14, s15;
	[sflag:s24] =	ssyncset.done $0x0  }
0x63: {  	s10 =	smul.u32 @!p0 $0x3E8, s1;
	[sflag:s24] =	ssyncadd.s32 $0xFFFFC180  }
0x64: {  	_ =	swait.ge [sflag:s31], $0x3E80  }
0x65: {  	s16 =	simm.s32 @!p0 $0x6;
	s10 =	sshrl.u32 @!p0 s10, $0x3;
	[sflag:s31] =	ssyncset.done $0x0  }
0x66: {  	s15 =	simm.s32 @!p0 $0x0;
	s10 =	sadd.s32 @!p0 s4, s10;
	[sflag:s31] =	ssyncadd.s32 $0xFFFFC180  }
0x67: {  	[tilespmem:s15], [sflag:$0x6] =	stream.linear.gather @!p0 [hbm4b:s10+s15], $0x3E8, $0x38;
	[tilespmem:$0x1D4C0] =	vst v63  }
0x68: {  	_ =	swait.ge @!p0 [sflag:s16], $0x3E8  }
0x69: {  	[sflag:s16] =	ssyncset.done @!p0 $0x0  }
0x6a: {  	s22 =	simm.s32 @!p0 $0x3E8;
	s10 =	sadd.s32 @!p0 $0x9C40, s10;
	[sflag:s16] =	ssyncadd.s32 @!p0 $0xFFFFFC18  }
0x6b: {  	[tilespmem:s22], [sflag:$0x6] =	stream.linear.gather @!p0 [hbm4b:s10+s15], $0x3E8, $0x38;
	[tilespmem:$0x1D4C0] =	vst v63  }
0x6c: {  	_ =	swait.ge @!p0 [sflag:s16], $0x3E8  }
0x6d: {  	[sflag:s16] =	ssyncset.done @!p0 $0x0  }
0x6e: {  	s10 =	simm.s32 @!p0 $0x7D0;
	[sflag:s16] =	ssyncadd.s32 @!p0 $0xFFFFFC18  }
0x6f: {  	[tilespmem:s10], [sflag:$0x1] =	stream.indirect.gather @!p0 [hbm4b:s5+s22], $0x10, s15, s22, $0xb8;
	[tilespmem:$0x1D4C0] =	vst v63  }
0x70: {  	s1 =	smul.u32 @!p0 $0x7D0, s1;
	s10 =	simm.s32 @!p0 $0x4650  }
0x71: {  	[tilespmem:s10], [sflag:$0x1] =	stream.indirect.gather @!p0 [hbm4b:s7+s22], $0x10, s22, s22, $0xb8;
	[tilespmem:$0x1D4C0] =	vst v63  }
0x72: {  	s1 =	sadd.s32 @!p0 s8, s1;
	s10 =	simm.s32 @!p0 $0x84D0  }
0x73: {  	[tilespmem:s10], [sflag:$0x1] =	stream.linear.gather @!p0 [hbm4b:s1+s15], $0x3E80, $0x38;
	[tilespmem:$0x1D4C0] =	vst v63  }
0x74: {  	_ =	swait.ge [sflag:s0], $0x3E80  }
0x75: {  	[sflag:s0] =	ssyncset.done $0x0  }
0x76: {  	[sflag:s0] =	ssyncadd.s32 $0xFFFFC180  }
0x77: {  	_ =	swait.ge [sflag:s0], $0x3E80  }
0x78: {  	[sflag:s0] =	ssyncset.done $0x0  }
0x79: {  	[sflag:s0] =	ssyncadd.s32 $0xFFFFC180  }
0x7a: {  	_ =	swait.ge [sflag:s0], $0x3E80  }
0x7b: {  	[sflag:s0] =	ssyncset.done $0x0  }
0x7c: {  	s10 =	simm.s32 $0x0;
	[sflag:s0] =	ssyncadd.s32 $0xFFFFC180  }
0x7d: {  	v1 =	vld [tilespmem:s10+$0xCB20]  }
0x7e: {  	v2 =	vld [tilespmem:s10+$0x109A0];
	_ =	sdelay $0x1  }
0x7f: {  	v3 =	vld [tilespmem:s10+$0x14820];
	_ =	sdelay $0x2  }
0x80: {  	v1 =	vadd.f32 v2, v1;
	_ =	sdelay $0x1  }
0x81: {  	s15 =	simm.s32 $0x10;
	v2 =	vadd.f32 v3, v1  }
0x82: {  	s1 =	simm.s32 $0x80;
	v1 =	vld [tilespmem:s15+$0xCB20]  }
.LBB2_7:
0x83: {  	p0 =	sne.s32 s1, $0xF9C0;
	v3 =	vld [tilespmem:s15+$0x109A0];
	v2 =	vmax.f32 v2, $0.0e+00  }
0x84: {  	[tilespmem:s10+$0x14820] =	vst v2;
	s10 =	smov.u32 s15  }
0x85: {  	v2 =	vld [tilespmem:s10+$0x14820];
	_ =	sdelay $0x1  }
.Ltmp2:
0x86: {  	(pc) =	sbr.rel @p0 .LBB2_7-.Ltmp2, $3  }
0x87: {  	v1 =	vadd.f32 v3, v1;
	_ =	sdelay $0x1  }
0x88: {  	s15 =	sshra.s32 s1, $0x2;
	v2 =	vadd.f32 v2, v1  }
0x89: {  	s1 =	sadd.s32 $0x40, s1;
	v1 =	vld [tilespmem:s15+$0xCB20]  }
0x8a: {  	v3 =	vld [tilespmem:s15+$0x109A0];
	v2 =	vmax.f32 v2, $0.0e+00  }
0x8b: {  	[tilespmem:s10+$0x14820] =	vst v2  }
0x8c: {  	v2 =	vld [tilespmem:s15+$0x14820];
	_ =	sdelay $0x2  }
0x8d: {  	v1 =	vadd.f32 v3, v1;
	_ =	sdelay $0x1  }
0x8e: {  	v1 =	vadd.f32 v2, v1;
	_ =	sdelay $0x1  }
0x8f: {  	s11 =	sadd.s32 $0x1, s11;
	v1 =	vmax.f32 v1, $0.0e+00  }
0x90: {  	s1 =	sadd.s32 s9, s12;
	p0 =	sne.s32 s11, $0x5;
	[tilespmem:s15+$0x14820] =	vst v1  }
0x91: {  	[hbm4b:s1+s3] =	stream.linear.scatter [tilespmem:s29], [sflag:$0x4], $0x3E80, $0x38;
	[tilespmem:$0x1D4C0] =	vst v63  }
.Ltmp3:
0x92: {  	_ = 	snop;
	(pc) =	sbr.rel @p0 .LBB2_4-.Ltmp3, $4  }
0x93: {  	[spmem:s2] =	stream.indirect.scatter.add.f32 [tilespmem:s29], [sflag:$0x5], $0x10, s25, s18, $0xb8;
	[tilespmem:$0x1D4C0] =	vst v63  }
0x94: {  	_ =	swait.ge [sflag:s17], $0x3E80  }
0x95: {  	[sflag:s17] =	ssyncset.done $0x0  }
0x96: {  	[sflag:s17] =	ssyncadd.s32 $0xFFFFC180  }
0x97: {  	s1 =	simm.s32 $0x4  }
0x98: {  	_ =	swait.ge [sflag:s1], $0x3E80  }
0x99: {  	[sflag:s1] =	ssyncset.done $0x0  }
0x9a: {  	[sflag:s1] =	ssyncadd.s32 $0xFFFFC180  }
0x9b: {  	s11 =	simm.s32 $0x186A0;
	[bflag:$0x0] =	sbarrier.arrive $0xFFFF  }
0x9c: {  	[tilespmem:s11], [sflag:$0x5] =	stream.linear.gather [spmem:s13], $0x2710, $0x38;
	[tilespmem:$0x1D4C0] =	vst v63  }
0x9d: {  	_ =	swait.ge [sflag:s17], $0x2710  }
0x9e: {  	[sflag:s17] =	ssyncset.done $0x0  }
0x9f: {  	s16 =	rddreg [dreg:$0x6];
	[sflag:s17] =	ssyncadd.s32 $0xFFFFD8F0  }
0xa0: {  	[hbm4b:s16+s3] =	stream.linear.scatter [tilespmem:s11], [sflag:$0x5], $0x2710, $0x38;
	[tilespmem:$0x1D4C0] =	vst v63  }
0xa1: {  	_ =	swait.ge [sflag:s17], $0x2710  }
0xa2: {  	s19 =	sadd.s32 $0x1, s19;
	s22 =	rddreg [dreg:$0x7]  }
0xa3: {  	p0 =	sne.s32 s19, s22  }
.Ltmp4:
0xa4: {  	_ = 	snop;
	(pc) =	sbr.rel @p0 .LBB2_1-.Ltmp4, $3  }
0xa5: {  	_ =	sdelay $0x1  }
0xa6: {  	[sflag:s17] =	ssyncset.done $0x0  }
0xa7: {  	[sflag:s17] =	ssyncadd.s32 $0xFFFFD8F0  }
0xa8: {  	_ =	sfence.sel $0x180000  }
0xa9: {  	[bflag:$0x0] =	sbarrier.arrive $0xFFFF  }
0xaa: {  	_ =	strace $0x90000047  }
0xab: {  	s0 =	stileid.u32;
	[bflag:$0x2] =	sbarrier.arrive $0xFFFF  }
0xac: {  	p0 =	sne.s32 s0, $0x0;
	s0 =	rddreg [dreg:$0x2]  }
0xad: {  	s0 =	sadd.s32 @!p0 $0x100000, s0  }
0xae: {  	[sflag:s0] =	ssyncadd.tile.s32 @!p0 $0x1;
	_ =	shalt  }
.Lfunc_end2:
_tile_overlayer_lowered:
.L_overlay_start_2:
0xaf: {  	(tag) =	ssettag $0x2  }
0xb0: {  	s0 =	rddreg [dreg:$0x0];
	s2 =	stileid.u32  }
0xb1: {  	s1 =	rddreg [dreg:$0x1];
	p0 =	sne.s32 s2, $0x0  }
0xb2: {  	s3 =	rddreg [dreg:$0x2];
	[bflag:$0x3] =	sbarrier.arrive $0xFFFF;
	s2 =	simm.s32 @!p0 $0x1C05  }
0xb3: {  	[timem:s3], [sflag:s2] =	dma.local @!p0 [hbm:s0], s1  }
0xb4: {  	s0 =	simm.s32 @!p0 $0x5  }
0xb5: {  	_ =	swait.ge @!p0 [sflag:s0], s1  }
0xb6: {  	s1 =	ssub.s32 @!p0 $0x0, s1;
	[sflag:s0] =	ssyncset.done @!p0 $0x0  }
0xb7: {  	[sflag:s0] =	ssyncadd.s32 @!p0 s1  }
0xb8: {  	[bflag:$0x3] =	sbarrier.arrive $0xFFFF  }
0xb9: {  	_ =	shalt  }

// kernel: kernel.13.cloned.1.call-start
scs
__scs_entry_jumppad:
0x0: {  	(pc) =	sbr.rel $0x88, $3  }
0x1: {  	(tag) =	ssettag $0x0;
	lr =	simm.s32 $0x1  }
0x2: {  	[smem:$0x3F92] =	sst lr;
	_ =	strace $0xD0000000  }
0x3: {  	_ = 	snop  }
0x4: {  	_ = 	snop  }
0x5: {  	_ = 	snop  }
0x6: {  	_ = 	snop  }
0x7: {  	_ = 	snop  }
__scs_overlays_trampoline_lowered:
0x8: {  	[smem:$0x3FA1] =	sst s0  }
0x9: {  	[smem:$0x3FA2] =	sst s1  }
0xa: {  	[smem:$0x3FA3] =	sst s2  }
0xb: {  	[smem:$0x3FA4] =	sst s3  }
0xc: {  	[smem:$0x3FA5] =	sst s4  }
0xd: {  	[smem:$0x3FA6] =	sst s5  }
0xe: {  	[smem:$0x3FA7] =	sst s6  }
0xf: {  	[smem:$0x3FA8] =	sst s7  }
0x10: {  	[smem:$0x3FA9] =	sst s8  }
0x11: {  	[smem:$0x3FAA] =	sst s9;
	s0 =	simm.s32 @!p0 $0x0  }
0x12: {  	s1 =	sld [smem:$0x3F90];
	s0 =	simm.s32 @p0 $0x1  }
0x13: {  	[smem:$0x3FAB] =	sst s0;
	s0 =	simm.s32 @!p1 $0x0  }
0x14: {  	s2 =	sld [smem:$0x3F8F];
	s0 =	simm.s32 @p1 $0x1  }
0x15: {  	[smem:$0x3FAC] =	sst s0;
	s0 =	simm.s32 @!p2 $0x0  }
0x16: {  	s3 =	sld [smem:$0x3FDB];
	s0 =	simm.s32 @p2 $0x1  }
0x17: {  	s4 =	simm.s32 $0x1BF5;
	[smem:$0x3FAE] =	sst s0  }
0x18: {  	s0 =	sld [smem:$0x3F91];
	_ =	swait.ge [sflag:s4], $0x0  }
0x19: {  	s7 =	sld [smem:$0x3F92]  }
0x1a: {  	s8 =	sadd.s32 $0xFFFFE003, lr  }
0x1b: {  	s9 =	sadd.s32 $0xFFFFFEF7, lr;
	s5 =	simm.s32 $0xFFFFFFFF;
	p2 =	slt.u32 s8, $0xFFFFF086  }
0x1c: {  	p1 =	slt.u32 s9, $0xF7A;
	s5 =	simm.s32 @!p2 $0x0  }
0x1d: {  	s5 =	simm.s32 @p1 $0x1;
	p0 =	seq.s32 s7, s2  }
0x1e: {  	s7 =	smul.u32 @!p0 $0xF7A, s2;
	p2 =	seq.s32 @!p0 s5, $0x0  }
0x1f: {  	s9 =	smul.u32 $0xF7A, s1;
	s8 =	simm.s32 @!p0 $0x1BF5;
	p2 =	por !p2, p0  }
0x20: {  	[sflag:s8] =	ssyncset.s32 @!p0 $0xFFFFF086;
	s6 =	sadd.s32 @!p0 s3, s7;
	s7 =	simm.s32 @!p0 $0x108  }
0x21: {  	s3 =	sadd.s32 s3, s9;
	s6 =	sadd.s32 @!p0 $0x88, s6;
	s7 =	simm.s32 @p2 $0x1082  }
0x22: {  	[simem:s7], [sflag:s8] =	dma.local @!p0 [hbm:s6], $0xF7A  }
0x23: {  	s9 =	sor.u32 $0xD0000000, s2;
	s6 =	simm.s32 $0x108;
	_ =	swait.ge @!p0 [sflag:s8], $0x0  }
0x24: {  	s3 =	sadd.s32 $0x88, s3;
	s6 =	simm.s32 @!p1 $0x1082;
	[sflag:s4] =	ssyncset.s32 $0xFFFFF086  }
0x25: {  	[simem:s6], [sflag:s4] =	dma.local [hbm:s3], $0xF7A  }
0x26: {  	[smem:$0x3F92] =	sst s1;
	(tag) =	ssettag s2;
	_ =	strace s9  }
0x27: {  	s1 =	sld [smem:$0x3FA2]  }
0x28: {  	s2 =	sld [smem:$0x3FA3]  }
0x29: {  	s4 =	sld [smem:$0x3FA5]  }
0x2a: {  	p0 =	seq.s32 s5, $0x0;
	s5 =	sld [smem:$0x3FA6]  }
0x2b: {  	s6 =	sld [smem:$0x3FA7]  }
0x2c: {  	s7 =	sld [smem:$0x3FA8]  }
0x2d: {  	s3 =	simm.s32 $0x108;
	s8 =	sld [smem:$0x3FA9]  }
0x2e: {  	s3 =	simm.s32 @!p0 $0x1082;
	s9 =	sld [smem:$0x3FAA]  }
0x2f: {  	lr =	sadd.s32 s0, s3;
	s0 =	sld [smem:$0x3FA1]  }
0x30: {  	s3 =	sld [smem:$0x3FA4]  }
0x31: {  	[smem:$0x3FAD] =	sst s10  }
0x32: {  	s10 =	sld [smem:$0x3FAB];
	_ =	sdelay $0x3  }
0x33: {  	p0 =	seq.s32 s10, $0x1;
	s10 =	sld [smem:$0x3FAD];
	_ =	sdelay $0x3  }
0x34: {  	[smem:$0x3FAD] =	sst s10  }
0x35: {  	s10 =	sld [smem:$0x3FAC];
	_ =	sdelay $0x3  }
0x36: {  	p1 =	seq.s32 s10, $0x1;
	s10 =	sld [smem:$0x3FAD];
	_ =	sdelay $0x3  }
0x37: {  	[smem:$0x3FAD] =	sst s10  }
0x38: {  	s10 =	sld [smem:$0x3FAE]  }
0x39: {  	_ = 	snop;
	(pc) =	sbr.ind lr, $3  }
0x3a: {  	_ = 	snop  }
0x3b: {  	_ = 	snop  }
0x3c: {  	p2 =	seq.s32 s10, $0x1;
	s10 =	sld [smem:$0x3FAD]  }
0x3d: {  	_ =	shalt  }
0x3e: {  	_ =	shalt  }
0x3f: {  	_ =	shalt  }
0x40: {  	_ =	shalt  }
0x41: {  	_ =	shalt  }
0x42: {  	_ =	shalt  }
0x43: {  	_ =	shalt  }
0x44: {  	_ =	shalt  }
0x45: {  	_ =	shalt  }
0x46: {  	_ =	shalt  }
0x47: {  	_ =	shalt  }
0x48: {  	_ =	shalt  }
0x49: {  	_ =	shalt  }
0x4a: {  	_ =	shalt  }
0x4b: {  	_ =	shalt  }
0x4c: {  	_ =	shalt  }
0x4d: {  	_ =	shalt  }
0x4e: {  	_ =	shalt  }
0x4f: {  	_ =	shalt  }
0x50: {  	_ =	shalt  }
0x51: {  	_ =	shalt  }
0x52: {  	_ =	shalt  }
0x53: {  	_ =	shalt  }
0x54: {  	_ =	shalt  }
0x55: {  	_ =	shalt  }
0x56: {  	_ =	shalt  }
0x57: {  	_ =	shalt  }
0x58: {  	_ =	shalt  }
0x59: {  	_ =	shalt  }
0x5a: {  	_ =	shalt  }
0x5b: {  	_ =	shalt  }
0x5c: {  	_ =	shalt  }
0x5d: {  	_ =	shalt  }
0x5e: {  	_ =	shalt  }
0x5f: {  	_ =	shalt  }
0x60: {  	_ =	shalt  }
0x61: {  	_ =	shalt  }
0x62: {  	_ =	shalt  }
0x63: {  	_ =	shalt  }
0x64: {  	_ =	shalt  }
0x65: {  	_ =	shalt  }
0x66: {  	_ =	shalt  }
0x67: {  	_ =	shalt  }
0x68: {  	_ =	shalt  }
0x69: {  	_ =	shalt  }
0x6a: {  	_ =	shalt  }
0x6b: {  	_ =	shalt  }
0x6c: {  	_ =	shalt  }
0x6d: {  	_ =	shalt  }
0x6e: {  	_ =	shalt  }
0x6f: {  	_ =	shalt  }
0x70: {  	_ =	shalt  }
0x71: {  	_ =	shalt  }
0x72: {  	_ =	shalt  }
0x73: {  	_ =	shalt  }
0x74: {  	_ =	shalt  }
0x75: {  	_ =	shalt  }
0x76: {  	_ =	shalt  }
0x77: {  	_ =	shalt  }
0x78: {  	_ =	shalt  }
0x79: {  	_ =	shalt  }
0x7a: {  	_ =	shalt  }
0x7b: {  	_ =	shalt  }
0x7c: {  	_ =	shalt  }
0x7d: {  	_ =	shalt  }
0x7e: {  	_ =	shalt  }
0x7f: {  	_ =	shalt  }
0x80: {  	_ =	shalt  }
0x81: {  	_ =	shalt  }
0x82: {  	_ =	shalt  }
0x83: {  	_ =	shalt  }
0x84: {  	_ =	shalt  }
0x85: {  	_ =	shalt  }
0x86: {  	_ =	shalt  }
0x87: {  	_ =	shalt  }
.Lfunc_end0:
.L_simem_size_0:
called_computation.1_lowered:
.L_overlay_start_0:
0x88: {  	s2 =	sld [smem:$0x3FD9]  }
0x89: {  	s3 =	sld [smem:$0x3FFE];
	_ =	sdelay $0x1  }
0x8a: {  	s1 =	srdreg.scid  }
0x8b: {  	s0 =	sand.u32 $0x1, s1  }
0x8c: {  	s16 =	sshll.u32 s0, $0xA;
	s2 =	sadd.s32 s3, s2  }
0x8d: {  	s2 =	sadd.s32 s2, s16  }
0x8e: {  	[smem:$0x3FB9] =	sst s2  }
0x8f: {  	_ = 	snop  }
0x90: {  	(tm) =	ssettm $0x1  }
0x91: {  	s17 =	sld [smem:$0x3FFB];
	_ =	sdelay $0x3  }
0x92: {  	_ =	strace s17  }
0x93: {  	s2 =	sld [smem:$0x3FFC];
	_ =	sdelay $0x3  }
0x94: {  	_ =	strace s2  }
0x95: {  	s2 =	sld [smem:$0x3FFD];
	_ =	sdelay $0x3  }
0x96: {  	_ =	strace s2  }
0x97: {  	_ =	strace $0x8FFFFFFF  }
0x98: {  	s18 =	sld [smem:$0x3FDB];
	_ =	sdelay $0x1  }
0x99: {  	s19 =	simm.s32 $_scs_section_size  }
0x9a: {  	s4 =	simm.s32 $_size__tile_overlayer_lowered;
	s5 =	simm.s32 $_tile_overlayer_lowered  }
0x9b: {  	s22 =	simm.s32 $0x1BFF;
	s21 =	sshll.u32 s5, $0x1;
	s2 =	sadd.s32 s19, s18  }
0x9c: {  	s6 =	simm.s32 $0x0;
	s20 =	sshll.u32 s4, $0x1;
	s4 =	sadd.s32 s21, s2  }
0x9d: {  	[timem:s6], [sflag:s22] =	dma.local [hbm:s4], s20  }
0x9e: {  	_ =	swait.ge [sflag:s22], s20  }
0x9f: {  	s3 =	ssub.s32 $0x0, s20;
	[sflag:s22] =	ssyncset.done $0x0  }
0xa0: {  	[sflag:s22] =	ssyncadd.s32 s3;
	_ =	sdelay $0x1  }
0xa1: {  	s23 =	simm.s32 $0x1B8B  }
0xa2: {  	_ =	swait.ge [sflag:s23], $0x1  }
0xa3: {  	[sflag:s23] =	ssyncset.done $0x0  }
0xa4: {  	s25 =	simm.s32 $0x1B8E;
	s24 =	sld [smem:$0x3FFE];
	[sflag:s23] =	ssyncadd.s32 $0xFFFFFFFF  }
0xa5: {  	s26 =	simm.s32 $execute0_lowered;
	[smem:$0x3FD2] =	sst s25  }
0xa6: {  	s4 =	sshll.u32 s26, $0x1;
	_ =	strace $0x80000049;
	[dreg:$0x1] =	wrdreg $0xFFFFFFFF  }
0xa7: {  	s28 =	simm.s32 $_size_execute0_lowered;
	s2 =	sadd.s32 s2, s4;
	[dreg:$0x0] =	wrdreg $0x0  }
0xa8: {  	s4 =	sshll.u32 s28, $0x1;
	[dreg:$0x2] =	wrdreg s2  }
0xa9: {  	[dreg:$0x3] =	wrdreg s4  }
0xaa: {  	[dreg:$0x4] =	wrdreg $0xC0  }
0xab: {  	_ =	task [dreg:s6], $0x5FFFF  }
0xac: {  	[dreg:$0x1] =	wrdreg $0xFFFFFFFF  }
0xad: {  	[dreg:$0x0] =	wrdreg $0x60  }
0xae: {  	[dreg:$0x2] =	wrdreg s24  }
0xaf: {  	[dreg:$0x3] =	wrdreg $0x1ADB00  }
0xb0: {  	[dreg:$0x4] =	wrdreg $0x9  }
0xb1: {  	_ =	task.clear_ibuf [dreg:s6], $0x5FFFF;
	_ =	strace $0x90000049  }
0xb2: {  	s29 =	simm.s32 $0x9;
	_ =	strace $0x8000004B  }
0xb3: {  	_ =	swait.ge [sflag:s29], $0x1  }
0xb4: {  	[sflag:s29] =	ssyncadd.s32 $0xFFFFFFFF  }
0xb5: {  	_ =	strace $0x9000004B  }
0xb6: {  	_ =	sfence  }
0xb7: {  	s30 =	sld [smem:$0x0];
	_ =	sdelay $0x2  }
0xb8: {  	s31 =	sshll.u32 s1, $0xD;
	s1 =	sshrl.u32 s1, $0x2  }
0xb9: {  	s3 =	sand.u32 $0x4000, s31;
	s1 =	sadd.s32 s1, s30  }
0xba: {  	s0 =	sor.u32 s3, s0;
	s1 =	sshll.u32 s1, $0x11  }
0xbb: {  	s0 =	sor.u32 s1, s0  }
0xbc: {  	s0 =	sadd.s32 $0x8F2B, s0  }
0xbd: {  	[sflag:s0] =	ssyncadd.remote.s32 $0x1  }
0xbe: {  	_ =	sfence.sel $0xFFFF  }
0xbf: {  	[dreg:$0x0] =	wrdreg $0xFFFFFFFF;
	(pc) =	sbr.abs _section_cstart, $3  }
0xc0: {  	[dreg:$0x1] =	wrdreg $0xFFFFFFFF  }
0xc1: {  	_ =	task.clear_ibuf [dreg:s6], $0x2FFFF;
	_ =	strace $0x9FFFFFFF  }
0xc2: {  	(tm) =	ssettm $0x7FFFFFFF  }
0xc3: {  	_ =	shalt  }
tec
execute0_lowered:
.L_overlay_start_1:
0x0: {  	(tag) =	ssettag $0x1  }
0x1: {  	s0 =	rddreg [dreg:$0x0]  }
0x2: {  	s2 =	rddreg [dreg:$0x1]  }
0x3: {  	s3 =	simm.s32 $0x0;
	s1 =	srdreg.scid;
	s4 =	stileid.u32  }
0x4: {  	s17 =	simm.s32 $0x5;
	s18 =	simm.s32 $0x3E8;
	s21 =	simm.s32 $0x84D0  }
0x5: {  	s28 =	simm.s32 $0x109A0;
	s29 =	simm.s32 $0x14820;
	s30 =	simm.s32 $0x1  }
0x6: {  	s31 =	simm.s32 $0x3;
	s19 =	simm.s32 $0x0;
	s20 =	simm.s32 $0x0  }
0x7: {  	[smem:$0x7FF] =	sst s3;
	s1 =	sand.u32 $0x1, s1;
	s10 =	smul.u32 $0x2710, s4  }
0x8: {  	s6 =	sshll.u32 s4, $0x1;
	s4 =	sadd.s32 $0x77600, s0;
	s5 =	sadd.s32 $0x7200, s0  }
0x9: {  	s7 =	sadd.s32 $0x17400, s0;
	s8 =	smul.u32 $0x27100, s1;
	s6 =	sor.u32 s1, s6  }
0xa: {  	s9 =	sadd.s32 $0x127400, s0;
	s1 =	ssub.s32 $0x2, s1;
	s12 =	smul.u32 $0x3E8, s6  }
0xb: {  	_ =	strace $0x8000004A;
	s13 =	smul.u32 $0x7D0, s6;
	s23 =	sshrl.u32 s1, $0x1  }
0xc: {  	s14 =	sor.u32 $0x40, s6;
	s11 =	sadd.s32 s10, s8;
	s8 =	sadd.s32 $0x8B000, s0  }
0xd: {  	s1 =	ssub.s32 s1, s23;
	s23 =	simm.s32 $0xC350;
	s11 =	sshrl.u32 s11, $0x3  }
0xe: {  	s12 =	sshrl.u32 s12, $0x3;
	s25 =	sadd.s32 s8, s13;
	s13 =	sadd.s32 s10, s2  }
0xf: {  	s26 =	smax.u32 s1, $0x1;
	s0 =	sadd.s32 s11, s0;
	[dreg:$0x5] =	wrdreg s25  }
0x10: {  	s12 =	sadd.s32 s4, s12;
	[dreg:$0x7] =	wrdreg s26;
	s11 =	simm.s32 $0x186A0  }
0x11: {  	s25 =	simm.s32 $0xC738;
	[dreg:$0x3] =	wrdreg s12;
	s24 =	sadd.s32 $0x9C40, s12  }
0x12: {  	s26 =	simm.s32 $0xCB20;
	s0 =	sadd.s32 $0x1C400, s0;
	[dreg:$0x4] =	wrdreg s24  }
0x13: {  	v0 =	vimm.f32 $0.0e+00;
	[dreg:$0x6] =	wrdreg s0;
	s24 =	simm.s32 $0x6;
	s0 =	simm.s32 $0x2  }
.LBB2_1:
0x14: {  	s1 =	rddreg [dreg:$0x3]  }
0x15: {  	[tilespmem:s3], [sflag:$0x5] =	stream.linear.gather [hbm4b:s1+s3], $0x3E8, $0x38;
	[tilespmem:$0x1D4C0] =	vst v63  }
0x16: {  	_ =	swait.ge [sflag:s17], $0x3E8  }
0x17: {  	[sflag:s17] =	ssyncset.done $0x0  }
0x18: {  	s12 =	rddreg [dreg:$0x4];
	[sflag:s17] =	ssyncadd.s32 $0xFFFFFC18  }
0x19: {  	[tilespmem:s18], [sflag:$0x5] =	stream.linear.gather [hbm4b:s12+s3], $0x3E8, $0x38;
	[tilespmem:$0x1D4C0] =	vst v63  }
0x1a: {  	_ =	swait.ge [sflag:s17], $0x3E8  }
0x1b: {  	[sflag:s17] =	ssyncset.done $0x0  }
0x1c: {  	s15 =	simm.s32 $0x7D0;
	[sflag:s17] =	ssyncadd.s32 $0xFFFFFC18  }
0x1d: {  	[tilespmem:s15], [sflag:$0x1] =	stream.indirect.gather [hbm4b:s5+s18], $0x10, s3, s18, $0xb8;
	[tilespmem:$0x1D4C0] =	vst v63  }
0x1e: {  	s16 =	simm.s32 $0x4650  }
0x1f: {  	[tilespmem:s16], [sflag:$0x1] =	stream.indirect.gather [hbm4b:s7+s18], $0x10, s18, s18, $0xb8;
	[tilespmem:$0x1D4C0] =	vst v63  }
0x20: {  	s10 =	simm.s32 $0x0;
	s1 =	simm.s32 $0x40;
	s22 =	rddreg [dreg:$0x5]  }
0x21: {  	[tilespmem:s21], [sflag:$0x1] =	stream.linear.gather [hbm4b:s22+s3], $0x3E80, $0x38;
	[tilespmem:$0x1D4C0] =	vst v63  }
.LBB2_2:
0x22: {  	p0 =	sne.s32 s1, $0x9C00;
	[tilespmem:s10+$0x186A0] =	vst v0;
	s10 =	smov.u32 s1;
	s1 =	sadd.s32 $0x40, s1  }
.Ltmp0:
0x23: {  	(pc) =	sbr.rel @p0 .LBB2_2-.Ltmp0, $2  }
0x24: {  	_ =	sdelay $0x2  }
0x25: {  	s10 =	sshra.s32 s10, $0x2  }
0x26: {  	[tilespmem:s10+$0x186A0] =	vst v0  }
0x27: {  	[spmem:s13] =	stream.linear.scatter [tilespmem:s11], [sflag:$0x5], $0x2710, $0x38;
	[tilespmem:$0x1D4C0] =	vst v63  }
0x28: {  	_ =	swait.ge [sflag:s17], $0x2710  }
0x29: {  	[sflag:s17] =	ssyncset.done $0x0  }
0x2a: {  	[sflag:s17] =	ssyncadd.s32 $0xFFFFD8F0  }
0x2b: {  	s11 =	simm.s32 $0x0;
	[bflag:$0x0] =	sbarrier.arrive $0xFFFF  }
.LBB2_4:
0x2c: {  	s15 =	sshll.u32 s11, $0x6  }
0x2d: {  	s16 =	sor.u32 s6, s15  }
0x2e: {  	p0 =	seq.s32 s11, $0x0;
	s1 =	sor.u32 $0x20, s16  }
0x2f: {  	s10 =	simm.s32 @!p0 $0x4;
	s12 =	smul.u32 $0x3E8, s1  }
0x30: {  	_ =	swait.ge @!p0 [sflag:s10], $0x3E80  }
0x31: {  	[sflag:s10] =	ssyncset.done @!p0 $0x0;
	s12 =	sshrl.u32 s12, $0x3  }
0x32: {  	[sflag:s10] =	ssyncadd.s32 @!p0 $0xFFFFC180;
	s22 =	sadd.s32 s4, s12  }
0x33: {  	[tilespmem:s23], [sflag:$0x6] =	stream.linear.gather [hbm4b:s22+s20], $0x3E8, $0x38;
	[tilespmem:$0x1D4C0] =	vst v63  }
0x34: {  	_ =	swait.ge [sflag:s24], $0x3E8  }
0x35: {  	[sflag:s24] =	ssyncset.done $0x0  }
0x36: {  	s10 =	sadd.s32 $0x9C40, s22;
	[sflag:s24] =	ssyncadd.s32 $0xFFFFFC18  }
0x37: {  	[tilespmem:s25], [sflag:$0x6] =	stream.linear.gather [hbm4b:s10+s20], $0x3E8, $0x38;
	[tilespmem:$0x1D4C0] =	vst v63  }
0x38: {  	_ =	swait.ge [sflag:s24], $0x3E8  }
0x39: {  	[sflag:s24] =	ssyncset.done $0x0  }
0x3a: {  	[sflag:s24] =	ssyncadd.s32 $0xFFFFFC18  }
0x3b: {  	[tilespmem:s26], [sflag:$0x2] =	stream.indirect.gather [hbm4b:s5+s18], $0x10, s23, s18, $0xb8;
	[tilespmem:$0x1D4C0] =	vst v63  }
0x3c: {  	s12 =	smul.u32 $0x7D0, s1  }
0x3d: {  	[tilespmem:s28], [sflag:$0x2] =	stream.indirect.gather [hbm4b:s7+s18], $0x10, s25, s18, $0xb8;
	[tilespmem:$0x1D4C0] =	vst v63  }
0x3e: {  	s1 =	sadd.s32 s8, s12  }
0x3f: {  	[tilespmem:s29], [sflag:$0x2] =	stream.linear.gather [hbm4b:s1+s20], $0x3E80, $0x38;
	[tilespmem:$0x1D4C0] =	vst v63  }
0x40: {  	_ =	swait.ge [sflag:s30], $0x3E80  }
0x41: {  	[sflag:s30] =	ssyncset.done $0x0  }
0x42: {  	[sflag:s30] =	ssyncadd.s32 $0xFFFFC180  }
0x43: {  	_ =	swait.ge [sflag:s30], $0x3E80  }
0x44: {  	[sflag:s30] =	ssyncset.done $0x0  }
0x45: {  	[sflag:s30] =	ssyncadd.s32 $0xFFFFC180  }
0x46: {  	_ =	swait.ge [sflag:s30], $0x3E80  }
0x47: {  	[sflag:s30] =	ssyncset.done $0x0  }
0x48: {  	s10 =	simm.s32 $0x0;
	[sflag:s30] =	ssyncadd.s32 $0xFFFFC180  }
0x49: {  	v1 =	vld [tilespmem:s10+$0x7D0]  }
0x4a: {  	v2 =	vld [tilespmem:s10+$0x4650];
	_ =	sdelay $0x1  }
0x4b: {  	v3 =	vld [tilespmem:s10+$0x84D0];
	_ =	sdelay $0x2  }
0x4c: {  	v1 =	vadd.f32 v2, v1;
	_ =	sdelay $0x1  }
0x4d: {  	s22 =	simm.s32 $0x10;
	v2 =	vadd.f32 v3, v1  }
0x4e: {  	s1 =	simm.s32 $0x80;
	v1 =	vld [tilespmem:s22+$0x7D0]  }
.LBB2_5:
0x4f: {  	p0 =	sne.s32 s1, $0xF9C0;
	v3 =	vld [tilespmem:s22+$0x4650];
	v2 =	vmax.f32 v2, $0.0e+00  }
0x50: {  	[tilespmem:s10+$0x84D0] =	vst v2;
	s10 =	smov.u32 s22  }
0x51: {  	v2 =	vld [tilespmem:s10+$0x84D0];
	_ =	sdelay $0x1  }
.Ltmp1:
0x52: {  	(pc) =	sbr.rel @p0 .LBB2_5-.Ltmp1, $3  }
0x53: {  	v1 =	vadd.f32 v3, v1;
	_ =	sdelay $0x1  }
0x54: {  	s22 =	sshra.s32 s1, $0x2;
	v2 =	vadd.f32 v2, v1  }
0x55: {  	s1 =	sadd.s32 $0x40, s1;
	v1 =	vld [tilespmem:s22+$0x7D0]  }
0x56: {  	v3 =	vld [tilespmem:s22+$0x4650];
	v2 =	vmax.f32 v2, $0.0e+00  }
0x57: {  	[tilespmem:s10+$0x84D0] =	vst v2  }
0x58: {  	v2 =	vld [tilespmem:s22+$0x84D0];
	_ =	sdelay $0x2  }
0x59: {  	v1 =	vadd.f32 v3, v1;
	_ =	sdelay $0x1  }
0x5a: {  	v1 =	vadd.f32 v2, v1  }
0x5b: {  	s1 =	smul.u32 $0x7D0, s16  }
0x5c: {  	v1 =	vmax.f32 v1, $0.0e+00  }
0x5d: {  	s1 =	sadd.s32 s9, s1;
	[tilespmem:s22+$0x84D0] =	vst v1  }
0x5e: {  	[hbm4b:s1+s3] =	stream.linear.scatter [tilespmem:s21], [sflag:$0x3], $0x3E80, $0x38;
	[tilespmem:$0x1D4C0] =	vst v63  }
0x5f: {  	_ = 	snop  }
0x60: {  	[spmem:s2] =	stream.indirect.scatter.add.f32 [tilespmem:s21], [sflag:$0x6], $0x10, s18, s18, $0xb8;
	[tilespmem:$0x1D4C0] =	vst v63  }
0x61: {  	p0 =	seq.s32 s11, $0x4;
	_ =	swait.ge [sflag:s24], $0x3E80  }
0x62: {  	s1 =	sadd.s32 @!p0 s14, s15;
	[sflag:s24] =	ssyncset.done $0x0  }
0x63: {  	s10 =	smul.u32 @!p0 $0x3E8, s1;
	[sflag:s24] =	ssyncadd.s32 $0xFFFFC180  }
0x64: {  	_ =	swait.ge [sflag:s31], $0x3E80  }
0x65: {  	s16 =	simm.s32 @!p0 $0x6;
	s10 =	sshrl.u32 @!p0 s10, $0x3;
	[sflag:s31] =	ssyncset.done $0x0  }
0x66: {  	s15 =	simm.s32 @!p0 $0x0;
	s10 =	sadd.s32 @!p0 s4, s10;
	[sflag:s31] =	ssyncadd.s32 $0xFFFFC180  }
0x67: {  	[tilespmem:s15], [sflag:$0x6] =	stream.linear.gather @!p0 [hbm4b:s10+s15], $0x3E8, $0x38;
	[tilespmem:$0x1D4C0] =	vst v63  }
0x68: {  	_ =	swait.ge @!p0 [sflag:s16], $0x3E8  }
0x69: {  	[sflag:s16] =	ssyncset.done @!p0 $0x0  }
0x6a: {  	s22 =	simm.s32 @!p0 $0x3E8;
	s10 =	sadd.s32 @!p0 $0x9C40, s10;
	[sflag:s16] =	ssyncadd.s32 @!p0 $0xFFFFFC18  }
0x6b: {  	[tilespmem:s22], [sflag:$0x6] =	stream.linear.gather @!p0 [hbm4b:s10+s15], $0x3E8, $0x38;
	[tilespmem:$0x1D4C0] =	vst v63  }
0x6c: {  	_ =	swait.ge @!p0 [sflag:s16], $0x3E8  }
0x6d: {  	[sflag:s16] =	ssyncset.done @!p0 $0x0  }
0x6e: {  	s10 =	simm.s32 @!p0 $0x7D0;
	[sflag:s16] =	ssyncadd.s32 @!p0 $0xFFFFFC18  }
0x6f: {  	[tilespmem:s10], [sflag:$0x1] =	stream.indirect.gather @!p0 [hbm4b:s5+s22], $0x10, s15, s22, $0xb8;
	[tilespmem:$0x1D4C0] =	vst v63  }
0x70: {  	s1 =	smul.u32 @!p0 $0x7D0, s1;
	s10 =	simm.s32 @!p0 $0x4650  }
0x71: {  	[tilespmem:s10], [sflag:$0x1] =	stream.indirect.gather @!p0 [hbm4b:s7+s22], $0x10, s22, s22, $0xb8;
	[tilespmem:$0x1D4C0] =	vst v63  }
0x72: {  	s1 =	sadd.s32 @!p0 s8, s1;
	s10 =	simm.s32 @!p0 $0x84D0  }
0x73: {  	[tilespmem:s10], [sflag:$0x1] =	stream.linear.gather @!p0 [hbm4b:s1+s15], $0x3E80, $0x38;
	[tilespmem:$0x1D4C0] =	vst v63  }
0x74: {  	_ =	swait.ge [sflag:s0], $0x3E80  }
0x75: {  	[sflag:s0] =	ssyncset.done $0x0  }
0x76: {  	[sflag:s0] =	ssyncadd.s32 $0xFFFFC180  }
0x77: {  	_ =	swait.ge [sflag:s0], $0x3E80  }
0x78: {  	[sflag:s0] =	ssyncset.done $0x0  }
0x79: {  	[sflag:s0] =	ssyncadd.s32 $0xFFFFC180  }
0x7a: {  	_ =	swait.ge [sflag:s0], $0x3E80  }
0x7b: {  	[sflag:s0] =	ssyncset.done $0x0  }
0x7c: {  	s10 =	simm.s32 $0x0;
	[sflag:s0] =	ssyncadd.s32 $0xFFFFC180  }
0x7d: {  	v1 =	vld [tilespmem:s10+$0xCB20]  }
0x7e: {  	v2 =	vld [tilespmem:s10+$0x109A0];
	_ =	sdelay $0x1  }
0x7f: {  	v3 =	vld [tilespmem:s10+$0x14820];
	_ =	sdelay $0x2  }
0x80: {  	v1 =	vadd.f32 v2, v1;
	_ =	sdelay $0x1  }
0x81: {  	s15 =	simm.s32 $0x10;
	v2 =	vadd.f32 v3, v1  }
0x82: {  	s1 =	simm.s32 $0x80;
	v1 =	vld [tilespmem:s15+$0xCB20]  }
.LBB2_7:
0x83: {  	p0 =	sne.s32 s1, $0xF9C0;
	v3 =	vld [tilespmem:s15+$0x109A0];
	v2 =	vmax.f32 v2, $0.0e+00  }
0x84: {  	[tilespmem:s10+$0x14820] =	vst v2;
	s10 =	smov.u32 s15  }
0x85: {  	v2 =	vld [tilespmem:s10+$0x14820];
	_ =	sdelay $0x1  }
.Ltmp2:
0x86: {  	(pc) =	sbr.rel @p0 .LBB2_7-.Ltmp2, $3  }
0x87: {  	v1 =	vadd.f32 v3, v1;
	_ =	sdelay $0x1  }
0x88: {  	s15 =	sshra.s32 s1, $0x2;
	v2 =	vadd.f32 v2, v1  }
0x89: {  	s1 =	sadd.s32 $0x40, s1;
	v1 =	vld [tilespmem:s15+$0xCB20]  }
0x8a: {  	v3 =	vld [tilespmem:s15+$0x109A0];
	v2 =	vmax.f32 v2, $0.0e+00  }
0x8b: {  	[tilespmem:s10+$0x14820] =	vst v2  }
0x8c: {  	v2 =	vld [tilespmem:s15+$0x14820];
	_ =	sdelay $0x2  }
0x8d: {  	v1 =	vadd.f32 v3, v1;
	_ =	sdelay $0x1  }
0x8e: {  	v1 =	vadd.f32 v2, v1;
	_ =	sdelay $0x1  }
0x8f: {  	s11 =	sadd.s32 $0x1, s11;
	v1 =	vmax.f32 v1, $0.0e+00  }
0x90: {  	s1 =	sadd.s32 s9, s12;
	p0 =	sne.s32 s11, $0x5;
	[tilespmem:s15+$0x14820] =	vst v1  }
0x91: {  	[hbm4b:s1+s3] =	stream.linear.scatter [tilespmem:s29], [sflag:$0x4], $0x3E80, $0x38;
	[tilespmem:$0x1D4C0] =	vst v63  }
.Ltmp3:
0x92: {  	_ = 	snop;
	(pc) =	sbr.rel @p0 .LBB2_4-.Ltmp3, $4  }
0x93: {  	[spmem:s2] =	stream.indirect.scatter.add.f32 [tilespmem:s29], [sflag:$0x5], $0x10, s25, s18, $0xb8;
	[tilespmem:$0x1D4C0] =	vst v63  }
0x94: {  	_ =	swait.ge [sflag:s17], $0x3E80  }
0x95: {  	[sflag:s17] =	ssyncset.done $0x0  }
0x96: {  	[sflag:s17] =	ssyncadd.s32 $0xFFFFC180  }
0x97: {  	s1 =	simm.s32 $0x4  }
0x98: {  	_ =	swait.ge [sflag:s1], $0x3E80  }
0x99: {  	[sflag:s1] =	ssyncset.done $0x0  }
0x9a: {  	[sflag:s1] =	ssyncadd.s32 $0xFFFFC180  }
0x9b: {  	s11 =	simm.s32 $0x186A0;
	[bflag:$0x0] =	sbarrier.arrive $0xFFFF  }
0x9c: {  	[tilespmem:s11], [sflag:$0x5] =	stream.linear.gather [spmem:s13], $0x2710, $0x38;
	[tilespmem:$0x1D4C0] =	vst v63  }
0x9d: {  	_ =	swait.ge [sflag:s17], $0x2710  }
0x9e: {  	[sflag:s17] =	ssyncset.done $0x0  }
0x9f: {  	s16 =	rddreg [dreg:$0x6];
	[sflag:s17] =	ssyncadd.s32 $0xFFFFD8F0  }
0xa0: {  	[hbm4b:s16+s3] =	stream.linear.scatter [tilespmem:s11], [sflag:$0x5], $0x2710, $0x38;
	[tilespmem:$0x1D4C0] =	vst v63  }
0xa1: {  	_ =	swait.ge [sflag:s17], $0x2710  }
0xa2: {  	s19 =	sadd.s32 $0x1, s19;
	s22 =	rddreg [dreg:$0x7]  }
0xa3: {  	p0 =	sne.s32 s19, s22  }
.Ltmp4:
0xa4: {  	_ = 	snop;
	(pc) =	sbr.rel @p0 .LBB2_1-.Ltmp4, $3  }
0xa5: {  	_ =	sdelay $0x1  }
0xa6: {  	[sflag:s17] =	ssyncset.done $0x0  }
0xa7: {  	[sflag:s17] =	ssyncadd.s32 $0xFFFFD8F0  }
0xa8: {  	_ =	sfence.sel $0x180000  }
0xa9: {  	[bflag:$0x0] =	sbarrier.arrive $0xFFFF  }
0xaa: {  	_ =	strace $0x9000004A  }
0xab: {  	s0 =	stileid.u32;
	[bflag:$0x2] =	sbarrier.arrive $0xFFFF  }
0xac: {  	p0 =	sne.s32 s0, $0x0;
	s0 =	rddreg [dreg:$0x2]  }
0xad: {  	s0 =	sadd.s32 @!p0 $0x100000, s0  }
0xae: {  	[sflag:s0] =	ssyncadd.tile.s32 @!p0 $0x1;
	_ =	shalt  }
.Lfunc_end2:
_tile_overlayer_lowered:
.L_overlay_start_2:
0xaf: {  	(tag) =	ssettag $0x2  }
0xb0: {  	s0 =	rddreg [dreg:$0x0];
	s2 =	stileid.u32  }
0xb1: {  	s1 =	rddreg [dreg:$0x1];
	p0 =	sne.s32 s2, $0x0  }
0xb2: {  	s3 =	rddreg [dreg:$0x2];
	[bflag:$0x3] =	sbarrier.arrive $0xFFFF;
	s2 =	simm.s32 @!p0 $0x1C05  }
0xb3: {  	[timem:s3], [sflag:s2] =	dma.local @!p0 [hbm:s0], s1  }
0xb4: {  	s0 =	simm.s32 @!p0 $0x5  }
0xb5: {  	_ =	swait.ge @!p0 [sflag:s0], s1  }
0xb6: {  	s1 =	ssub.s32 @!p0 $0x0, s1;
	[sflag:s0] =	ssyncset.done @!p0 $0x0  }
0xb7: {  	[sflag:s0] =	ssyncadd.s32 @!p0 s1  }
0xb8: {  	[bflag:$0x3] =	sbarrier.arrive $0xFFFF  }
0xb9: {  	_ =	shalt  }

// kernel: kernel.16.cloned.1.call-start
scs
__scs_entry_jumppad:
0x0: {  	(pc) =	sbr.rel $0x88, $3  }
0x1: {  	(tag) =	ssettag $0x0;
	lr =	simm.s32 $0x1  }
0x2: {  	[smem:$0x3F92] =	sst lr;
	_ =	strace $0xD0000000  }
0x3: {  	_ = 	snop  }
0x4: {  	_ = 	snop  }
0x5: {  	_ = 	snop  }
0x6: {  	_ = 	snop  }
0x7: {  	_ = 	snop  }
__scs_overlays_trampoline_lowered:
0x8: {  	[smem:$0x3FA1] =	sst s0  }
0x9: {  	[smem:$0x3FA2] =	sst s1  }
0xa: {  	[smem:$0x3FA3] =	sst s2  }
0xb: {  	[smem:$0x3FA4] =	sst s3  }
0xc: {  	[smem:$0x3FA5] =	sst s4  }
0xd: {  	[smem:$0x3FA6] =	sst s5  }
0xe: {  	[smem:$0x3FA7] =	sst s6  }
0xf: {  	[smem:$0x3FA8] =	sst s7  }
0x10: {  	[smem:$0x3FA9] =	sst s8  }
0x11: {  	[smem:$0x3FAA] =	sst s9;
	s0 =	simm.s32 @!p0 $0x0  }
0x12: {  	s1 =	sld [smem:$0x3F90];
	s0 =	simm.s32 @p0 $0x1  }
0x13: {  	[smem:$0x3FAB] =	sst s0;
	s0 =	simm.s32 @!p1 $0x0  }
0x14: {  	s2 =	sld [smem:$0x3F8F];
	s0 =	simm.s32 @p1 $0x1  }
0x15: {  	[smem:$0x3FAC] =	sst s0;
	s0 =	simm.s32 @!p2 $0x0  }
0x16: {  	s3 =	sld [smem:$0x3FDB];
	s0 =	simm.s32 @p2 $0x1  }
0x17: {  	s4 =	simm.s32 $0x1BF5;
	[smem:$0x3FAE] =	sst s0  }
0x18: {  	s0 =	sld [smem:$0x3F91];
	_ =	swait.ge [sflag:s4], $0x0  }
0x19: {  	s7 =	sld [smem:$0x3F92]  }
0x1a: {  	s8 =	sadd.s32 $0xFFFFE003, lr  }
0x1b: {  	s9 =	sadd.s32 $0xFFFFFEF7, lr;
	s5 =	simm.s32 $0xFFFFFFFF;
	p2 =	slt.u32 s8, $0xFFFFF086  }
0x1c: {  	p1 =	slt.u32 s9, $0xF7A;
	s5 =	simm.s32 @!p2 $0x0  }
0x1d: {  	s5 =	simm.s32 @p1 $0x1;
	p0 =	seq.s32 s7, s2  }
0x1e: {  	s7 =	smul.u32 @!p0 $0xF7A, s2;
	p2 =	seq.s32 @!p0 s5, $0x0  }
0x1f: {  	s9 =	smul.u32 $0xF7A, s1;
	s8 =	simm.s32 @!p0 $0x1BF5;
	p2 =	por !p2, p0  }
0x20: {  	[sflag:s8] =	ssyncset.s32 @!p0 $0xFFFFF086;
	s6 =	sadd.s32 @!p0 s3, s7;
	s7 =	simm.s32 @!p0 $0x108  }
0x21: {  	s3 =	sadd.s32 s3, s9;
	s6 =	sadd.s32 @!p0 $0x88, s6;
	s7 =	simm.s32 @p2 $0x1082  }
0x22: {  	[simem:s7], [sflag:s8] =	dma.local @!p0 [hbm:s6], $0xF7A  }
0x23: {  	s9 =	sor.u32 $0xD0000000, s2;
	s6 =	simm.s32 $0x108;
	_ =	swait.ge @!p0 [sflag:s8], $0x0  }
0x24: {  	s3 =	sadd.s32 $0x88, s3;
	s6 =	simm.s32 @!p1 $0x1082;
	[sflag:s4] =	ssyncset.s32 $0xFFFFF086  }
0x25: {  	[simem:s6], [sflag:s4] =	dma.local [hbm:s3], $0xF7A  }
0x26: {  	[smem:$0x3F92] =	sst s1;
	(tag) =	ssettag s2;
	_ =	strace s9  }
0x27: {  	s1 =	sld [smem:$0x3FA2]  }
0x28: {  	s2 =	sld [smem:$0x3FA3]  }
0x29: {  	s4 =	sld [smem:$0x3FA5]  }
0x2a: {  	p0 =	seq.s32 s5, $0x0;
	s5 =	sld [smem:$0x3FA6]  }
0x2b: {  	s6 =	sld [smem:$0x3FA7]  }
0x2c: {  	s7 =	sld [smem:$0x3FA8]  }
0x2d: {  	s3 =	simm.s32 $0x108;
	s8 =	sld [smem:$0x3FA9]  }
0x2e: {  	s3 =	simm.s32 @!p0 $0x1082;
	s9 =	sld [smem:$0x3FAA]  }
0x2f: {  	lr =	sadd.s32 s0, s3;
	s0 =	sld [smem:$0x3FA1]  }
0x30: {  	s3 =	sld [smem:$0x3FA4]  }
0x31: {  	[smem:$0x3FAD] =	sst s10  }
0x32: {  	s10 =	sld [smem:$0x3FAB];
	_ =	sdelay $0x3  }
0x33: {  	p0 =	seq.s32 s10, $0x1;
	s10 =	sld [smem:$0x3FAD];
	_ =	sdelay $0x3  }
0x34: {  	[smem:$0x3FAD] =	sst s10  }
0x35: {  	s10 =	sld [smem:$0x3FAC];
	_ =	sdelay $0x3  }
0x36: {  	p1 =	seq.s32 s10, $0x1;
	s10 =	sld [smem:$0x3FAD];
	_ =	sdelay $0x3  }
0x37: {  	[smem:$0x3FAD] =	sst s10  }
0x38: {  	s10 =	sld [smem:$0x3FAE]  }
0x39: {  	_ = 	snop;
	(pc) =	sbr.ind lr, $3  }
0x3a: {  	_ = 	snop  }
0x3b: {  	_ = 	snop  }
0x3c: {  	p2 =	seq.s32 s10, $0x1;
	s10 =	sld [smem:$0x3FAD]  }
0x3d: {  	_ =	shalt  }
0x3e: {  	_ =	shalt  }
0x3f: {  	_ =	shalt  }
0x40: {  	_ =	shalt  }
0x41: {  	_ =	shalt  }
0x42: {  	_ =	shalt  }
0x43: {  	_ =	shalt  }
0x44: {  	_ =	shalt  }
0x45: {  	_ =	shalt  }
0x46: {  	_ =	shalt  }
0x47: {  	_ =	shalt  }
0x48: {  	_ =	shalt  }
0x49: {  	_ =	shalt  }
0x4a: {  	_ =	shalt  }
0x4b: {  	_ =	shalt  }
0x4c: {  	_ =	shalt  }
0x4d: {  	_ =	shalt  }
0x4e: {  	_ =	shalt  }
0x4f: {  	_ =	shalt  }
0x50: {  	_ =	shalt  }
0x51: {  	_ =	shalt  }
0x52: {  	_ =	shalt  }
0x53: {  	_ =	shalt  }
0x54: {  	_ =	shalt  }
0x55: {  	_ =	shalt  }
0x56: {  	_ =	shalt  }
0x57: {  	_ =	shalt  }
0x58: {  	_ =	shalt  }
0x59: {  	_ =	shalt  }
0x5a: {  	_ =	shalt  }
0x5b: {  	_ =	shalt  }
0x5c: {  	_ =	shalt  }
0x5d: {  	_ =	shalt  }
0x5e: {  	_ =	shalt  }
0x5f: {  	_ =	shalt  }
0x60: {  	_ =	shalt  }
0x61: {  	_ =	shalt  }
0x62: {  	_ =	shalt  }
0x63: {  	_ =	shalt  }
0x64: {  	_ =	shalt  }
0x65: {  	_ =	shalt  }
0x66: {  	_ =	shalt  }
0x67: {  	_ =	shalt  }
0x68: {  	_ =	shalt  }
0x69: {  	_ =	shalt  }
0x6a: {  	_ =	shalt  }
0x6b: {  	_ =	shalt  }
0x6c: {  	_ =	shalt  }
0x6d: {  	_ =	shalt  }
0x6e: {  	_ =	shalt  }
0x6f: {  	_ =	shalt  }
0x70: {  	_ =	shalt  }
0x71: {  	_ =	shalt  }
0x72: {  	_ =	shalt  }
0x73: {  	_ =	shalt  }
0x74: {  	_ =	shalt  }
0x75: {  	_ =	shalt  }
0x76: {  	_ =	shalt  }
0x77: {  	_ =	shalt  }
0x78: {  	_ =	shalt  }
0x79: {  	_ =	shalt  }
0x7a: {  	_ =	shalt  }
0x7b: {  	_ =	shalt  }
0x7c: {  	_ =	shalt  }
0x7d: {  	_ =	shalt  }
0x7e: {  	_ =	shalt  }
0x7f: {  	_ =	shalt  }
0x80: {  	_ =	shalt  }
0x81: {  	_ =	shalt  }
0x82: {  	_ =	shalt  }
0x83: {  	_ =	shalt  }
0x84: {  	_ =	shalt  }
0x85: {  	_ =	shalt  }
0x86: {  	_ =	shalt  }
0x87: {  	_ =	shalt  }
.Lfunc_end0:
.L_simem_size_0:
called_computation.2_lowered:
.L_overlay_start_0:
0x88: {  	s2 =	sld [smem:$0x3FD9]  }
0x89: {  	s3 =	sld [smem:$0x3FFE];
	_ =	sdelay $0x1  }
0x8a: {  	s1 =	srdreg.scid  }
0x8b: {  	s0 =	sand.u32 $0x1, s1  }
0x8c: {  	s16 =	sshll.u32 s0, $0xA;
	s2 =	sadd.s32 s3, s2  }
0x8d: {  	s2 =	sadd.s32 s2, s16  }
0x8e: {  	[smem:$0x3FB9] =	sst s2  }
0x8f: {  	_ = 	snop  }
0x90: {  	(tm) =	ssettm $0x1  }
0x91: {  	s17 =	sld [smem:$0x3FFB];
	_ =	sdelay $0x3  }
0x92: {  	_ =	strace s17  }
0x93: {  	s2 =	sld [smem:$0x3FFC];
	_ =	sdelay $0x3  }
0x94: {  	_ =	strace s2  }
0x95: {  	s2 =	sld [smem:$0x3FFD];
	_ =	sdelay $0x3  }
0x96: {  	_ =	strace s2  }
0x97: {  	_ =	strace $0x8FFFFFFF  }
0x98: {  	s18 =	sld [smem:$0x3FDB];
	_ =	sdelay $0x1  }
0x99: {  	s19 =	simm.s32 $_scs_section_size  }
0x9a: {  	s4 =	simm.s32 $_size__tile_overlayer_lowered;
	s5 =	simm.s32 $_tile_overlayer_lowered  }
0x9b: {  	s22 =	simm.s32 $0x1BFF;
	s21 =	sshll.u32 s5, $0x1;
	s2 =	sadd.s32 s19, s18  }
0x9c: {  	s6 =	simm.s32 $0x0;
	s20 =	sshll.u32 s4, $0x1;
	s4 =	sadd.s32 s21, s2  }
0x9d: {  	[timem:s6], [sflag:s22] =	dma.local [hbm:s4], s20  }
0x9e: {  	_ =	swait.ge [sflag:s22], s20  }
0x9f: {  	s3 =	ssub.s32 $0x0, s20;
	[sflag:s22] =	ssyncset.done $0x0  }
0xa0: {  	[sflag:s22] =	ssyncadd.s32 s3;
	_ =	sdelay $0x1  }
0xa1: {  	s23 =	simm.s32 $0x1B8B  }
0xa2: {  	_ =	swait.ge [sflag:s23], $0x1  }
0xa3: {  	[sflag:s23] =	ssyncset.done $0x0  }
0xa4: {  	s25 =	simm.s32 $0x1B8E;
	s24 =	sld [smem:$0x3FFE];
	[sflag:s23] =	ssyncadd.s32 $0xFFFFFFFF  }
0xa5: {  	s26 =	simm.s32 $execute0_lowered;
	[smem:$0x3FD2] =	sst s25  }
0xa6: {  	s4 =	sshll.u32 s26, $0x1;
	_ =	strace $0x8000004C;
	[dreg:$0x1] =	wrdreg $0xFFFFFFFF  }
0xa7: {  	s28 =	simm.s32 $_size_execute0_lowered;
	s2 =	sadd.s32 s2, s4;
	[dreg:$0x0] =	wrdreg $0x0  }
0xa8: {  	s4 =	sshll.u32 s28, $0x1;
	[dreg:$0x2] =	wrdreg s2  }
0xa9: {  	[dreg:$0x3] =	wrdreg s4  }
0xaa: {  	[dreg:$0x4] =	wrdreg $0xC0  }
0xab: {  	_ =	task [dreg:s6], $0x5FFFF  }
0xac: {  	[dreg:$0x1] =	wrdreg $0xFFFFFFFF  }
0xad: {  	[dreg:$0x0] =	wrdreg $0x60  }
0xae: {  	[dreg:$0x2] =	wrdreg s24  }
0xaf: {  	[dreg:$0x3] =	wrdreg $0x1ADB00  }
0xb0: {  	[dreg:$0x4] =	wrdreg $0x9  }
0xb1: {  	_ =	task.clear_ibuf [dreg:s6], $0x5FFFF;
	_ =	strace $0x9000004C  }
0xb2: {  	s29 =	simm.s32 $0x9;
	_ =	strace $0x8000004E  }
0xb3: {  	_ =	swait.ge [sflag:s29], $0x1  }
0xb4: {  	[sflag:s29] =	ssyncadd.s32 $0xFFFFFFFF  }
0xb5: {  	_ =	strace $0x9000004E  }
0xb6: {  	_ =	sfence  }
0xb7: {  	s30 =	sld [smem:$0x0];
	_ =	sdelay $0x2  }
0xb8: {  	s31 =	sshll.u32 s1, $0xD;
	s1 =	sshrl.u32 s1, $0x2  }
0xb9: {  	s3 =	sand.u32 $0x4000, s31;
	s1 =	sadd.s32 s1, s30  }
0xba: {  	s0 =	sor.u32 s3, s0;
	s1 =	sshll.u32 s1, $0x11  }
0xbb: {  	s0 =	sor.u32 s1, s0  }
0xbc: {  	s0 =	sadd.s32 $0x8F2B, s0  }
0xbd: {  	[sflag:s0] =	ssyncadd.remote.s32 $0x1  }
0xbe: {  	_ =	sfence.sel $0xFFFF  }
0xbf: {  	[dreg:$0x0] =	wrdreg $0xFFFFFFFF;
	(pc) =	sbr.abs _section_cstart, $3  }
0xc0: {  	[dreg:$0x1] =	wrdreg $0xFFFFFFFF  }
0xc1: {  	_ =	task.clear_ibuf [dreg:s6], $0x2FFFF;
	_ =	strace $0x9FFFFFFF  }
0xc2: {  	(tm) =	ssettm $0x7FFFFFFF  }
0xc3: {  	_ =	shalt  }
tec
execute0_lowered:
.L_overlay_start_1:
0x0: {  	(tag) =	ssettag $0x1  }
0x1: {  	s0 =	rddreg [dreg:$0x0]  }
0x2: {  	s1 =	rddreg [dreg:$0x1];
	s3 =	simm.s32 $0x0;
	s2 =	srdreg.scid  }
0x3: {  	s4 =	stileid.u32;
	s16 =	simm.s32 $0x3;
	s17 =	simm.s32 $0x3E8  }
0x4: {  	s20 =	simm.s32 $0x84D0;
	s21 =	simm.s32 $0x186A0;
	s22 =	simm.s32 $0xC350  }
0x5: {  	s23 =	simm.s32 $0x4;
	s28 =	simm.s32 $0x14820;
	s29 =	simm.s32 $0x1  }
0x6: {  	s30 =	simm.s32 $0x2;
	s31 =	simm.s32 $0x0;
	[smem:$0x7FF] =	sst s3  }
0x7: {  	s2 =	sand.u32 $0x1, s2;
	s9 =	smul.u32 $0x2710, s4;
	s4 =	sshll.u32 s4, $0x1  }
0x8: {  	s5 =	sadd.s32 $0x7200, s0;
	s6 =	sadd.s32 $0xC200, s0;
	s7 =	sadd.s32 $0x8B000, s0  }
0x9: {  	_ =	strace $0x8000004D;
	s8 =	smul.u32 $0x27100, s2;
	s10 =	sor.u32 s2, s4  }
0xa: {  	s4 =	sadd.s32 $0x77600, s0;
	s2 =	ssub.s32 $0x2, s2;
	s11 =	smul.u32 $0x3E8, s10  }
0xb: {  	s25 =	sshrl.u32 s2, $0x1;
	s13 =	smul.u32 $0x7D0, s10;
	s15 =	sor.u32 $0x20, s10  }
0xc: {  	s8 =	sadd.s32 s9, s8;
	s2 =	ssub.s32 s2, s25;
	s25 =	simm.s32 $0xCB20  }
0xd: {  	s12 =	sshrl.u32 s8, $0x3;
	s24 =	sshrl.u32 s11, $0x3;
	s26 =	sadd.s32 s7, s13  }
0xe: {  	s11 =	sadd.s32 s9, s1;
	s14 =	smax.u32 s2, $0x1;
	s8 =	sadd.s32 s4, s24  }
0xf: {  	s0 =	sadd.s32 s12, s0;
	[dreg:$0x5] =	wrdreg s26;
	s12 =	sor.u32 $0x40, s10  }
0x10: {  	s24 =	simm.s32 $0xC738;
	[dreg:$0x3] =	wrdreg s8;
	s8 =	sadd.s32 $0x9C40, s8  }
0x11: {  	v0 =	vimm.f32 $0.0e+00;
	s26 =	simm.s32 $0x109A0;
	s13 =	sadd.s32 $0x11200, s0;
	[dreg:$0x4] =	wrdreg s8  }
.LBB2_1:
0x12: {  	s0 =	rddreg [dreg:$0x3]  }
0x13: {  	[tilespmem:s3], [sflag:$0x3] =	stream.linear.gather [hbm4b:s0+s3], $0x3E8, $0x38;
	[tilespmem:$0x1D4C0] =	vst v63  }
0x14: {  	_ =	swait.ge [sflag:s16], $0x3E8  }
0x15: {  	[sflag:s16] =	ssyncset.done $0x0  }
0x16: {  	s9 =	rddreg [dreg:$0x4];
	[sflag:s16] =	ssyncadd.s32 $0xFFFFFC18  }
0x17: {  	[tilespmem:s17], [sflag:$0x3] =	stream.linear.gather [hbm4b:s9+s3], $0x3E8, $0x38;
	[tilespmem:$0x1D4C0] =	vst v63  }
0x18: {  	_ =	swait.ge [sflag:s16], $0x3E8  }
0x19: {  	[sflag:s16] =	ssyncset.done $0x0  }
0x1a: {  	s10 =	simm.s32 $0x7D0;
	[sflag:s16] =	ssyncadd.s32 $0xFFFFFC18  }
0x1b: {  	[tilespmem:s10], [sflag:$0x1] =	stream.indirect.gather [hbm4b:s5+s17], $0x10, s3, s17, $0xb8;
	[tilespmem:$0x1D4C0] =	vst v63  }
0x1c: {  	s18 =	simm.s32 $0x4650  }
0x1d: {  	[tilespmem:s18], [sflag:$0x1] =	stream.indirect.gather [hbm4b:s6+s17], $0x10, s17, s17, $0xb8;
	[tilespmem:$0x1D4C0] =	vst v63  }
0x1e: {  	s2 =	simm.s32 $0x0;
	s0 =	simm.s32 $0x40;
	s19 =	rddreg [dreg:$0x5]  }
0x1f: {  	[tilespmem:s20], [sflag:$0x1] =	stream.linear.gather [hbm4b:s19+s3], $0x3E80, $0x38;
	[tilespmem:$0x1D4C0] =	vst v63  }
.LBB2_2:
0x20: {  	p0 =	sne.s32 s0, $0x9C00;
	[tilespmem:s2+$0x186A0] =	vst v0;
	s2 =	smov.u32 s0;
	s0 =	sadd.s32 $0x40, s0  }
.Ltmp0:
0x21: {  	(pc) =	sbr.rel @p0 .LBB2_2-.Ltmp0, $2  }
0x22: {  	_ =	sdelay $0x2  }
0x23: {  	s2 =	sshra.s32 s2, $0x2  }
0x24: {  	[tilespmem:s2+$0x186A0] =	vst v0  }
0x25: {  	[spmem:s11] =	stream.linear.scatter [tilespmem:s21], [sflag:$0x3], $0x2710, $0x38;
	[tilespmem:$0x1D4C0] =	vst v63  }
0x26: {  	_ =	swait.ge [sflag:s16], $0x2710  }
0x27: {  	[sflag:s16] =	ssyncset.done $0x0  }
0x28: {  	[sflag:s16] =	ssyncadd.s32 $0xFFFFD8F0  }
0x29: {  	s0 =	simm.s32 $0x0;
	s2 =	simm.s32 $0x0;
	[bflag:$0x0] =	sbarrier.arrive $0xFFFF  }
.LBB2_4:
0x2a: {  	s18 =	sshll.u32 s2, $0x6  }
0x2b: {  	s9 =	sor.u32 s15, s18  }
0x2c: {  	s10 =	smul.u32 $0x3E8, s9;
	_ =	sdelay $0x1  }
0x2d: {  	s10 =	sshrl.u32 s10, $0x3  }
0x2e: {  	s10 =	sadd.s32 s4, s10  }
0x2f: {  	[tilespmem:s22], [sflag:$0x4] =	stream.linear.gather [hbm4b:s10+s0], $0x3E8, $0x38;
	[tilespmem:$0x1D4C0] =	vst v63  }
0x30: {  	_ =	swait.ge [sflag:s23], $0x3E8  }
0x31: {  	[sflag:s23] =	ssyncset.done $0x0  }
0x32: {  	s10 =	sadd.s32 $0x9C40, s10;
	[sflag:s23] =	ssyncadd.s32 $0xFFFFFC18  }
0x33: {  	[tilespmem:s24], [sflag:$0x4] =	stream.linear.gather [hbm4b:s10+s0], $0x3E8, $0x38;
	[tilespmem:$0x1D4C0] =	vst v63  }
0x34: {  	_ =	swait.ge [sflag:s23], $0x3E8  }
0x35: {  	[sflag:s23] =	ssyncset.done $0x0  }
0x36: {  	[sflag:s23] =	ssyncadd.s32 $0xFFFFFC18  }
0x37: {  	[tilespmem:s25], [sflag:$0x2] =	stream.indirect.gather [hbm4b:s5+s17], $0x10, s22, s17, $0xb8;
	[tilespmem:$0x1D4C0] =	vst v63  }
0x38: {  	s9 =	smul.u32 $0x7D0, s9  }
0x39: {  	[tilespmem:s26], [sflag:$0x2] =	stream.indirect.gather [hbm4b:s6+s17], $0x10, s24, s17, $0xb8;
	[tilespmem:$0x1D4C0] =	vst v63  }
0x3a: {  	s9 =	sadd.s32 s7, s9  }
0x3b: {  	[tilespmem:s28], [sflag:$0x2] =	stream.linear.gather [hbm4b:s9+s0], $0x3E80, $0x38;
	[tilespmem:$0x1D4C0] =	vst v63  }
0x3c: {  	_ =	swait.ge [sflag:s29], $0x3E80  }
0x3d: {  	[sflag:s29] =	ssyncset.done $0x0  }
0x3e: {  	[sflag:s29] =	ssyncadd.s32 $0xFFFFC180  }
0x3f: {  	_ =	swait.ge [sflag:s29], $0x3E80  }
0x40: {  	[sflag:s29] =	ssyncset.done $0x0  }
0x41: {  	[sflag:s29] =	ssyncadd.s32 $0xFFFFC180  }
0x42: {  	_ =	swait.ge [sflag:s29], $0x3E80  }
0x43: {  	[sflag:s29] =	ssyncset.done $0x0  }
0x44: {  	s19 =	simm.s32 $0x0;
	[sflag:s29] =	ssyncadd.s32 $0xFFFFC180  }
0x45: {  	v1 =	vld [tilespmem:s19+$0x7D0]  }
0x46: {  	v2 =	vld [tilespmem:s19+$0x4650];
	_ =	sdelay $0x1  }
0x47: {  	v3 =	vld [tilespmem:s19+$0x84D0];
	_ =	sdelay $0x2  }
0x48: {  	v1 =	vadd.f32 v2, v1;
	_ =	sdelay $0x1  }
0x49: {  	s9 =	simm.s32 $0x10;
	v2 =	vadd.f32 v3, v1  }
0x4a: {  	s10 =	simm.s32 $0x80;
	v1 =	vld [tilespmem:s9+$0x7D0]  }
.LBB2_5:
0x4b: {  	p0 =	sne.s32 s10, $0xF9C0;
	v3 =	vld [tilespmem:s9+$0x4650];
	v2 =	vmax.f32 v2, $0.0e+00  }
0x4c: {  	[tilespmem:s19+$0x84D0] =	vst v2;
	s19 =	smov.u32 s9  }
0x4d: {  	v2 =	vld [tilespmem:s19+$0x84D0];
	_ =	sdelay $0x1  }
.Ltmp1:
0x4e: {  	(pc) =	sbr.rel @p0 .LBB2_5-.Ltmp1, $3  }
0x4f: {  	v1 =	vadd.f32 v3, v1;
	_ =	sdelay $0x1  }
0x50: {  	s9 =	sshra.s32 s10, $0x2;
	v2 =	vadd.f32 v2, v1  }
0x51: {  	s10 =	sadd.s32 $0x40, s10;
	v1 =	vld [tilespmem:s9+$0x7D0]  }
0x52: {  	v3 =	vld [tilespmem:s9+$0x4650];
	v2 =	vmax.f32 v2, $0.0e+00  }
0x53: {  	[tilespmem:s19+$0x84D0] =	vst v2  }
0x54: {  	v2 =	vld [tilespmem:s9+$0x84D0];
	_ =	sdelay $0x2  }
0x55: {  	v1 =	vadd.f32 v3, v1;
	_ =	sdelay $0x1  }
0x56: {  	v1 =	vadd.f32 v2, v1;
	_ =	sdelay $0x1  }
0x57: {  	p0 =	seq.s32 s2, $0x4;
	v1 =	vmax.f32 v1, $0.0e+00  }
0x58: {  	[tilespmem:s9+$0x84D0] =	vst v1;
	s9 =	sadd.s32 @!p0 s12, s18  }
0x59: {  	[spmem:s1] =	stream.indirect.scatter.add.f32 [tilespmem:s20], [sflag:$0x4], $0x10, s17, s17, $0xb8;
	[tilespmem:$0x1D4C0] =	vst v63  }
0x5a: {  	s10 =	smul.u32 @!p0 $0x3E8, s9  }
0x5b: {  	_ =	swait.ge [sflag:s23], $0x3E80  }
0x5c: {  	s19 =	simm.s32 @!p0 $0x4;
	[sflag:s23] =	ssyncset.done $0x0;
	s10 =	sshrl.u32 @!p0 s10, $0x3  }
0x5d: {  	s18 =	simm.s32 @!p0 $0x0;
	[sflag:s23] =	ssyncadd.s32 $0xFFFFC180;
	s10 =	sadd.s32 @!p0 s4, s10  }
0x5e: {  	[tilespmem:s18], [sflag:$0x4] =	stream.linear.gather @!p0 [hbm4b:s10+s18], $0x3E8, $0x38;
	[tilespmem:$0x1D4C0] =	vst v63  }
0x5f: {  	_ =	swait.ge @!p0 [sflag:s19], $0x3E8  }
0x60: {  	[sflag:s19] =	ssyncset.done @!p0 $0x0  }
0x61: {  	s8 =	simm.s32 @!p0 $0x3E8;
	s10 =	sadd.s32 @!p0 $0x9C40, s10;
	[sflag:s19] =	ssyncadd.s32 @!p0 $0xFFFFFC18  }
0x62: {  	[tilespmem:s8], [sflag:$0x4] =	stream.linear.gather @!p0 [hbm4b:s10+s18], $0x3E8, $0x38;
	[tilespmem:$0x1D4C0] =	vst v63  }
0x63: {  	_ =	swait.ge @!p0 [sflag:s19], $0x3E8  }
0x64: {  	[sflag:s19] =	ssyncset.done @!p0 $0x0  }
0x65: {  	s10 =	simm.s32 @!p0 $0x7D0;
	[sflag:s19] =	ssyncadd.s32 @!p0 $0xFFFFFC18  }
0x66: {  	[tilespmem:s10], [sflag:$0x1] =	stream.indirect.gather @!p0 [hbm4b:s5+s8], $0x10, s18, s8, $0xb8;
	[tilespmem:$0x1D4C0] =	vst v63  }
0x67: {  	s9 =	smul.u32 @!p0 $0x7D0, s9;
	s10 =	simm.s32 @!p0 $0x4650  }
0x68: {  	[tilespmem:s10], [sflag:$0x1] =	stream.indirect.gather @!p0 [hbm4b:s6+s8], $0x10, s8, s8, $0xb8;
	[tilespmem:$0x1D4C0] =	vst v63  }
0x69: {  	s8 =	sadd.s32 @!p0 s7, s9;
	s9 =	simm.s32 @!p0 $0x84D0  }
0x6a: {  	[tilespmem:s9], [sflag:$0x1] =	stream.linear.gather @!p0 [hbm4b:s8+s18], $0x3E80, $0x38;
	[tilespmem:$0x1D4C0] =	vst v63  }
0x6b: {  	_ =	swait.ge [sflag:s30], $0x3E80  }
0x6c: {  	[sflag:s30] =	ssyncset.done $0x0  }
0x6d: {  	[sflag:s30] =	ssyncadd.s32 $0xFFFFC180  }
0x6e: {  	_ =	swait.ge [sflag:s30], $0x3E80  }
0x6f: {  	[sflag:s30] =	ssyncset.done $0x0  }
0x70: {  	[sflag:s30] =	ssyncadd.s32 $0xFFFFC180  }
0x71: {  	_ =	swait.ge [sflag:s30], $0x3E80  }
0x72: {  	[sflag:s30] =	ssyncset.done $0x0  }
0x73: {  	s18 =	simm.s32 $0x0;
	[sflag:s30] =	ssyncadd.s32 $0xFFFFC180  }
0x74: {  	v1 =	vld [tilespmem:s18+$0xCB20]  }
0x75: {  	v2 =	vld [tilespmem:s18+$0x109A0];
	_ =	sdelay $0x1  }
0x76: {  	v3 =	vld [tilespmem:s18+$0x14820];
	_ =	sdelay $0x2  }
0x77: {  	v1 =	vadd.f32 v2, v1;
	_ =	sdelay $0x1  }
0x78: {  	s9 =	simm.s32 $0x10;
	v2 =	vadd.f32 v3, v1  }
0x79: {  	s10 =	simm.s32 $0x80;
	v1 =	vld [tilespmem:s9+$0xCB20]  }
.LBB2_7:
0x7a: {  	p0 =	sne.s32 s10, $0xF9C0;
	v3 =	vld [tilespmem:s9+$0x109A0];
	v2 =	vmax.f32 v2, $0.0e+00  }
0x7b: {  	[tilespmem:s18+$0x14820] =	vst v2;
	s18 =	smov.u32 s9  }
0x7c: {  	v2 =	vld [tilespmem:s18+$0x14820];
	_ =	sdelay $0x1  }
.Ltmp2:
0x7d: {  	(pc) =	sbr.rel @p0 .LBB2_7-.Ltmp2, $3  }
0x7e: {  	v1 =	vadd.f32 v3, v1;
	_ =	sdelay $0x1  }
0x7f: {  	s9 =	sshra.s32 s10, $0x2;
	v2 =	vadd.f32 v2, v1  }
0x80: {  	s10 =	sadd.s32 $0x40, s10;
	v1 =	vld [tilespmem:s9+$0xCB20]  }
0x81: {  	v3 =	vld [tilespmem:s9+$0x109A0];
	v2 =	vmax.f32 v2, $0.0e+00  }
0x82: {  	[tilespmem:s18+$0x14820] =	vst v2  }
0x83: {  	v2 =	vld [tilespmem:s9+$0x14820];
	_ =	sdelay $0x2  }
0x84: {  	v1 =	vadd.f32 v3, v1;
	_ =	sdelay $0x1  }
0x85: {  	v1 =	vadd.f32 v2, v1  }
0x86: {  	s2 =	sadd.s32 $0x1, s2  }
0x87: {  	p0 =	sne.s32 s2, $0x5;
	v1 =	vmax.f32 v1, $0.0e+00  }
.Ltmp3:
0x88: {  	[tilespmem:s9+$0x14820] =	vst v1;
	(pc) =	sbr.rel @p0 .LBB2_4-.Ltmp3, $4  }
0x89: {  	[spmem:s1] =	stream.indirect.scatter.add.f32 [tilespmem:s28], [sflag:$0x3], $0x10, s24, s17, $0xb8;
	[tilespmem:$0x1D4C0] =	vst v63  }
0x8a: {  	_ =	swait.ge [sflag:s16], $0x3E80  }
0x8b: {  	[sflag:s16] =	ssyncset.done $0x0  }
0x8c: {  	[sflag:s16] =	ssyncadd.s32 $0xFFFFC180  }
0x8d: {  	[bflag:$0x0] =	sbarrier.arrive $0xFFFF  }
0x8e: {  	[tilespmem:s21], [sflag:$0x3] =	stream.linear.gather [spmem:s11], $0x2710, $0x38;
	[tilespmem:$0x1D4C0] =	vst v63  }
0x8f: {  	s31 =	sadd.s32 $0x1, s31;
	_ =	swait.ge [sflag:s16], $0x2710  }
0x90: {  	p0 =	sne.s32 s31, s14;
	[sflag:s16] =	ssyncset.done $0x0  }
.Ltmp4:
0x91: {  	[sflag:s16] =	ssyncadd.s32 $0xFFFFD8F0;
	(pc) =	sbr.rel @p0 .LBB2_1-.Ltmp4, $4  }
0x92: {  	[hbm4b:s13+s3] =	stream.linear.scatter [tilespmem:s21], [sflag:$0x3], $0x2710, $0x38;
	[tilespmem:$0x1D4C0] =	vst v63  }
0x93: {  	_ =	swait.ge [sflag:s16], $0x2710  }
0x94: {  	[sflag:s16] =	ssyncset.done $0x0  }
0x95: {  	[sflag:s16] =	ssyncadd.s32 $0xFFFFD8F0  }
0x96: {  	_ =	sfence.sel $0x180000  }
0x97: {  	[bflag:$0x0] =	sbarrier.arrive $0xFFFF  }
0x98: {  	_ =	strace $0x9000004D  }
0x99: {  	s0 =	stileid.u32;
	[bflag:$0x2] =	sbarrier.arrive $0xFFFF  }
0x9a: {  	p0 =	sne.s32 s0, $0x0;
	s0 =	rddreg [dreg:$0x2]  }
0x9b: {  	s0 =	sadd.s32 @!p0 $0x100000, s0  }
0x9c: {  	[sflag:s0] =	ssyncadd.tile.s32 @!p0 $0x1;
	_ =	shalt  }
.Lfunc_end2:
_tile_overlayer_lowered:
.L_overlay_start_2:
0x9d: {  	(tag) =	ssettag $0x2  }
0x9e: {  	s0 =	rddreg [dreg:$0x0];
	s2 =	stileid.u32  }
0x9f: {  	s1 =	rddreg [dreg:$0x1];
	p0 =	sne.s32 s2, $0x0  }
0xa0: {  	s3 =	rddreg [dreg:$0x2];
	[bflag:$0x3] =	sbarrier.arrive $0xFFFF;
	s2 =	simm.s32 @!p0 $0x1C03  }
0xa1: {  	[timem:s3], [sflag:s2] =	dma.local @!p0 [hbm:s0], s1  }
0xa2: {  	s0 =	simm.s32 @!p0 $0x3  }
0xa3: {  	_ =	swait.ge @!p0 [sflag:s0], s1  }
0xa4: {  	s1 =	ssub.s32 @!p0 $0x0, s1;
	[sflag:s0] =	ssyncset.done @!p0 $0x0  }
0xa5: {  	[sflag:s0] =	ssyncadd.s32 @!p0 s1  }
0xa6: {  	[bflag:$0x3] =	sbarrier.arrive $0xFFFF  }
0xa7: {  	_ =	shalt  }

</sc_bundles>
